<compile_context>
chip_gen: v7x
topology: tpu7x:2x2x1
jax: 0.10.2.dev20260603
libtpu: 0.0.44.dev20260713+nightly
codegen_flags: <defaults>
</compile_context>

<pallas_src>
import functools

import jax
import jax.numpy as jnp
from jax import lax
from jax.experimental import pallas as pl
from jax.experimental.pallas import tpu as pltpu
from jax.experimental.pallas import tpu_sc as plsc

_N = 8192
_D = 128
_Q = 65536
_NC = 2
_NS = 16
_DG = _D // _NS
_QPH = _Q // _NC
_QSH = _QPH // _NS
_CQ = 512
_L = 16

def _weight_t_body(emb_ref, bias_ref, sw_ref, o_ref):
    o_ref[...] = jnp.transpose((emb_ref[...] + bias_ref[...]) * sw_ref[...])


def _make_weighted_t(emb, bias, sw):
    return pl.pallas_call(
        _weight_t_body,
        out_shape=jax.ShapeDtypeStruct((_D, _N), jnp.float32),
    )(emb, bias, sw.reshape(1, _D))


def _sc_body(wt_hbm, t_hbm, tens_hbm, curv_hbm, out_hbm,
             tbl_v, tens_v, curv_v, t_own, all5,
             sh_all, bufIA, bufIB,
             outA, outB, semIA, semIB, semOA, semOB):
    h = lax.axis_index("c")
    s = lax.axis_index("s")
    qhalf = h * _QPH

    pltpu.sync_copy(wt_hbm.at[pl.ds(s * _DG, _DG)], tbl_v)
    pltpu.sync_copy(tens_hbm, tens_v)
    pltpu.sync_copy(curv_hbm, curv_v)
    pltpu.sync_copy(t_hbm.at[pl.ds(qhalf + s * _QSH, _QSH)], t_own)

    lanes = lax.iota(jnp.int32, _L)

    def pre(k, carry):
        sl = pl.ds(k * _L, _L)
        tv = t_own[sl]
        ts = tv * float(_N - 1)
        seg = jnp.clip(ts.astype(jnp.int32), 0, _N - 2)
        tl = ts - seg.astype(jnp.float32)
        tens = plsc.load_gather(tens_v, [seg])
        sig = 1.0 / (1.0 + jnp.exp(-tens))
        c1 = plsc.load_gather(curv_v, [seg])
        c2 = plsc.load_gather(curv_v, [seg + 1])
        t2 = tl * tl
        t3 = t2 * tl
        v0 = (-0.5 * t3 + t2 - 0.5 * tl) * sig
        v1 = (1.5 * t3 - 2.5 * t2 + 1.0) * c1
        v2 = (-1.5 * t3 + 2.0 * t2 + 0.5 * tl) * c2
        v3 = (0.5 * t3 - 0.5 * t2) * sig
        rcp = 1.0 / (v0 + v1 + v2 + v3)
        base = k * (5 * _L)
        all5[pl.ds(base, _L)] = plsc.bitcast(seg, jnp.float32)
        all5[pl.ds(base + _L, _L)] = v0 * rcp
        all5[pl.ds(base + 2 * _L, _L)] = v1 * rcp
        all5[pl.ds(base + 3 * _L, _L)] = v2 * rcp
        all5[pl.ds(base + 4 * _L, _L)] = v3 * rcp
        return carry

    lax.fori_loop(0, _QSH // _L, pre, 0)
    pltpu.sync_copy(all5, sh_all.at[s])
    plsc.subcore_barrier()

    def blend(buf, out_v):
        def bg(g, carry):
            base = g * (5 * _L)
            segb = buf[pl.ds(base, _L)]
            w0 = buf[pl.ds(base + _L, _L)]
            w1 = buf[pl.ds(base + 2 * _L, _L)]
            w2 = buf[pl.ds(base + 3 * _L, _L)]
            w3 = buf[pl.ds(base + 4 * _L, _L)]
            seg = plsc.bitcast(segb, jnp.int32)
            r0 = jnp.maximum(seg - 1, 0)
            r2 = seg + 1
            r3 = jnp.minimum(seg + 2, _N - 1)
            qrow = g * _L + lanes
            for half in range(2):
                loaded = []
                for d in range(half * 4, half * 4 + 4):
                    cd = jnp.full((_L,), d, jnp.int32)
                    loaded.append((cd,
                                   plsc.load_gather(tbl_v, [cd, r0]),
                                   plsc.load_gather(tbl_v, [cd, seg]),
                                   plsc.load_gather(tbl_v, [cd, r2]),
                                   plsc.load_gather(tbl_v, [cd, r3])))
                for cd, v0, v1, v2, v3 in loaded:
                    acc = (v0 * w0 + v1 * w1) + (v2 * w2 + v3 * w3)
                    plsc.store_scatter(out_v, [qrow, cd], acc)
            return carry

        lax.fori_loop(0, _CQ // _L, bg, 0, unroll=2)

    def fire_in(b, j, buf, sem):
        pltpu.async_copy(sh_all.at[b, pl.ds(j * (5 * _CQ), 5 * _CQ)], buf, sem)

    def drain_in(buf, sem):
        pltpu.make_async_copy(t_hbm.at[pl.ds(0, 5 * _CQ)], buf, sem).wait()

    def store(b, j, out_v, sem):
        qg = qhalf + b * _QSH + j * _CQ
        pltpu.async_copy(out_v, out_hbm.at[pl.ds(qg, _CQ), pl.ds(s * _DG, _DG)],
                         sem)

    def drain_store(out_v, sem):
        pltpu.make_async_copy(
            out_v, out_hbm.at[pl.ds(qhalf, _CQ), pl.ds(s * _DG, _DG)],
            sem).wait()

    fire_in(0, 0, bufIA, semIA)

    def body(b, carry):
        fire_in(b, 1, bufIB, semIB)
        drain_in(bufIA, semIA)

        @pl.when(b > 0)
        def _():
            drain_store(outA, semOA)

        blend(bufIA, outA)
        store(b, 0, outA, semOA)

        fire_in(b, 2, bufIA, semIA)
        drain_in(bufIB, semIB)

        @pl.when(b > 0)
        def _():
            drain_store(outB, semOB)

        blend(bufIB, outB)
        store(b, 1, outB, semOB)

        fire_in(b, 3, bufIB, semIB)
        drain_in(bufIA, semIA)
        drain_store(outA, semOA)
        blend(bufIA, outA)
        store(b, 2, outA, semOA)

        fire_in(jnp.minimum(b + 1, _NS - 1), 0, bufIA, semIA)
        drain_in(bufIB, semIB)
        drain_store(outB, semOB)
        blend(bufIB, outB)
        store(b, 3, outB, semOB)
        return carry

    lax.fori_loop(0, _NS, body, 0)
    drain_in(bufIA, semIA)
    drain_store(outA, semOA)
    drain_store(outB, semOB)


@functools.partial(
    pl.kernel,
    out_type=jax.ShapeDtypeStruct((_Q, _D), jnp.float32),
    mesh=plsc.VectorSubcoreMesh(core_axis_name="c", subcore_axis_name="s"),
    scratch_types=[
        pltpu.VMEM((_DG, _N), jnp.float32),
        pltpu.VMEM((_N,), jnp.float32),
        pltpu.VMEM((_N,), jnp.float32),
        pltpu.VMEM((_QSH,), jnp.float32),
        pltpu.VMEM((5 * _QSH,), jnp.float32),
        pltpu.VMEM_SHARED((_NS, 5 * _QSH), jnp.float32),
        pltpu.VMEM((5 * _CQ,), jnp.float32),
        pltpu.VMEM((5 * _CQ,), jnp.float32),
        pltpu.VMEM((_CQ, _DG), jnp.float32),
        pltpu.VMEM((_CQ, _DG), jnp.float32),
        pltpu.SemaphoreType.DMA,
        pltpu.SemaphoreType.DMA,
        pltpu.SemaphoreType.DMA,
        pltpu.SemaphoreType.DMA,
    ],
    compiler_params=pltpu.CompilerParams(
        needs_layout_passes=False, use_tc_tiling_on_sc=False),
)
def _sc_spline(wt_hbm, t_hbm, tens_hbm, curv_hbm, out_hbm, *scratch):
    _sc_body(wt_hbm, t_hbm, tens_hbm, curv_hbm, out_hbm, *scratch)


def kernel(word_embeddings, t_query, tension_params, semantic_weights,
           word_biases, curvature_controls):
    weighted = _make_weighted_t(word_embeddings, word_biases, semantic_weights)
    tens_pad = jnp.pad(tension_params, (0, 1))
    return _sc_spline(weighted, t_query, tens_pad, curvature_controls)

# --- scband reference (transcript-rebuilt; emitter-appended) ---
"""Pipeline reference for scband-learnable-splines-36086315221619 (READ-ONLY COPY).

The authoritative reference and input builder live on the scoring server;
editing this copy changes nothing except your own understanding.
"""

import jax, jax.numpy as jnp
import numpy as np

NUM_WORDS = 8192
EMBED_DIM = 128
NUM_SAMPLES = 65536


def setup_inputs(seed: int = 0) -> dict:
    key = jax.random.key(seed)
    k1, k2, k3, k4, k5, k6 = jax.random.split(key, 6)
    word_embeddings = jax.random.normal(k1, (NUM_WORDS, EMBED_DIM), dtype=jnp.float32)
    t_query = jax.random.uniform(k2, (NUM_SAMPLES,), dtype=jnp.float32)
    # learned parameters (init near module defaults, small perturbation for non-degenerate math)
    tension_params = jnp.ones((NUM_WORDS - 1,), jnp.float32) + 0.01 * jax.random.normal(k3, (NUM_WORDS - 1,), jnp.float32)
    semantic_weights = jnp.ones((EMBED_DIM,), jnp.float32) + 0.01 * jax.random.normal(k4, (EMBED_DIM,), jnp.float32)
    word_biases = 0.01 * jax.random.normal(k5, (NUM_WORDS, EMBED_DIM), jnp.float32)
    curvature_controls = jnp.ones((NUM_WORDS,), jnp.float32) + 0.01 * jax.random.normal(k6, (NUM_WORDS,), jnp.float32)
    return {
        "word_embeddings": word_embeddings,
        "t_query": t_query,
        "tension_params": tension_params,
        "semantic_weights": semantic_weights,
        "word_biases": word_biases,
        "curvature_controls": curvature_controls,
    }


def reference(word_embeddings, t_query, tension_params, semantic_weights, word_biases, curvature_controls):
    N, D = word_embeddings.shape
    adjusted = word_embeddings + word_biases
    weighted = adjusted * semantic_weights[None, :]
    t_words = jnp.linspace(0.0, 1.0, N)
    # segment index: floor(t * (N-1)) clipped to valid segment range (matches torch loop for t in (0,1))
    seg = jnp.clip(jnp.floor(t_query * (N - 1)).astype(jnp.int32), 0, N - 2)
    t_local = (t_query - t_words[seg]) / (t_words[seg + 1] - t_words[seg])
    p0 = weighted[jnp.maximum(seg - 1, 0)]
    p1 = weighted[seg]
    p2 = weighted[seg + 1]
    p3 = weighted[jnp.minimum(seg + 2, N - 1)]
    tension = jax.nn.sigmoid(tension_params[seg])
    c1 = curvature_controls[seg]
    c2 = curvature_controls[seg + 1]
    t = t_local
    t2 = t * t
    t3 = t2 * t
    v0 = (-0.5 * t3 + t2 - 0.5 * t) * tension
    v1 = (1.5 * t3 - 2.5 * t2 + 1.0) * c1
    v2 = (-1.5 * t3 + 2.0 * t2 + 0.5 * t) * c2
    v3 = (0.5 * t3 - 0.5 * t2) * tension
    total = v0 + v1 + v2 + v3
    v0, v1, v2, v3 = v0 / total, v1 / total, v2 / total, v3 / total
    interp = (v0[:, None] * p0 + v1[:, None] * p1 + v2[:, None] * p2 + v3[:, None] * p3)
    out = jnp.where((t_query <= 0.0)[:, None], weighted[0][None, :], interp)
    out = jnp.where((t_query >= 1.0)[:, None], weighted[-1][None, :], out)
    return out

if __name__ == "__main__":
    import jax
    _d = setup_inputs()
    print(jax.jit(kernel)(*tuple(_d.values())))

</pallas_src>

<mosaic_0001>
#map = affine_map<(d0, d1) -> (0, 0)>
#map1 = affine_map<(d0, d1) -> (0)>
module attributes {stable_mosaic.version = 14 : i64} {
  func.func @_sc_spline(%arg0: i32, %arg1: i32, %arg2: memref<128x8192xf32, #tpu.memory_space<hbm>>, %arg3: memref<65536xf32, #tpu.memory_space<hbm>>, %arg4: memref<8192xf32, #tpu.memory_space<hbm>>, %arg5: memref<8192xf32, #tpu.memory_space<hbm>>, %arg6: memref<65536x128xf32, #tpu.memory_space<hbm>>, %arg7: memref<8x8192xf32, #tpu.memory_space<vmem>>, %arg8: memref<8192xf32, #tpu.memory_space<vmem>>, %arg9: memref<8192xf32, #tpu.memory_space<vmem>>, %arg10: memref<2048xf32, #tpu.memory_space<vmem>>, %arg11: memref<10240xf32, #tpu.memory_space<vmem>>, %arg12: memref<16x10240xf32, #tpu.memory_space<vmem_shared>>, %arg13: memref<2560xf32, #tpu.memory_space<vmem>>, %arg14: memref<2560xf32, #tpu.memory_space<vmem>>, %arg15: memref<512x8xf32, #tpu.memory_space<vmem>>, %arg16: memref<512x8xf32, #tpu.memory_space<vmem>>, %arg17: memref<!tpu.dma_semaphore, #tpu.memory_space<semaphore_mem>>, %arg18: memref<!tpu.dma_semaphore, #tpu.memory_space<semaphore_mem>>, %arg19: memref<!tpu.dma_semaphore, #tpu.memory_space<semaphore_mem>>, %arg20: memref<!tpu.dma_semaphore, #tpu.memory_space<semaphore_mem>>) attributes {dimension_semantics = [#tpu.dimension_semantics<core_parallel>, #tpu.dimension_semantics<subcore_parallel>], iteration_bounds = array<i64: 2, 16>, scalar_prefetch = 0 : i64, scratch_operands = 14 : i64, tpu.core_type = #tpu.core_type<sc_vector_subcore>, window_params = [{transform_indices = #map}, {transform_indices = #map1}, {transform_indices = #map1}, {transform_indices = #map1}, {transform_indices = #map}]} {
    %mul3A = arith.constant 32768 : i32
    %mul3A_0 = arith.muli %arg0, %mul3A : i32
    %mul3A_1 = arith.constant 8 : i32
    %mul3A_2 = arith.muli %arg1, %mul3A_1 : i32
    "tpu.region"() ({
      %run_scoped3A = tpu.sem_alloc : memref<!tpu.dma_semaphore, #tpu.memory_space<semaphore_mem>>
      %dma_start3A_33 = arith.constant 0 : i32
      %dma_start3A_34 = tpu.memref_slice %arg2[%mul3A_2, %dma_start3A_33] : memref<128x8192xf32, #tpu.memory_space<hbm>> -> memref<8x8192xf32, #tpu.memory_space<hbm>>
      %dma_start3A_35 = arith.constant 0 : i32
      %dma_start3A_36 = tpu.memref_slice %arg2[%mul3A_2, %dma_start3A_35] : memref<128x8192xf32, #tpu.memory_space<hbm>> -> memref<8x8192xf32, #tpu.memory_space<hbm>>
      tpu.enqueue_dma source(%dma_start3A_36 : memref<8x8192xf32, #tpu.memory_space<hbm>>) target(%arg7 : memref<8x8192xf32, #tpu.memory_space<vmem>>) target_semaphore(%run_scoped3A : memref<!tpu.dma_semaphore, #tpu.memory_space<semaphore_mem>>)
      %dma_wait3A_37 = arith.constant 0 : i32
      %dma_wait3A_38 = tpu.memref_slice %arg2[%mul3A_2, %dma_wait3A_37] : memref<128x8192xf32, #tpu.memory_space<hbm>> -> memref<8x8192xf32, #tpu.memory_space<hbm>>
      %dma_wait3A_39 = arith.constant 0 : i32
      %dma_wait3A_40 = tpu.memref_slice %arg2[%mul3A_2, %dma_wait3A_39] : memref<128x8192xf32, #tpu.memory_space<hbm>> -> memref<8x8192xf32, #tpu.memory_space<hbm>>
      tpu.wait_dma2 semaphore(%run_scoped3A : memref<!tpu.dma_semaphore, #tpu.memory_space<semaphore_mem>>) src(%dma_wait3A_40 : memref<8x8192xf32, #tpu.memory_space<hbm>>) dst(%arg7 : memref<8x8192xf32, #tpu.memory_space<vmem>>)
      tpu.yield
    }) : () -> ()
    "tpu.region"() ({
      %run_scoped3A = tpu.sem_alloc : memref<!tpu.dma_semaphore, #tpu.memory_space<semaphore_mem>>
      tpu.enqueue_dma source(%arg4 : memref<8192xf32, #tpu.memory_space<hbm>>) target(%arg8 : memref<8192xf32, #tpu.memory_space<vmem>>) target_semaphore(%run_scoped3A : memref<!tpu.dma_semaphore, #tpu.memory_space<semaphore_mem>>)
      tpu.wait_dma2 semaphore(%run_scoped3A : memref<!tpu.dma_semaphore, #tpu.memory_space<semaphore_mem>>) src(%arg4 : memref<8192xf32, #tpu.memory_space<hbm>>) dst(%arg8 : memref<8192xf32, #tpu.memory_space<vmem>>)
      tpu.yield
    }) : () -> ()
    "tpu.region"() ({
      %run_scoped3A = tpu.sem_alloc : memref<!tpu.dma_semaphore, #tpu.memory_space<semaphore_mem>>
      tpu.enqueue_dma source(%arg5 : memref<8192xf32, #tpu.memory_space<hbm>>) target(%arg9 : memref<8192xf32, #tpu.memory_space<vmem>>) target_semaphore(%run_scoped3A : memref<!tpu.dma_semaphore, #tpu.memory_space<semaphore_mem>>)
      tpu.wait_dma2 semaphore(%run_scoped3A : memref<!tpu.dma_semaphore, #tpu.memory_space<semaphore_mem>>) src(%arg5 : memref<8192xf32, #tpu.memory_space<hbm>>) dst(%arg9 : memref<8192xf32, #tpu.memory_space<vmem>>)
      tpu.yield
    }) : () -> ()
    %mul3A_3 = arith.constant 2048 : i32
    %mul3A_4 = arith.muli %arg1, %mul3A_3 : i32
    %add3A = arith.addi %mul3A_0, %mul3A_4 : i32
    "tpu.region"() ({
      %run_scoped3A = tpu.sem_alloc : memref<!tpu.dma_semaphore, #tpu.memory_space<semaphore_mem>>
      %dma_start3A_33 = tpu.memref_slice %arg3[%add3A] : memref<65536xf32, #tpu.memory_space<hbm>> -> memref<2048xf32, #tpu.memory_space<hbm>>
      %dma_start3A_34 = tpu.memref_slice %arg3[%add3A] : memref<65536xf32, #tpu.memory_space<hbm>> -> memref<2048xf32, #tpu.memory_space<hbm>>
      tpu.enqueue_dma source(%dma_start3A_34 : memref<2048xf32, #tpu.memory_space<hbm>>) target(%arg10 : memref<2048xf32, #tpu.memory_space<vmem>>) target_semaphore(%run_scoped3A : memref<!tpu.dma_semaphore, #tpu.memory_space<semaphore_mem>>)
      %dma_wait3A_35 = tpu.memref_slice %arg3[%add3A] : memref<65536xf32, #tpu.memory_space<hbm>> -> memref<2048xf32, #tpu.memory_space<hbm>>
      %dma_wait3A_36 = tpu.memref_slice %arg3[%add3A] : memref<65536xf32, #tpu.memory_space<hbm>> -> memref<2048xf32, #tpu.memory_space<hbm>>
      tpu.wait_dma2 semaphore(%run_scoped3A : memref<!tpu.dma_semaphore, #tpu.memory_space<semaphore_mem>>) src(%dma_wait3A_36 : memref<2048xf32, #tpu.memory_space<hbm>>) dst(%arg10 : memref<2048xf32, #tpu.memory_space<vmem>>)
      tpu.yield
    }) : () -> ()
    %iota3A = tpu.iota {dimensions = array<i32: 0>} : vector<16xi32>
    %scan3A = arith.constant 0 : i32
    %scan3A_5 = arith.constant 0 : i32
    %scan3A_6 = arith.constant 128 : i32
    %scan3A_7 = arith.addi %scan3A_5, %scan3A_6 : i32
    %scan3A_8 = arith.constant 1 : i32
    scf.for %scan3A_33 = %scan3A_5 to %scan3A_7 step %scan3A_8  : i32 {
      %mul3A_34 = arith.constant 16 : i32
      %mul3A_35 = arith.muli %scan3A_33, %mul3A_34 : i32
      %get3A = arith.index_cast %mul3A_35 : i32 to index
      %get3A_36 = tpu.vector_load %arg10[%get3A] {strides = array<i32>} : memref<2048xf32, #tpu.memory_space<vmem>>, vector<16xf32>,
      %mul3A_37 = arith.constant 8.191000e+03 : f32
      %mul3A_38 = vector.broadcast %mul3A_37 : f32 to vector<16xf32>
      %mul3A_39 = arith.mulf %get3A_36, %mul3A_38 : vector<16xf32>
      %convert_element_type3A = arith.fptosi %mul3A_39 : vector<16xf32> to vector<16xi32>
      %jit3A = arith.constant 0 : i32
      %jit3A_40 = arith.constant 8190 : i32
      %max3A = vector.broadcast %jit3A : i32 to vector<16xi32>
      %max3A_41 = arith.maxsi %max3A, %convert_element_type3A : vector<16xi32>
      %min3A = vector.broadcast %jit3A_40 : i32 to vector<16xi32>
      %min3A_42 = arith.minsi %min3A, %max3A_41 : vector<16xi32>
      %convert_element_type3A_43 = arith.sitofp %min3A_42 : vector<16xi32> to vector<16xf32>
      %sub3A = arith.subf %mul3A_39, %convert_element_type3A_43 : vector<16xf32>
      %gather3A = tpu.vector_load_idx %arg8[%min3A_42] : memref<8192xf32, #tpu.memory_space<vmem>>[vector<16xi32>], vector<16xf32>,
      %neg3A = arith.constant 0.000000e+00 : f32
      %neg3A_44 = vector.broadcast %neg3A : f32 to vector<16xf32>
      %neg3A_45 = arith.subf %neg3A_44, %gather3A : vector<16xf32>
      %exp3A = math.exp %neg3A_45 : vector<16xf32>
      %add3A_46 = arith.constant 1.000000e+00 : f32
      %add3A_47 = vector.broadcast %add3A_46 : f32 to vector<16xf32>
      %add3A_48 = arith.addf %add3A_47, %exp3A : vector<16xf32>
      %div3A = arith.constant 1.000000e+00 : f32
      %div3A_49 = vector.broadcast %div3A : f32 to vector<16xf32>
      %div3A_50 = arith.divf %div3A_49, %add3A_48 : vector<16xf32>
      %gather3A_51 = tpu.vector_load_idx %arg9[%min3A_42] : memref<8192xf32, #tpu.memory_space<vmem>>[vector<16xi32>], vector<16xf32>,
      %add3A_52 = arith.constant 1 : i32
      %add3A_53 = vector.broadcast %add3A_52 : i32 to vector<16xi32>
      %add3A_54 = arith.addi %min3A_42, %add3A_53 : vector<16xi32>
      %gather3A_55 = tpu.vector_load_idx %arg9[%add3A_54] : memref<8192xf32, #tpu.memory_space<vmem>>[vector<16xi32>], vector<16xf32>,
      %mul3A_56 = arith.mulf %sub3A, %sub3A : vector<16xf32>
      %mul3A_57 = arith.mulf %mul3A_56, %sub3A : vector<16xf32>
      %mul3A_58 = arith.constant -5.000000e-01 : f32
      %mul3A_59 = vector.broadcast %mul3A_58 : f32 to vector<16xf32>
      %mul3A_60 = arith.mulf %mul3A_59, %mul3A_57 : vector<16xf32>
      %add3A_61 = arith.addf %mul3A_60, %mul3A_56 : vector<16xf32>
      %mul3A_62 = arith.constant 5.000000e-01 : f32
      %mul3A_63 = vector.broadcast %mul3A_62 : f32 to vector<16xf32>
      %mul3A_64 = arith.mulf %mul3A_63, %sub3A : vector<16xf32>
      %sub3A_65 = arith.subf %add3A_61, %mul3A_64 : vector<16xf32>
      %mul3A_66 = arith.mulf %sub3A_65, %div3A_50 : vector<16xf32>
      %mul3A_67 = arith.constant 1.500000e+00 : f32
      %mul3A_68 = vector.broadcast %mul3A_67 : f32 to vector<16xf32>
      %mul3A_69 = arith.mulf %mul3A_68, %mul3A_57 : vector<16xf32>
      %mul3A_70 = arith.constant 2.500000e+00 : f32
      %mul3A_71 = vector.broadcast %mul3A_70 : f32 to vector<16xf32>
      %mul3A_72 = arith.mulf %mul3A_71, %mul3A_56 : vector<16xf32>
      %sub3A_73 = arith.subf %mul3A_69, %mul3A_72 : vector<16xf32>
      %add3A_74 = arith.constant 1.000000e+00 : f32
      %add3A_75 = vector.broadcast %add3A_74 : f32 to vector<16xf32>
      %add3A_76 = arith.addf %sub3A_73, %add3A_75 : vector<16xf32>
      %mul3A_77 = arith.mulf %add3A_76, %gather3A_51 : vector<16xf32>
      %mul3A_78 = arith.constant -1.500000e+00 : f32
      %mul3A_79 = vector.broadcast %mul3A_78 : f32 to vector<16xf32>
      %mul3A_80 = arith.mulf %mul3A_79, %mul3A_57 : vector<16xf32>
      %mul3A_81 = arith.constant 2.000000e+00 : f32
      %mul3A_82 = vector.broadcast %mul3A_81 : f32 to vector<16xf32>
      %mul3A_83 = arith.mulf %mul3A_82, %mul3A_56 : vector<16xf32>
      %add3A_84 = arith.addf %mul3A_80, %mul3A_83 : vector<16xf32>
      %mul3A_85 = arith.constant 5.000000e-01 : f32
      %mul3A_86 = vector.broadcast %mul3A_85 : f32 to vector<16xf32>
      %mul3A_87 = arith.mulf %mul3A_86, %sub3A : vector<16xf32>
      %add3A_88 = arith.addf %add3A_84, %mul3A_87 : vector<16xf32>
      %mul3A_89 = arith.mulf %add3A_88, %gather3A_55 : vector<16xf32>
      %mul3A_90 = arith.constant 5.000000e-01 : f32
      %mul3A_91 = vector.broadcast %mul3A_90 : f32 to vector<16xf32>
      %mul3A_92 = arith.mulf %mul3A_91, %mul3A_57 : vector<16xf32>
      %mul3A_93 = arith.constant 5.000000e-01 : f32
      %mul3A_94 = vector.broadcast %mul3A_93 : f32 to vector<16xf32>
      %mul3A_95 = arith.mulf %mul3A_94, %mul3A_56 : vector<16xf32>
      %sub3A_96 = arith.subf %mul3A_92, %mul3A_95 : vector<16xf32>
      %mul3A_97 = arith.mulf %sub3A_96, %div3A_50 : vector<16xf32>
      %add3A_98 = arith.addf %mul3A_66, %mul3A_77 : vector<16xf32>
      %add3A_99 = arith.addf %add3A_98, %mul3A_89 : vector<16xf32>
      %add3A_100 = arith.addf %add3A_99, %mul3A_97 : vector<16xf32>
      %div3A_101 = arith.constant 1.000000e+00 : f32
      %div3A_102 = vector.broadcast %div3A_101 : f32 to vector<16xf32>
      %div3A_103 = arith.divf %div3A_102, %add3A_100 : vector<16xf32>
      %mul3A_104 = arith.constant 80 : i32
      %mul3A_105 = arith.muli %scan3A_33, %mul3A_104 : i32
      %bitcast3A = vector.bitcast %min3A_42 : vector<16xi32> to vector<16xf32>
      %swap3A = arith.index_cast %mul3A_105 : i32 to index
      %swap3A_106 = tpu.vector_load %arg11[%swap3A] {strides = array<i32>} : memref<10240xf32, #tpu.memory_space<vmem>>, vector<16xf32>,
      tpu.vector_store %arg11[%swap3A], %bitcast3A {strides = array<i32>} : memref<10240xf32, #tpu.memory_space<vmem>>, vector<16xf32>,
      %mul3A_107 = arith.mulf %mul3A_66, %div3A_103 : vector<16xf32>
      %add3A_108 = arith.constant 16 : i32
      %add3A_109 = arith.addi %mul3A_105, %add3A_108 : i32
      %swap3A_110 = arith.index_cast %add3A_109 : i32 to index
      %swap3A_111 = tpu.vector_load %arg11[%swap3A_110] {strides = array<i32>} : memref<10240xf32, #tpu.memory_space<vmem>>, vector<16xf32>,
      tpu.vector_store %arg11[%swap3A_110], %mul3A_107 {strides = array<i32>} : memref<10240xf32, #tpu.memory_space<vmem>>, vector<16xf32>,
      %mul3A_112 = arith.mulf %mul3A_77, %div3A_103 : vector<16xf32>
      %add3A_113 = arith.constant 32 : i32
      %add3A_114 = arith.addi %mul3A_105, %add3A_113 : i32
      %swap3A_115 = arith.index_cast %add3A_114 : i32 to index
      %swap3A_116 = tpu.vector_load %arg11[%swap3A_115] {strides = array<i32>} : memref<10240xf32, #tpu.memory_space<vmem>>, vector<16xf32>,
      tpu.vector_store %arg11[%swap3A_115], %mul3A_112 {strides = array<i32>} : memref<10240xf32, #tpu.memory_space<vmem>>, vector<16xf32>,
      %mul3A_117 = arith.mulf %mul3A_89, %div3A_103 : vector<16xf32>
      %add3A_118 = arith.constant 48 : i32
      %add3A_119 = arith.addi %mul3A_105, %add3A_118 : i32
      %swap3A_120 = arith.index_cast %add3A_119 : i32 to index
      %swap3A_121 = tpu.vector_load %arg11[%swap3A_120] {strides = array<i32>} : memref<10240xf32, #tpu.memory_space<vmem>>, vector<16xf32>,
      tpu.vector_store %arg11[%swap3A_120], %mul3A_117 {strides = array<i32>} : memref<10240xf32, #tpu.memory_space<vmem>>, vector<16xf32>,
      %mul3A_122 = arith.mulf %mul3A_97, %div3A_103 : vector<16xf32>
      %add3A_123 = arith.constant 64 : i32
      %add3A_124 = arith.addi %mul3A_105, %add3A_123 : i32
      %swap3A_125 = arith.index_cast %add3A_124 : i32 to index
      %swap3A_126 = tpu.vector_load %arg11[%swap3A_125] {strides = array<i32>} : memref<10240xf32, #tpu.memory_space<vmem>>, vector<16xf32>,
      tpu.vector_store %arg11[%swap3A_125], %mul3A_122 {strides = array<i32>} : memref<10240xf32, #tpu.memory_space<vmem>>, vector<16xf32>,
    }
    %scan3A_9 = arith.constant 128 : i32
    "tpu.region"() ({
      %run_scoped3A = tpu.sem_alloc : memref<!tpu.dma_semaphore, #tpu.memory_space<semaphore_mem>>
      %dma_start3A_33 = arith.constant 0 : i32
      %dma_start3A_34 = tpu.memref_slice %arg12[%arg1, %dma_start3A_33] : memref<16x10240xf32, #tpu.memory_space<vmem_shared>> -> memref<1x10240xf32, #tpu.memory_space<vmem_shared>>
      %dma_start3A_35 = tpu.memref_squeeze %dma_start3A_34 : memref<1x10240xf32, #tpu.memory_space<vmem_shared>> -> memref<10240xf32, #tpu.memory_space<vmem_shared>>
      %dma_start3A_36 = arith.constant 0 : i32
      %dma_start3A_37 = tpu.memref_slice %arg12[%arg1, %dma_start3A_36] : memref<16x10240xf32, #tpu.memory_space<vmem_shared>> -> memref<1x10240xf32, #tpu.memory_space<vmem_shared>>
      %dma_start3A_38 = tpu.memref_squeeze %dma_start3A_37 : memref<1x10240xf32, #tpu.memory_space<vmem_shared>> -> memref<10240xf32, #tpu.memory_space<vmem_shared>>
      tpu.enqueue_dma source(%arg11 : memref<10240xf32, #tpu.memory_space<vmem>>) target(%dma_start3A_38 : memref<10240xf32, #tpu.memory_space<vmem_shared>>) target_semaphore(%run_scoped3A : memref<!tpu.dma_semaphore, #tpu.memory_space<semaphore_mem>>)
      %dma_wait3A_39 = arith.constant 0 : i32
      %dma_wait3A_40 = tpu.memref_slice %arg12[%arg1, %dma_wait3A_39] : memref<16x10240xf32, #tpu.memory_space<vmem_shared>> -> memref<1x10240xf32, #tpu.memory_space<vmem_shared>>
      %dma_wait3A_41 = tpu.memref_squeeze %dma_wait3A_40 : memref<1x10240xf32, #tpu.memory_space<vmem_shared>> -> memref<10240xf32, #tpu.memory_space<vmem_shared>>
      %dma_wait3A_42 = arith.constant 0 : i32
      %dma_wait3A_43 = tpu.memref_slice %arg12[%arg1, %dma_wait3A_42] : memref<16x10240xf32, #tpu.memory_space<vmem_shared>> -> memref<1x10240xf32, #tpu.memory_space<vmem_shared>>
      %dma_wait3A_44 = tpu.memref_squeeze %dma_wait3A_43 : memref<1x10240xf32, #tpu.memory_space<vmem_shared>> -> memref<10240xf32, #tpu.memory_space<vmem_shared>>
      tpu.wait_dma2 semaphore(%run_scoped3A : memref<!tpu.dma_semaphore, #tpu.memory_space<semaphore_mem>>) src(%arg11 : memref<10240xf32, #tpu.memory_space<vmem>>) dst(%dma_wait3A_44 : memref<10240xf32, #tpu.memory_space<vmem_shared>>)
      tpu.yield
    }) : () -> ()
    %barrier3A = arith.constant 0 : index
    tpu.barrier barrier_id(%barrier3A)
    %dma_start3A = arith.constant 0 : i32
    %dma_start3A_10 = arith.constant 0 : i32
    %dma_start3A_11 = tpu.memref_slice %arg12[%dma_start3A, %dma_start3A_10] : memref<16x10240xf32, #tpu.memory_space<vmem_shared>> -> memref<1x2560xf32, #tpu.memory_space<vmem_shared>>
    %dma_start3A_12 = tpu.memref_squeeze %dma_start3A_11 : memref<1x2560xf32, #tpu.memory_space<vmem_shared>> -> memref<2560xf32, #tpu.memory_space<vmem_shared>>
    %dma_start3A_13 = arith.constant 0 : i32
    %dma_start3A_14 = tpu.memref_slice %arg12[%dma_start3A, %dma_start3A_13] : memref<16x10240xf32, #tpu.memory_space<vmem_shared>> -> memref<1x2560xf32, #tpu.memory_space<vmem_shared>>
    %dma_start3A_15 = tpu.memref_squeeze %dma_start3A_14 : memref<1x2560xf32, #tpu.memory_space<vmem_shared>> -> memref<2560xf32, #tpu.memory_space<vmem_shared>>
    tpu.enqueue_dma source(%dma_start3A_15 : memref<2560xf32, #tpu.memory_space<vmem_shared>>) target(%arg13 : memref<2560xf32, #tpu.memory_space<vmem>>) target_semaphore(%arg17 : memref<!tpu.dma_semaphore, #tpu.memory_space<semaphore_mem>>)
    %scan3A_16 = arith.constant 0 : i32
    %scan3A_17 = arith.constant 0 : i32
    %scan3A_18 = arith.constant 16 : i32
    %scan3A_19 = arith.addi %scan3A_17, %scan3A_18 : i32
    %scan3A_20 = arith.constant 1 : i32
    scf.for %scan3A_33 = %scan3A_17 to %scan3A_19 step %scan3A_20  : i32 {
      %dma_start3A_34 = arith.constant 2560 : i32
      %dma_start3A_35 = tpu.memref_slice %arg12[%scan3A_33, %dma_start3A_34] : memref<16x10240xf32, #tpu.memory_space<vmem_shared>> -> memref<1x2560xf32, #tpu.memory_space<vmem_shared>>
      %dma_start3A_36 = tpu.memref_squeeze %dma_start3A_35 : memref<1x2560xf32, #tpu.memory_space<vmem_shared>> -> memref<2560xf32, #tpu.memory_space<vmem_shared>>
      %dma_start3A_37 = arith.constant 2560 : i32
      %dma_start3A_38 = tpu.memref_slice %arg12[%scan3A_33, %dma_start3A_37] : memref<16x10240xf32, #tpu.memory_space<vmem_shared>> -> memref<1x2560xf32, #tpu.memory_space<vmem_shared>>
      %dma_start3A_39 = tpu.memref_squeeze %dma_start3A_38 : memref<1x2560xf32, #tpu.memory_space<vmem_shared>> -> memref<2560xf32, #tpu.memory_space<vmem_shared>>
      tpu.enqueue_dma source(%dma_start3A_39 : memref<2560xf32, #tpu.memory_space<vmem_shared>>) target(%arg14 : memref<2560xf32, #tpu.memory_space<vmem>>) target_semaphore(%arg18 : memref<!tpu.dma_semaphore, #tpu.memory_space<semaphore_mem>>)
      %dma_wait3A_40 = arith.constant 0 : i32
      %dma_wait3A_41 = tpu.memref_slice %arg3[%dma_wait3A_40] : memref<65536xf32, #tpu.memory_space<hbm>> -> memref<2560xf32, #tpu.memory_space<hbm>>
      %dma_wait3A_42 = arith.constant 0 : i32
      %dma_wait3A_43 = tpu.memref_slice %arg3[%dma_wait3A_42] : memref<65536xf32, #tpu.memory_space<hbm>> -> memref<2560xf32, #tpu.memory_space<hbm>>
      tpu.wait_dma2 semaphore(%arg17 : memref<!tpu.dma_semaphore, #tpu.memory_space<semaphore_mem>>) src(%dma_wait3A_43 : memref<2560xf32, #tpu.memory_space<hbm>>) dst(%arg13 : memref<2560xf32, #tpu.memory_space<vmem>>)
      %gt3A = arith.constant 0 : i32
      %gt3A_44 = arith.cmpi sgt, %scan3A_33, %gt3A : i32
      %convert_element_type3A = arith.extui %gt3A_44 : i1 to i32
      %cond3A = arith.constant 0 : i32
      %cond3A_45 = arith.cmpi ne, %convert_element_type3A, %cond3A : i32
      scf.if %cond3A_45 {
        %mul3A_152 = arith.constant 8 : i32
        %mul3A_153 = arith.muli %arg1, %mul3A_152 : i32
        %dma_wait3A_154 = tpu.memref_slice %arg6[%mul3A_0, %mul3A_153] : memref<65536x128xf32, #tpu.memory_space<hbm>> -> memref<512x8xf32, #tpu.memory_space<hbm>>
        %dma_wait3A_155 = tpu.memref_slice %arg6[%mul3A_0, %mul3A_153] : memref<65536x128xf32, #tpu.memory_space<hbm>> -> memref<512x8xf32, #tpu.memory_space<hbm>>
        tpu.wait_dma2 semaphore(%arg19 : memref<!tpu.dma_semaphore, #tpu.memory_space<semaphore_mem>>) src(%arg15 : memref<512x8xf32, #tpu.memory_space<vmem>>) dst(%dma_wait3A_155 : memref<512x8xf32, #tpu.memory_space<hbm>>)
      } else {
      }
      %scan3A_46 = arith.constant 0 : i32
      %scan3A_47 = arith.constant 0 : i32
      %scan3A_48 = arith.constant 32 : i32
      %scan3A_49 = arith.addi %scan3A_47, %scan3A_48 : i32
      %scan3A_50 = arith.constant 2 : i32
      scf.for %scan3A_152 = %scan3A_47 to %scan3A_49 step %scan3A_50  : i32 {
        %mul3A_153 = arith.constant 80 : i32
        %mul3A_154 = arith.muli %scan3A_152, %mul3A_153 : i32
        %get3A = arith.index_cast %mul3A_154 : i32 to index
        %get3A_155 = tpu.vector_load %arg13[%get3A] {strides = array<i32>} : memref<2560xf32, #tpu.memory_space<vmem>>, vector<16xf32>,
        %add3A_156 = arith.constant 16 : i32
        %add3A_157 = arith.addi %mul3A_154, %add3A_156 : i32
        %get3A_158 = arith.index_cast %add3A_157 : i32 to index
        %get3A_159 = tpu.vector_load %arg13[%get3A_158] {strides = array<i32>} : memref<2560xf32, #tpu.memory_space<vmem>>, vector<16xf32>,
        %add3A_160 = arith.constant 32 : i32
        %add3A_161 = arith.addi %mul3A_154, %add3A_160 : i32
        %get3A_162 = arith.index_cast %add3A_161 : i32 to index
        %get3A_163 = tpu.vector_load %arg13[%get3A_162] {strides = array<i32>} : memref<2560xf32, #tpu.memory_space<vmem>>, vector<16xf32>,
        %add3A_164 = arith.constant 48 : i32
        %add3A_165 = arith.addi %mul3A_154, %add3A_164 : i32
        %get3A_166 = arith.index_cast %add3A_165 : i32 to index
        %get3A_167 = tpu.vector_load %arg13[%get3A_166] {strides = array<i32>} : memref<2560xf32, #tpu.memory_space<vmem>>, vector<16xf32>,
        %add3A_168 = arith.constant 64 : i32
        %add3A_169 = arith.addi %mul3A_154, %add3A_168 : i32
        %get3A_170 = arith.index_cast %add3A_169 : i32 to index
        %get3A_171 = tpu.vector_load %arg13[%get3A_170] {strides = array<i32>} : memref<2560xf32, #tpu.memory_space<vmem>>, vector<16xf32>,
        %bitcast3A = vector.bitcast %get3A_155 : vector<16xf32> to vector<16xi32>
        %sub3A = arith.constant 1 : i32
        %sub3A_172 = vector.broadcast %sub3A : i32 to vector<16xi32>
        %sub3A_173 = arith.subi %bitcast3A, %sub3A_172 : vector<16xi32>
        %max3A = arith.constant 0 : i32
        %max3A_174 = vector.broadcast %max3A : i32 to vector<16xi32>
        %max3A_175 = arith.maxsi %sub3A_173, %max3A_174 : vector<16xi32>
        %add3A_176 = arith.constant 1 : i32
        %add3A_177 = vector.broadcast %add3A_176 : i32 to vector<16xi32>
        %add3A_178 = arith.addi %bitcast3A, %add3A_177 : vector<16xi32>
        %add3A_179 = arith.constant 2 : i32
        %add3A_180 = vector.broadcast %add3A_179 : i32 to vector<16xi32>
        %add3A_181 = arith.addi %bitcast3A, %add3A_180 : vector<16xi32>
        %min3A_182 = arith.constant 8191 : i32
        %min3A_183 = vector.broadcast %min3A_182 : i32 to vector<16xi32>
        %min3A_184 = arith.minsi %add3A_181, %min3A_183 : vector<16xi32>
        %mul3A_185 = arith.constant 16 : i32
        %mul3A_186 = arith.muli %scan3A_152, %mul3A_185 : i32
        %add3A_187 = vector.broadcast %mul3A_186 : i32 to vector<16xi32>
        %add3A_188 = arith.addi %add3A_187, %iota3A : vector<16xi32>
        %broadcast_in_dim3A = arith.constant 0 : i32
        %broadcast_in_dim3A_189 = vector.broadcast %broadcast_in_dim3A : i32 to vector<16xi32>
        %gather3A = tpu.vector_load_idx %arg7[%broadcast_in_dim3A_189, %max3A_175] : memref<8x8192xf32, #tpu.memory_space<vmem>>[vector<16xi32>, vector<16xi32>], vector<16xf32>,
        %gather3A_190 = tpu.vector_load_idx %arg7[%broadcast_in_dim3A_189, %bitcast3A] : memref<8x8192xf32, #tpu.memory_space<vmem>>[vector<16xi32>, vector<16xi32>], vector<16xf32>,
        %gather3A_191 = tpu.vector_load_idx %arg7[%broadcast_in_dim3A_189, %add3A_178] : memref<8x8192xf32, #tpu.memory_space<vmem>>[vector<16xi32>, vector<16xi32>], vector<16xf32>,
        %gather3A_192 = tpu.vector_load_idx %arg7[%broadcast_in_dim3A_189, %min3A_184] : memref<8x8192xf32, #tpu.memory_space<vmem>>[vector<16xi32>, vector<16xi32>], vector<16xf32>,
        %broadcast_in_dim3A_193 = arith.constant 1 : i32
        %broadcast_in_dim3A_194 = vector.broadcast %broadcast_in_dim3A_193 : i32 to vector<16xi32>
        %gather3A_195 = tpu.vector_load_idx %arg7[%broadcast_in_dim3A_194, %max3A_175] : memref<8x8192xf32, #tpu.memory_space<vmem>>[vector<16xi32>, vector<16xi32>], vector<16xf32>,
        %gather3A_196 = tpu.vector_load_idx %arg7[%broadcast_in_dim3A_194, %bitcast3A] : memref<8x8192xf32, #tpu.memory_space<vmem>>[vector<16xi32>, vector<16xi32>], vector<16xf32>,
        %gather3A_197 = tpu.vector_load_idx %arg7[%broadcast_in_dim3A_194, %add3A_178] : memref<8x8192xf32, #tpu.memory_space<vmem>>[vector<16xi32>, vector<16xi32>], vector<16xf32>,
        %gather3A_198 = tpu.vector_load_idx %arg7[%broadcast_in_dim3A_194, %min3A_184] : memref<8x8192xf32, #tpu.memory_space<vmem>>[vector<16xi32>, vector<16xi32>], vector<16xf32>,
        %broadcast_in_dim3A_199 = arith.constant 2 : i32
        %broadcast_in_dim3A_200 = vector.broadcast %broadcast_in_dim3A_199 : i32 to vector<16xi32>
        %gather3A_201 = tpu.vector_load_idx %arg7[%broadcast_in_dim3A_200, %max3A_175] : memref<8x8192xf32, #tpu.memory_space<vmem>>[vector<16xi32>, vector<16xi32>], vector<16xf32>,
        %gather3A_202 = tpu.vector_load_idx %arg7[%broadcast_in_dim3A_200, %bitcast3A] : memref<8x8192xf32, #tpu.memory_space<vmem>>[vector<16xi32>, vector<16xi32>], vector<16xf32>,
        %gather3A_203 = tpu.vector_load_idx %arg7[%broadcast_in_dim3A_200, %add3A_178] : memref<8x8192xf32, #tpu.memory_space<vmem>>[vector<16xi32>, vector<16xi32>], vector<16xf32>,
        %gather3A_204 = tpu.vector_load_idx %arg7[%broadcast_in_dim3A_200, %min3A_184] : memref<8x8192xf32, #tpu.memory_space<vmem>>[vector<16xi32>, vector<16xi32>], vector<16xf32>,
        %broadcast_in_dim3A_205 = arith.constant 3 : i32
        %broadcast_in_dim3A_206 = vector.broadcast %broadcast_in_dim3A_205 : i32 to vector<16xi32>
        %gather3A_207 = tpu.vector_load_idx %arg7[%broadcast_in_dim3A_206, %max3A_175] : memref<8x8192xf32, #tpu.memory_space<vmem>>[vector<16xi32>, vector<16xi32>], vector<16xf32>,
        %gather3A_208 = tpu.vector_load_idx %arg7[%broadcast_in_dim3A_206, %bitcast3A] : memref<8x8192xf32, #tpu.memory_space<vmem>>[vector<16xi32>, vector<16xi32>], vector<16xf32>,
        %gather3A_209 = tpu.vector_load_idx %arg7[%broadcast_in_dim3A_206, %add3A_178] : memref<8x8192xf32, #tpu.memory_space<vmem>>[vector<16xi32>, vector<16xi32>], vector<16xf32>,
        %gather3A_210 = tpu.vector_load_idx %arg7[%broadcast_in_dim3A_206, %min3A_184] : memref<8x8192xf32, #tpu.memory_space<vmem>>[vector<16xi32>, vector<16xi32>], vector<16xf32>,
        %mul3A_211 = arith.mulf %gather3A, %get3A_159 : vector<16xf32>
        %mul3A_212 = arith.mulf %gather3A_190, %get3A_163 : vector<16xf32>
        %add3A_213 = arith.addf %mul3A_211, %mul3A_212 : vector<16xf32>
        %mul3A_214 = arith.mulf %gather3A_191, %get3A_167 : vector<16xf32>
        %mul3A_215 = arith.mulf %gather3A_192, %get3A_171 : vector<16xf32>
        %add3A_216 = arith.addf %mul3A_214, %mul3A_215 : vector<16xf32>
        %add3A_217 = arith.addf %add3A_213, %add3A_216 : vector<16xf32>
        tpu.vector_store_idx %arg15[%add3A_188, %broadcast_in_dim3A_189], %add3A_217 : memref<512x8xf32, #tpu.memory_space<vmem>>[vector<16xi32>, vector<16xi32>], vector<16xf32>,
        %mul3A_218 = arith.mulf %gather3A_195, %get3A_159 : vector<16xf32>
        %mul3A_219 = arith.mulf %gather3A_196, %get3A_163 : vector<16xf32>
        %add3A_220 = arith.addf %mul3A_218, %mul3A_219 : vector<16xf32>
        %mul3A_221 = arith.mulf %gather3A_197, %get3A_167 : vector<16xf32>
        %mul3A_222 = arith.mulf %gather3A_198, %get3A_171 : vector<16xf32>
        %add3A_223 = arith.addf %mul3A_221, %mul3A_222 : vector<16xf32>
        %add3A_224 = arith.addf %add3A_220, %add3A_223 : vector<16xf32>
        tpu.vector_store_idx %arg15[%add3A_188, %broadcast_in_dim3A_194], %add3A_224 : memref<512x8xf32, #tpu.memory_space<vmem>>[vector<16xi32>, vector<16xi32>], vector<16xf32>,
        %mul3A_225 = arith.mulf %gather3A_201, %get3A_159 : vector<16xf32>
        %mul3A_226 = arith.mulf %gather3A_202, %get3A_163 : vector<16xf32>
        %add3A_227 = arith.addf %mul3A_225, %mul3A_226 : vector<16xf32>
        %mul3A_228 = arith.mulf %gather3A_203, %get3A_167 : vector<16xf32>
        %mul3A_229 = arith.mulf %gather3A_204, %get3A_171 : vector<16xf32>
        %add3A_230 = arith.addf %mul3A_228, %mul3A_229 : vector<16xf32>
        %add3A_231 = arith.addf %add3A_227, %add3A_230 : vector<16xf32>
        tpu.vector_store_idx %arg15[%add3A_188, %broadcast_in_dim3A_200], %add3A_231 : memref<512x8xf32, #tpu.memory_space<vmem>>[vector<16xi32>, vector<16xi32>], vector<16xf32>,
        %mul3A_232 = arith.mulf %gather3A_207, %get3A_159 : vector<16xf32>
        %mul3A_233 = arith.mulf %gather3A_208, %get3A_163 : vector<16xf32>
        %add3A_234 = arith.addf %mul3A_232, %mul3A_233 : vector<16xf32>
        %mul3A_235 = arith.mulf %gather3A_209, %get3A_167 : vector<16xf32>
        %mul3A_236 = arith.mulf %gather3A_210, %get3A_171 : vector<16xf32>
        %add3A_237 = arith.addf %mul3A_235, %mul3A_236 : vector<16xf32>
        %add3A_238 = arith.addf %add3A_234, %add3A_237 : vector<16xf32>
        tpu.vector_store_idx %arg15[%add3A_188, %broadcast_in_dim3A_206], %add3A_238 : memref<512x8xf32, #tpu.memory_space<vmem>>[vector<16xi32>, vector<16xi32>], vector<16xf32>,
        %broadcast_in_dim3A_239 = arith.constant 4 : i32
        %broadcast_in_dim3A_240 = vector.broadcast %broadcast_in_dim3A_239 : i32 to vector<16xi32>
        %gather3A_241 = tpu.vector_load_idx %arg7[%broadcast_in_dim3A_240, %max3A_175] : memref<8x8192xf32, #tpu.memory_space<vmem>>[vector<16xi32>, vector<16xi32>], vector<16xf32>,
        %gather3A_242 = tpu.vector_load_idx %arg7[%broadcast_in_dim3A_240, %bitcast3A] : memref<8x8192xf32, #tpu.memory_space<vmem>>[vector<16xi32>, vector<16xi32>], vector<16xf32>,
        %gather3A_243 = tpu.vector_load_idx %arg7[%broadcast_in_dim3A_240, %add3A_178] : memref<8x8192xf32, #tpu.memory_space<vmem>>[vector<16xi32>, vector<16xi32>], vector<16xf32>,
        %gather3A_244 = tpu.vector_load_idx %arg7[%broadcast_in_dim3A_240, %min3A_184] : memref<8x8192xf32, #tpu.memory_space<vmem>>[vector<16xi32>, vector<16xi32>], vector<16xf32>,
        %broadcast_in_dim3A_245 = arith.constant 5 : i32
        %broadcast_in_dim3A_246 = vector.broadcast %broadcast_in_dim3A_245 : i32 to vector<16xi32>
        %gather3A_247 = tpu.vector_load_idx %arg7[%broadcast_in_dim3A_246, %max3A_175] : memref<8x8192xf32, #tpu.memory_space<vmem>>[vector<16xi32>, vector<16xi32>], vector<16xf32>,
        %gather3A_248 = tpu.vector_load_idx %arg7[%broadcast_in_dim3A_246, %bitcast3A] : memref<8x8192xf32, #tpu.memory_space<vmem>>[vector<16xi32>, vector<16xi32>], vector<16xf32>,
        %gather3A_249 = tpu.vector_load_idx %arg7[%broadcast_in_dim3A_246, %add3A_178] : memref<8x8192xf32, #tpu.memory_space<vmem>>[vector<16xi32>, vector<16xi32>], vector<16xf32>,
        %gather3A_250 = tpu.vector_load_idx %arg7[%broadcast_in_dim3A_246, %min3A_184] : memref<8x8192xf32, #tpu.memory_space<vmem>>[vector<16xi32>, vector<16xi32>], vector<16xf32>,
        %broadcast_in_dim3A_251 = arith.constant 6 : i32
        %broadcast_in_dim3A_252 = vector.broadcast %broadcast_in_dim3A_251 : i32 to vector<16xi32>
        %gather3A_253 = tpu.vector_load_idx %arg7[%broadcast_in_dim3A_252, %max3A_175] : memref<8x8192xf32, #tpu.memory_space<vmem>>[vector<16xi32>, vector<16xi32>], vector<16xf32>,
        %gather3A_254 = tpu.vector_load_idx %arg7[%broadcast_in_dim3A_252, %bitcast3A] : memref<8x8192xf32, #tpu.memory_space<vmem>>[vector<16xi32>, vector<16xi32>], vector<16xf32>,
        %gather3A_255 = tpu.vector_load_idx %arg7[%broadcast_in_dim3A_252, %add3A_178] : memref<8x8192xf32, #tpu.memory_space<vmem>>[vector<16xi32>, vector<16xi32>], vector<16xf32>,
        %gather3A_256 = tpu.vector_load_idx %arg7[%broadcast_in_dim3A_252, %min3A_184] : memref<8x8192xf32, #tpu.memory_space<vmem>>[vector<16xi32>, vector<16xi32>], vector<16xf32>,
        %broadcast_in_dim3A_257 = arith.constant 7 : i32
        %broadcast_in_dim3A_258 = vector.broadcast %broadcast_in_dim3A_257 : i32 to vector<16xi32>
        %gather3A_259 = tpu.vector_load_idx %arg7[%broadcast_in_dim3A_258, %max3A_175] : memref<8x8192xf32, #tpu.memory_space<vmem>>[vector<16xi32>, vector<16xi32>], vector<16xf32>,
        %gather3A_260 = tpu.vector_load_idx %arg7[%broadcast_in_dim3A_258, %bitcast3A] : memref<8x8192xf32, #tpu.memory_space<vmem>>[vector<16xi32>, vector<16xi32>], vector<16xf32>,
        %gather3A_261 = tpu.vector_load_idx %arg7[%broadcast_in_dim3A_258, %add3A_178] : memref<8x8192xf32, #tpu.memory_space<vmem>>[vector<16xi32>, vector<16xi32>], vector<16xf32>,
        %gather3A_262 = tpu.vector_load_idx %arg7[%broadcast_in_dim3A_258, %min3A_184] : memref<8x8192xf32, #tpu.memory_space<vmem>>[vector<16xi32>, vector<16xi32>], vector<16xf32>,
        %mul3A_263 = arith.mulf %gather3A_241, %get3A_159 : vector<16xf32>
        %mul3A_264 = arith.mulf %gather3A_242, %get3A_163 : vector<16xf32>
        %add3A_265 = arith.addf %mul3A_263, %mul3A_264 : vector<16xf32>
        %mul3A_266 = arith.mulf %gather3A_243, %get3A_167 : vector<16xf32>
        %mul3A_267 = arith.mulf %gather3A_244, %get3A_171 : vector<16xf32>
        %add3A_268 = arith.addf %mul3A_266, %mul3A_267 : vector<16xf32>
        %add3A_269 = arith.addf %add3A_265, %add3A_268 : vector<16xf32>
        tpu.vector_store_idx %arg15[%add3A_188, %broadcast_in_dim3A_240], %add3A_269 : memref<512x8xf32, #tpu.memory_space<vmem>>[vector<16xi32>, vector<16xi32>], vector<16xf32>,
        %mul3A_270 = arith.mulf %gather3A_247, %get3A_159 : vector<16xf32>
        %mul3A_271 = arith.mulf %gather3A_248, %get3A_163 : vector<16xf32>
        %add3A_272 = arith.addf %mul3A_270, %mul3A_271 : vector<16xf32>
        %mul3A_273 = arith.mulf %gather3A_249, %get3A_167 : vector<16xf32>
        %mul3A_274 = arith.mulf %gather3A_250, %get3A_171 : vector<16xf32>
        %add3A_275 = arith.addf %mul3A_273, %mul3A_274 : vector<16xf32>
        %add3A_276 = arith.addf %add3A_272, %add3A_275 : vector<16xf32>
        tpu.vector_store_idx %arg15[%add3A_188, %broadcast_in_dim3A_246], %add3A_276 : memref<512x8xf32, #tpu.memory_space<vmem>>[vector<16xi32>, vector<16xi32>], vector<16xf32>,
        %mul3A_277 = arith.mulf %gather3A_253, %get3A_159 : vector<16xf32>
        %mul3A_278 = arith.mulf %gather3A_254, %get3A_163 : vector<16xf32>
        %add3A_279 = arith.addf %mul3A_277, %mul3A_278 : vector<16xf32>
        %mul3A_280 = arith.mulf %gather3A_255, %get3A_167 : vector<16xf32>
        %mul3A_281 = arith.mulf %gather3A_256, %get3A_171 : vector<16xf32>
        %add3A_282 = arith.addf %mul3A_280, %mul3A_281 : vector<16xf32>
        %add3A_283 = arith.addf %add3A_279, %add3A_282 : vector<16xf32>
        tpu.vector_store_idx %arg15[%add3A_188, %broadcast_in_dim3A_252], %add3A_283 : memref<512x8xf32, #tpu.memory_space<vmem>>[vector<16xi32>, vector<16xi32>], vector<16xf32>,
        %mul3A_284 = arith.mulf %gather3A_259, %get3A_159 : vector<16xf32>
        %mul3A_285 = arith.mulf %gather3A_260, %get3A_163 : vector<16xf32>
        %add3A_286 = arith.addf %mul3A_284, %mul3A_285 : vector<16xf32>
        %mul3A_287 = arith.mulf %gather3A_261, %get3A_167 : vector<16xf32>
        %mul3A_288 = arith.mulf %gather3A_262, %get3A_171 : vector<16xf32>
        %add3A_289 = arith.addf %mul3A_287, %mul3A_288 : vector<16xf32>
        %add3A_290 = arith.addf %add3A_286, %add3A_289 : vector<16xf32>
        tpu.vector_store_idx %arg15[%add3A_188, %broadcast_in_dim3A_258], %add3A_290 : memref<512x8xf32, #tpu.memory_space<vmem>>[vector<16xi32>, vector<16xi32>], vector<16xf32>,
        %scan3A_291 = arith.constant 1 : i32
        %scan3A_292 = arith.addi %scan3A_152, %scan3A_291 : i32
        %mul3A_293 = arith.constant 80 : i32
        %mul3A_294 = arith.muli %scan3A_292, %mul3A_293 : i32
        %get3A_295 = arith.index_cast %mul3A_294 : i32 to index
        %get3A_296 = tpu.vector_load %arg13[%get3A_295] {strides = array<i32>} : memref<2560xf32, #tpu.memory_space<vmem>>, vector<16xf32>,
        %add3A_297 = arith.constant 16 : i32
        %add3A_298 = arith.addi %mul3A_294, %add3A_297 : i32
        %get3A_299 = arith.index_cast %add3A_298 : i32 to index
        %get3A_300 = tpu.vector_load %arg13[%get3A_299] {strides = array<i32>} : memref<2560xf32, #tpu.memory_space<vmem>>, vector<16xf32>,
        %add3A_301 = arith.constant 32 : i32
        %add3A_302 = arith.addi %mul3A_294, %add3A_301 : i32
        %get3A_303 = arith.index_cast %add3A_302 : i32 to index
        %get3A_304 = tpu.vector_load %arg13[%get3A_303] {strides = array<i32>} : memref<2560xf32, #tpu.memory_space<vmem>>, vector<16xf32>,
        %add3A_305 = arith.constant 48 : i32
        %add3A_306 = arith.addi %mul3A_294, %add3A_305 : i32
        %get3A_307 = arith.index_cast %add3A_306 : i32 to index
        %get3A_308 = tpu.vector_load %arg13[%get3A_307] {strides = array<i32>} : memref<2560xf32, #tpu.memory_space<vmem>>, vector<16xf32>,
        %add3A_309 = arith.constant 64 : i32
        %add3A_310 = arith.addi %mul3A_294, %add3A_309 : i32
        %get3A_311 = arith.index_cast %add3A_310 : i32 to index
        %get3A_312 = tpu.vector_load %arg13[%get3A_311] {strides = array<i32>} : memref<2560xf32, #tpu.memory_space<vmem>>, vector<16xf32>,
        %bitcast3A_313 = vector.bitcast %get3A_296 : vector<16xf32> to vector<16xi32>
        %sub3A_314 = arith.constant 1 : i32
        %sub3A_315 = vector.broadcast %sub3A_314 : i32 to vector<16xi32>
        %sub3A_316 = arith.subi %bitcast3A_313, %sub3A_315 : vector<16xi32>
        %max3A_317 = arith.constant 0 : i32
        %max3A_318 = vector.broadcast %max3A_317 : i32 to vector<16xi32>
        %max3A_319 = arith.maxsi %sub3A_316, %max3A_318 : vector<16xi32>
        %add3A_320 = arith.constant 1 : i32
        %add3A_321 = vector.broadcast %add3A_320 : i32 to vector<16xi32>
        %add3A_322 = arith.addi %bitcast3A_313, %add3A_321 : vector<16xi32>
        %add3A_323 = arith.constant 2 : i32
        %add3A_324 = vector.broadcast %add3A_323 : i32 to vector<16xi32>
        %add3A_325 = arith.addi %bitcast3A_313, %add3A_324 : vector<16xi32>
        %min3A_326 = arith.constant 8191 : i32
        %min3A_327 = vector.broadcast %min3A_326 : i32 to vector<16xi32>
        %min3A_328 = arith.minsi %add3A_325, %min3A_327 : vector<16xi32>
        %mul3A_329 = arith.constant 16 : i32
        %mul3A_330 = arith.muli %scan3A_292, %mul3A_329 : i32
        %add3A_331 = vector.broadcast %mul3A_330 : i32 to vector<16xi32>
        %add3A_332 = arith.addi %add3A_331, %iota3A : vector<16xi32>
        %broadcast_in_dim3A_333 = arith.constant 0 : i32
        %broadcast_in_dim3A_334 = vector.broadcast %broadcast_in_dim3A_333 : i32 to vector<16xi32>
        %gather3A_335 = tpu.vector_load_idx %arg7[%broadcast_in_dim3A_334, %max3A_319] : memref<8x8192xf32, #tpu.memory_space<vmem>>[vector<16xi32>, vector<16xi32>], vector<16xf32>,
        %gather3A_336 = tpu.vector_load_idx %arg7[%broadcast_in_dim3A_334, %bitcast3A_313] : memref<8x8192xf32, #tpu.memory_space<vmem>>[vector<16xi32>, vector<16xi32>], vector<16xf32>,
        %gather3A_337 = tpu.vector_load_idx %arg7[%broadcast_in_dim3A_334, %add3A_322] : memref<8x8192xf32, #tpu.memory_space<vmem>>[vector<16xi32>, vector<16xi32>], vector<16xf32>,
        %gather3A_338 = tpu.vector_load_idx %arg7[%broadcast_in_dim3A_334, %min3A_328] : memref<8x8192xf32, #tpu.memory_space<vmem>>[vector<16xi32>, vector<16xi32>], vector<16xf32>,
        %broadcast_in_dim3A_339 = arith.constant 1 : i32
        %broadcast_in_dim3A_340 = vector.broadcast %broadcast_in_dim3A_339 : i32 to vector<16xi32>
        %gather3A_341 = tpu.vector_load_idx %arg7[%broadcast_in_dim3A_340, %max3A_319] : memref<8x8192xf32, #tpu.memory_space<vmem>>[vector<16xi32>, vector<16xi32>], vector<16xf32>,
        %gather3A_342 = tpu.vector_load_idx %arg7[%broadcast_in_dim3A_340, %bitcast3A_313] : memref<8x8192xf32, #tpu.memory_space<vmem>>[vector<16xi32>, vector<16xi32>], vector<16xf32>,
        %gather3A_343 = tpu.vector_load_idx %arg7[%broadcast_in_dim3A_340, %add3A_322] : memref<8x8192xf32, #tpu.memory_space<vmem>>[vector<16xi32>, vector<16xi32>], vector<16xf32>,
        %gather3A_344 = tpu.vector_load_idx %arg7[%broadcast_in_dim3A_340, %min3A_328] : memref<8x8192xf32, #tpu.memory_space<vmem>>[vector<16xi32>, vector<16xi32>], vector<16xf32>,
        %broadcast_in_dim3A_345 = arith.constant 2 : i32
        %broadcast_in_dim3A_346 = vector.broadcast %broadcast_in_dim3A_345 : i32 to vector<16xi32>
        %gather3A_347 = tpu.vector_load_idx %arg7[%broadcast_in_dim3A_346, %max3A_319] : memref<8x8192xf32, #tpu.memory_space<vmem>>[vector<16xi32>, vector<16xi32>], vector<16xf32>,
        %gather3A_348 = tpu.vector_load_idx %arg7[%broadcast_in_dim3A_346, %bitcast3A_313] : memref<8x8192xf32, #tpu.memory_space<vmem>>[vector<16xi32>, vector<16xi32>], vector<16xf32>,
        %gather3A_349 = tpu.vector_load_idx %arg7[%broadcast_in_dim3A_346, %add3A_322] : memref<8x8192xf32, #tpu.memory_space<vmem>>[vector<16xi32>, vector<16xi32>], vector<16xf32>,
        %gather3A_350 = tpu.vector_load_idx %arg7[%broadcast_in_dim3A_346, %min3A_328] : memref<8x8192xf32, #tpu.memory_space<vmem>>[vector<16xi32>, vector<16xi32>], vector<16xf32>,
        %broadcast_in_dim3A_351 = arith.constant 3 : i32
        %broadcast_in_dim3A_352 = vector.broadcast %broadcast_in_dim3A_351 : i32 to vector<16xi32>
        %gather3A_353 = tpu.vector_load_idx %arg7[%broadcast_in_dim3A_352, %max3A_319] : memref<8x8192xf32, #tpu.memory_space<vmem>>[vector<16xi32>, vector<16xi32>], vector<16xf32>,
        %gather3A_354 = tpu.vector_load_idx %arg7[%broadcast_in_dim3A_352, %bitcast3A_313] : memref<8x8192xf32, #tpu.memory_space<vmem>>[vector<16xi32>, vector<16xi32>], vector<16xf32>,
        %gather3A_355 = tpu.vector_load_idx %arg7[%broadcast_in_dim3A_352, %add3A_322] : memref<8x8192xf32, #tpu.memory_space<vmem>>[vector<16xi32>, vector<16xi32>], vector<16xf32>,
        %gather3A_356 = tpu.vector_load_idx %arg7[%broadcast_in_dim3A_352, %min3A_328] : memref<8x8192xf32, #tpu.memory_space<vmem>>[vector<16xi32>, vector<16xi32>], vector<16xf32>,
        %mul3A_357 = arith.mulf %gather3A_335, %get3A_300 : vector<16xf32>
        %mul3A_358 = arith.mulf %gather3A_336, %get3A_304 : vector<16xf32>
        %add3A_359 = arith.addf %mul3A_357, %mul3A_358 : vector<16xf32>
        %mul3A_360 = arith.mulf %gather3A_337, %get3A_308 : vector<16xf32>
        %mul3A_361 = arith.mulf %gather3A_338, %get3A_312 : vector<16xf32>
        %add3A_362 = arith.addf %mul3A_360, %mul3A_361 : vector<16xf32>
        %add3A_363 = arith.addf %add3A_359, %add3A_362 : vector<16xf32>
        tpu.vector_store_idx %arg15[%add3A_332, %broadcast_in_dim3A_334], %add3A_363 : memref<512x8xf32, #tpu.memory_space<vmem>>[vector<16xi32>, vector<16xi32>], vector<16xf32>,
        %mul3A_364 = arith.mulf %gather3A_341, %get3A_300 : vector<16xf32>
        %mul3A_365 = arith.mulf %gather3A_342, %get3A_304 : vector<16xf32>
        %add3A_366 = arith.addf %mul3A_364, %mul3A_365 : vector<16xf32>
        %mul3A_367 = arith.mulf %gather3A_343, %get3A_308 : vector<16xf32>
        %mul3A_368 = arith.mulf %gather3A_344, %get3A_312 : vector<16xf32>
        %add3A_369 = arith.addf %mul3A_367, %mul3A_368 : vector<16xf32>
        %add3A_370 = arith.addf %add3A_366, %add3A_369 : vector<16xf32>
        tpu.vector_store_idx %arg15[%add3A_332, %broadcast_in_dim3A_340], %add3A_370 : memref<512x8xf32, #tpu.memory_space<vmem>>[vector<16xi32>, vector<16xi32>], vector<16xf32>,
        %mul3A_371 = arith.mulf %gather3A_347, %get3A_300 : vector<16xf32>
        %mul3A_372 = arith.mulf %gather3A_348, %get3A_304 : vector<16xf32>
        %add3A_373 = arith.addf %mul3A_371, %mul3A_372 : vector<16xf32>
        %mul3A_374 = arith.mulf %gather3A_349, %get3A_308 : vector<16xf32>
        %mul3A_375 = arith.mulf %gather3A_350, %get3A_312 : vector<16xf32>
        %add3A_376 = arith.addf %mul3A_374, %mul3A_375 : vector<16xf32>
        %add3A_377 = arith.addf %add3A_373, %add3A_376 : vector<16xf32>
        tpu.vector_store_idx %arg15[%add3A_332, %broadcast_in_dim3A_346], %add3A_377 : memref<512x8xf32, #tpu.memory_space<vmem>>[vector<16xi32>, vector<16xi32>], vector<16xf32>,
        %mul3A_378 = arith.mulf %gather3A_353, %get3A_300 : vector<16xf32>
        %mul3A_379 = arith.mulf %gather3A_354, %get3A_304 : vector<16xf32>
        %add3A_380 = arith.addf %mul3A_378, %mul3A_379 : vector<16xf32>
        %mul3A_381 = arith.mulf %gather3A_355, %get3A_308 : vector<16xf32>
        %mul3A_382 = arith.mulf %gather3A_356, %get3A_312 : vector<16xf32>
        %add3A_383 = arith.addf %mul3A_381, %mul3A_382 : vector<16xf32>
        %add3A_384 = arith.addf %add3A_380, %add3A_383 : vector<16xf32>
        tpu.vector_store_idx %arg15[%add3A_332, %broadcast_in_dim3A_352], %add3A_384 : memref<512x8xf32, #tpu.memory_space<vmem>>[vector<16xi32>, vector<16xi32>], vector<16xf32>,
        %broadcast_in_dim3A_385 = arith.constant 4 : i32
        %broadcast_in_dim3A_386 = vector.broadcast %broadcast_in_dim3A_385 : i32 to vector<16xi32>
        %gather3A_387 = tpu.vector_load_idx %arg7[%broadcast_in_dim3A_386, %max3A_319] : memref<8x8192xf32, #tpu.memory_space<vmem>>[vector<16xi32>, vector<16xi32>], vector<16xf32>,
        %gather3A_388 = tpu.vector_load_idx %arg7[%broadcast_in_dim3A_386, %bitcast3A_313] : memref<8x8192xf32, #tpu.memory_space<vmem>>[vector<16xi32>, vector<16xi32>], vector<16xf32>,
        %gather3A_389 = tpu.vector_load_idx %arg7[%broadcast_in_dim3A_386, %add3A_322] : memref<8x8192xf32, #tpu.memory_space<vmem>>[vector<16xi32>, vector<16xi32>], vector<16xf32>,
        %gather3A_390 = tpu.vector_load_idx %arg7[%broadcast_in_dim3A_386, %min3A_328] : memref<8x8192xf32, #tpu.memory_space<vmem>>[vector<16xi32>, vector<16xi32>], vector<16xf32>,
        %broadcast_in_dim3A_391 = arith.constant 5 : i32
        %broadcast_in_dim3A_392 = vector.broadcast %broadcast_in_dim3A_391 : i32 to vector<16xi32>
        %gather3A_393 = tpu.vector_load_idx %arg7[%broadcast_in_dim3A_392, %max3A_319] : memref<8x8192xf32, #tpu.memory_space<vmem>>[vector<16xi32>, vector<16xi32>], vector<16xf32>,
        %gather3A_394 = tpu.vector_load_idx %arg7[%broadcast_in_dim3A_392, %bitcast3A_313] : memref<8x8192xf32, #tpu.memory_space<vmem>>[vector<16xi32>, vector<16xi32>], vector<16xf32>,
        %gather3A_395 = tpu.vector_load_idx %arg7[%broadcast_in_dim3A_392, %add3A_322] : memref<8x8192xf32, #tpu.memory_space<vmem>>[vector<16xi32>, vector<16xi32>], vector<16xf32>,
        %gather3A_396 = tpu.vector_load_idx %arg7[%broadcast_in_dim3A_392, %min3A_328] : memref<8x8192xf32, #tpu.memory_space<vmem>>[vector<16xi32>, vector<16xi32>], vector<16xf32>,
        %broadcast_in_dim3A_397 = arith.constant 6 : i32
        %broadcast_in_dim3A_398 = vector.broadcast %broadcast_in_dim3A_397 : i32 to vector<16xi32>
        %gather3A_399 = tpu.vector_load_idx %arg7[%broadcast_in_dim3A_398, %max3A_319] : memref<8x8192xf32, #tpu.memory_space<vmem>>[vector<16xi32>, vector<16xi32>], vector<16xf32>,
        %gather3A_400 = tpu.vector_load_idx %arg7[%broadcast_in_dim3A_398, %bitcast3A_313] : memref<8x8192xf32, #tpu.memory_space<vmem>>[vector<16xi32>, vector<16xi32>], vector<16xf32>,
        %gather3A_401 = tpu.vector_load_idx %arg7[%broadcast_in_dim3A_398, %add3A_322] : memref<8x8192xf32, #tpu.memory_space<vmem>>[vector<16xi32>, vector<16xi32>], vector<16xf32>,
        %gather3A_402 = tpu.vector_load_idx %arg7[%broadcast_in_dim3A_398, %min3A_328] : memref<8x8192xf32, #tpu.memory_space<vmem>>[vector<16xi32>, vector<16xi32>], vector<16xf32>,
        %broadcast_in_dim3A_403 = arith.constant 7 : i32
        %broadcast_in_dim3A_404 = vector.broadcast %broadcast_in_dim3A_403 : i32 to vector<16xi32>
        %gather3A_405 = tpu.vector_load_idx %arg7[%broadcast_in_dim3A_404, %max3A_319] : memref<8x8192xf32, #tpu.memory_space<vmem>>[vector<16xi32>, vector<16xi32>], vector<16xf32>,
        %gather3A_406 = tpu.vector_load_idx %arg7[%broadcast_in_dim3A_404, %bitcast3A_313] : memref<8x8192xf32, #tpu.memory_space<vmem>>[vector<16xi32>, vector<16xi32>], vector<16xf32>,
        %gather3A_407 = tpu.vector_load_idx %arg7[%broadcast_in_dim3A_404, %add3A_322] : memref<8x8192xf32, #tpu.memory_space<vmem>>[vector<16xi32>, vector<16xi32>], vector<16xf32>,
        %gather3A_408 = tpu.vector_load_idx %arg7[%broadcast_in_dim3A_404, %min3A_328] : memref<8x8192xf32, #tpu.memory_space<vmem>>[vector<16xi32>, vector<16xi32>], vector<16xf32>,
        %mul3A_409 = arith.mulf %gather3A_387, %get3A_300 : vector<16xf32>
        %mul3A_410 = arith.mulf %gather3A_388, %get3A_304 : vector<16xf32>
        %add3A_411 = arith.addf %mul3A_409, %mul3A_410 : vector<16xf32>
        %mul3A_412 = arith.mulf %gather3A_389, %get3A_308 : vector<16xf32>
        %mul3A_413 = arith.mulf %gather3A_390, %get3A_312 : vector<16xf32>
        %add3A_414 = arith.addf %mul3A_412, %mul3A_413 : vector<16xf32>
        %add3A_415 = arith.addf %add3A_411, %add3A_414 : vector<16xf32>
        tpu.vector_store_idx %arg15[%add3A_332, %broadcast_in_dim3A_386], %add3A_415 : memref<512x8xf32, #tpu.memory_space<vmem>>[vector<16xi32>, vector<16xi32>], vector<16xf32>,
        %mul3A_416 = arith.mulf %gather3A_393, %get3A_300 : vector<16xf32>
        %mul3A_417 = arith.mulf %gather3A_394, %get3A_304 : vector<16xf32>
        %add3A_418 = arith.addf %mul3A_416, %mul3A_417 : vector<16xf32>
        %mul3A_419 = arith.mulf %gather3A_395, %get3A_308 : vector<16xf32>
        %mul3A_420 = arith.mulf %gather3A_396, %get3A_312 : vector<16xf32>
        %add3A_421 = arith.addf %mul3A_419, %mul3A_420 : vector<16xf32>
        %add3A_422 = arith.addf %add3A_418, %add3A_421 : vector<16xf32>
        tpu.vector_store_idx %arg15[%add3A_332, %broadcast_in_dim3A_392], %add3A_422 : memref<512x8xf32, #tpu.memory_space<vmem>>[vector<16xi32>, vector<16xi32>], vector<16xf32>,
        %mul3A_423 = arith.mulf %gather3A_399, %get3A_300 : vector<16xf32>
        %mul3A_424 = arith.mulf %gather3A_400, %get3A_304 : vector<16xf32>
        %add3A_425 = arith.addf %mul3A_423, %mul3A_424 : vector<16xf32>
        %mul3A_426 = arith.mulf %gather3A_401, %get3A_308 : vector<16xf32>
        %mul3A_427 = arith.mulf %gather3A_402, %get3A_312 : vector<16xf32>
        %add3A_428 = arith.addf %mul3A_426, %mul3A_427 : vector<16xf32>
        %add3A_429 = arith.addf %add3A_425, %add3A_428 : vector<16xf32>
        tpu.vector_store_idx %arg15[%add3A_332, %broadcast_in_dim3A_398], %add3A_429 : memref<512x8xf32, #tpu.memory_space<vmem>>[vector<16xi32>, vector<16xi32>], vector<16xf32>,
        %mul3A_430 = arith.mulf %gather3A_405, %get3A_300 : vector<16xf32>
        %mul3A_431 = arith.mulf %gather3A_406, %get3A_304 : vector<16xf32>
        %add3A_432 = arith.addf %mul3A_430, %mul3A_431 : vector<16xf32>
        %mul3A_433 = arith.mulf %gather3A_407, %get3A_308 : vector<16xf32>
        %mul3A_434 = arith.mulf %gather3A_408, %get3A_312 : vector<16xf32>
        %add3A_435 = arith.addf %mul3A_433, %mul3A_434 : vector<16xf32>
        %add3A_436 = arith.addf %add3A_432, %add3A_435 : vector<16xf32>
        tpu.vector_store_idx %arg15[%add3A_332, %broadcast_in_dim3A_404], %add3A_436 : memref<512x8xf32, #tpu.memory_space<vmem>>[vector<16xi32>, vector<16xi32>], vector<16xf32>,
      }
      %scan3A_51 = arith.constant 32 : i32
      %mul3A_52 = arith.constant 2048 : i32
      %mul3A_53 = arith.muli %scan3A_33, %mul3A_52 : i32
      %add3A_54 = arith.addi %mul3A_0, %mul3A_53 : i32
      %add3A_55 = arith.constant 0 : i32
      %add3A_56 = arith.addi %add3A_54, %add3A_55 : i32
      %mul3A_57 = arith.constant 8 : i32
      %mul3A_58 = arith.muli %arg1, %mul3A_57 : i32
      %dma_start3A_59 = tpu.memref_slice %arg6[%add3A_56, %mul3A_58] : memref<65536x128xf32, #tpu.memory_space<hbm>> -> memref<512x8xf32, #tpu.memory_space<hbm>>
      %dma_start3A_60 = tpu.memref_slice %arg6[%add3A_56, %mul3A_58] : memref<65536x128xf32, #tpu.memory_space<hbm>> -> memref<512x8xf32, #tpu.memory_space<hbm>>
      tpu.enqueue_dma source(%arg15 : memref<512x8xf32, #tpu.memory_space<vmem>>) target(%dma_start3A_60 : memref<512x8xf32, #tpu.memory_space<hbm>>) target_semaphore(%arg19 : memref<!tpu.dma_semaphore, #tpu.memory_space<semaphore_mem>>)
      %dma_start3A_61 = arith.constant 5120 : i32
      %dma_start3A_62 = tpu.memref_slice %arg12[%scan3A_33, %dma_start3A_61] : memref<16x10240xf32, #tpu.memory_space<vmem_shared>> -> memref<1x2560xf32, #tpu.memory_space<vmem_shared>>
      %dma_start3A_63 = tpu.memref_squeeze %dma_start3A_62 : memref<1x2560xf32, #tpu.memory_space<vmem_shared>> -> memref<2560xf32, #tpu.memory_space<vmem_shared>>
      %dma_start3A_64 = arith.constant 5120 : i32
      %dma_start3A_65 = tpu.memref_slice %arg12[%scan3A_33, %dma_start3A_64] : memref<16x10240xf32, #tpu.memory_space<vmem_shared>> -> memref<1x2560xf32, #tpu.memory_space<vmem_shared>>
      %dma_start3A_66 = tpu.memref_squeeze %dma_start3A_65 : memref<1x2560xf32, #tpu.memory_space<vmem_shared>> -> memref<2560xf32, #tpu.memory_space<vmem_shared>>
      tpu.enqueue_dma source(%dma_start3A_66 : memref<2560xf32, #tpu.memory_space<vmem_shared>>) target(%arg13 : memref<2560xf32, #tpu.memory_space<vmem>>) target_semaphore(%arg17 : memref<!tpu.dma_semaphore, #tpu.memory_space<semaphore_mem>>)
      %dma_wait3A_67 = arith.constant 0 : i32
      %dma_wait3A_68 = tpu.memref_slice %arg3[%dma_wait3A_67] : memref<65536xf32, #tpu.memory_space<hbm>> -> memref<2560xf32, #tpu.memory_space<hbm>>
      %dma_wait3A_69 = arith.constant 0 : i32
      %dma_wait3A_70 = tpu.memref_slice %arg3[%dma_wait3A_69] : memref<65536xf32, #tpu.memory_space<hbm>> -> memref<2560xf32, #tpu.memory_space<hbm>>
      tpu.wait_dma2 semaphore(%arg18 : memref<!tpu.dma_semaphore, #tpu.memory_space<semaphore_mem>>) src(%dma_wait3A_70 : memref<2560xf32, #tpu.memory_space<hbm>>) dst(%arg14 : memref<2560xf32, #tpu.memory_space<vmem>>)
      %gt3A_71 = arith.constant 0 : i32
      %gt3A_72 = arith.cmpi sgt, %scan3A_33, %gt3A_71 : i32
      %convert_element_type3A_73 = arith.extui %gt3A_72 : i1 to i32
      %cond3A_74 = arith.constant 0 : i32
      %cond3A_75 = arith.cmpi ne, %convert_element_type3A_73, %cond3A_74 : i32
      scf.if %cond3A_75 {
        %mul3A_152 = arith.constant 8 : i32
        %mul3A_153 = arith.muli %arg1, %mul3A_152 : i32
        %dma_wait3A_154 = tpu.memref_slice %arg6[%mul3A_0, %mul3A_153] : memref<65536x128xf32, #tpu.memory_space<hbm>> -> memref<512x8xf32, #tpu.memory_space<hbm>>
        %dma_wait3A_155 = tpu.memref_slice %arg6[%mul3A_0, %mul3A_153] : memref<65536x128xf32, #tpu.memory_space<hbm>> -> memref<512x8xf32, #tpu.memory_space<hbm>>
        tpu.wait_dma2 semaphore(%arg20 : memref<!tpu.dma_semaphore, #tpu.memory_space<semaphore_mem>>) src(%arg16 : memref<512x8xf32, #tpu.memory_space<vmem>>) dst(%dma_wait3A_155 : memref<512x8xf32, #tpu.memory_space<hbm>>)
      } else {
      }
      %scan3A_76 = arith.constant 0 : i32
      %scan3A_77 = arith.constant 0 : i32
      %scan3A_78 = arith.constant 32 : i32
      %scan3A_79 = arith.addi %scan3A_77, %scan3A_78 : i32
      %scan3A_80 = arith.constant 2 : i32
      scf.for %scan3A_152 = %scan3A_77 to %scan3A_79 step %scan3A_80  : i32 {
        %mul3A_153 = arith.constant 80 : i32
        %mul3A_154 = arith.muli %scan3A_152, %mul3A_153 : i32
        %get3A = arith.index_cast %mul3A_154 : i32 to index
        %get3A_155 = tpu.vector_load %arg14[%get3A] {strides = array<i32>} : memref<2560xf32, #tpu.memory_space<vmem>>, vector<16xf32>,
        %add3A_156 = arith.constant 16 : i32
        %add3A_157 = arith.addi %mul3A_154, %add3A_156 : i32
        %get3A_158 = arith.index_cast %add3A_157 : i32 to index
        %get3A_159 = tpu.vector_load %arg14[%get3A_158] {strides = array<i32>} : memref<2560xf32, #tpu.memory_space<vmem>>, vector<16xf32>,
        %add3A_160 = arith.constant 32 : i32
        %add3A_161 = arith.addi %mul3A_154, %add3A_160 : i32
        %get3A_162 = arith.index_cast %add3A_161 : i32 to index
        %get3A_163 = tpu.vector_load %arg14[%get3A_162] {strides = array<i32>} : memref<2560xf32, #tpu.memory_space<vmem>>, vector<16xf32>,
        %add3A_164 = arith.constant 48 : i32
        %add3A_165 = arith.addi %mul3A_154, %add3A_164 : i32
        %get3A_166 = arith.index_cast %add3A_165 : i32 to index
        %get3A_167 = tpu.vector_load %arg14[%get3A_166] {strides = array<i32>} : memref<2560xf32, #tpu.memory_space<vmem>>, vector<16xf32>,
        %add3A_168 = arith.constant 64 : i32
        %add3A_169 = arith.addi %mul3A_154, %add3A_168 : i32
        %get3A_170 = arith.index_cast %add3A_169 : i32 to index
        %get3A_171 = tpu.vector_load %arg14[%get3A_170] {strides = array<i32>} : memref<2560xf32, #tpu.memory_space<vmem>>, vector<16xf32>,
        %bitcast3A = vector.bitcast %get3A_155 : vector<16xf32> to vector<16xi32>
        %sub3A = arith.constant 1 : i32
        %sub3A_172 = vector.broadcast %sub3A : i32 to vector<16xi32>
        %sub3A_173 = arith.subi %bitcast3A, %sub3A_172 : vector<16xi32>
        %max3A = arith.constant 0 : i32
        %max3A_174 = vector.broadcast %max3A : i32 to vector<16xi32>
        %max3A_175 = arith.maxsi %sub3A_173, %max3A_174 : vector<16xi32>
        %add3A_176 = arith.constant 1 : i32
        %add3A_177 = vector.broadcast %add3A_176 : i32 to vector<16xi32>
        %add3A_178 = arith.addi %bitcast3A, %add3A_177 : vector<16xi32>
        %add3A_179 = arith.constant 2 : i32
        %add3A_180 = vector.broadcast %add3A_179 : i32 to vector<16xi32>
        %add3A_181 = arith.addi %bitcast3A, %add3A_180 : vector<16xi32>
        %min3A_182 = arith.constant 8191 : i32
        %min3A_183 = vector.broadcast %min3A_182 : i32 to vector<16xi32>
        %min3A_184 = arith.minsi %add3A_181, %min3A_183 : vector<16xi32>
        %mul3A_185 = arith.constant 16 : i32
        %mul3A_186 = arith.muli %scan3A_152, %mul3A_185 : i32
        %add3A_187 = vector.broadcast %mul3A_186 : i32 to vector<16xi32>
        %add3A_188 = arith.addi %add3A_187, %iota3A : vector<16xi32>
        %broadcast_in_dim3A = arith.constant 0 : i32
        %broadcast_in_dim3A_189 = vector.broadcast %broadcast_in_dim3A : i32 to vector<16xi32>
        %gather3A = tpu.vector_load_idx %arg7[%broadcast_in_dim3A_189, %max3A_175] : memref<8x8192xf32, #tpu.memory_space<vmem>>[vector<16xi32>, vector<16xi32>], vector<16xf32>,
        %gather3A_190 = tpu.vector_load_idx %arg7[%broadcast_in_dim3A_189, %bitcast3A] : memref<8x8192xf32, #tpu.memory_space<vmem>>[vector<16xi32>, vector<16xi32>], vector<16xf32>,
        %gather3A_191 = tpu.vector_load_idx %arg7[%broadcast_in_dim3A_189, %add3A_178] : memref<8x8192xf32, #tpu.memory_space<vmem>>[vector<16xi32>, vector<16xi32>], vector<16xf32>,
        %gather3A_192 = tpu.vector_load_idx %arg7[%broadcast_in_dim3A_189, %min3A_184] : memref<8x8192xf32, #tpu.memory_space<vmem>>[vector<16xi32>, vector<16xi32>], vector<16xf32>,
        %broadcast_in_dim3A_193 = arith.constant 1 : i32
        %broadcast_in_dim3A_194 = vector.broadcast %broadcast_in_dim3A_193 : i32 to vector<16xi32>
        %gather3A_195 = tpu.vector_load_idx %arg7[%broadcast_in_dim3A_194, %max3A_175] : memref<8x8192xf32, #tpu.memory_space<vmem>>[vector<16xi32>, vector<16xi32>], vector<16xf32>,
        %gather3A_196 = tpu.vector_load_idx %arg7[%broadcast_in_dim3A_194, %bitcast3A] : memref<8x8192xf32, #tpu.memory_space<vmem>>[vector<16xi32>, vector<16xi32>], vector<16xf32>,
        %gather3A_197 = tpu.vector_load_idx %arg7[%broadcast_in_dim3A_194, %add3A_178] : memref<8x8192xf32, #tpu.memory_space<vmem>>[vector<16xi32>, vector<16xi32>], vector<16xf32>,
        %gather3A_198 = tpu.vector_load_idx %arg7[%broadcast_in_dim3A_194, %min3A_184] : memref<8x8192xf32, #tpu.memory_space<vmem>>[vector<16xi32>, vector<16xi32>], vector<16xf32>,
        %broadcast_in_dim3A_199 = arith.constant 2 : i32
        %broadcast_in_dim3A_200 = vector.broadcast %broadcast_in_dim3A_199 : i32 to vector<16xi32>
        %gather3A_201 = tpu.vector_load_idx %arg7[%broadcast_in_dim3A_200, %max3A_175] : memref<8x8192xf32, #tpu.memory_space<vmem>>[vector<16xi32>, vector<16xi32>], vector<16xf32>,
        %gather3A_202 = tpu.vector_load_idx %arg7[%broadcast_in_dim3A_200, %bitcast3A] : memref<8x8192xf32, #tpu.memory_space<vmem>>[vector<16xi32>, vector<16xi32>], vector<16xf32>,
        %gather3A_203 = tpu.vector_load_idx %arg7[%broadcast_in_dim3A_200, %add3A_178] : memref<8x8192xf32, #tpu.memory_space<vmem>>[vector<16xi32>, vector<16xi32>], vector<16xf32>,
        %gather3A_204 = tpu.vector_load_idx %arg7[%broadcast_in_dim3A_200, %min3A_184] : memref<8x8192xf32, #tpu.memory_space<vmem>>[vector<16xi32>, vector<16xi32>], vector<16xf32>,
        %broadcast_in_dim3A_205 = arith.constant 3 : i32
        %broadcast_in_dim3A_206 = vector.broadcast %broadcast_in_dim3A_205 : i32 to vector<16xi32>
        %gather3A_207 = tpu.vector_load_idx %arg7[%broadcast_in_dim3A_206, %max3A_175] : memref<8x8192xf32, #tpu.memory_space<vmem>>[vector<16xi32>, vector<16xi32>], vector<16xf32>,
        %gather3A_208 = tpu.vector_load_idx %arg7[%broadcast_in_dim3A_206, %bitcast3A] : memref<8x8192xf32, #tpu.memory_space<vmem>>[vector<16xi32>, vector<16xi32>], vector<16xf32>,
        %gather3A_209 = tpu.vector_load_idx %arg7[%broadcast_in_dim3A_206, %add3A_178] : memref<8x8192xf32, #tpu.memory_space<vmem>>[vector<16xi32>, vector<16xi32>], vector<16xf32>,
        %gather3A_210 = tpu.vector_load_idx %arg7[%broadcast_in_dim3A_206, %min3A_184] : memref<8x8192xf32, #tpu.memory_space<vmem>>[vector<16xi32>, vector<16xi32>], vector<16xf32>,
        %mul3A_211 = arith.mulf %gather3A, %get3A_159 : vector<16xf32>
        %mul3A_212 = arith.mulf %gather3A_190, %get3A_163 : vector<16xf32>
        %add3A_213 = arith.addf %mul3A_211, %mul3A_212 : vector<16xf32>
        %mul3A_214 = arith.mulf %gather3A_191, %get3A_167 : vector<16xf32>
        %mul3A_215 = arith.mulf %gather3A_192, %get3A_171 : vector<16xf32>
        %add3A_216 = arith.addf %mul3A_214, %mul3A_215 : vector<16xf32>
        %add3A_217 = arith.addf %add3A_213, %add3A_216 : vector<16xf32>
        tpu.vector_store_idx %arg16[%add3A_188, %broadcast_in_dim3A_189], %add3A_217 : memref<512x8xf32, #tpu.memory_space<vmem>>[vector<16xi32>, vector<16xi32>], vector<16xf32>,
        %mul3A_218 = arith.mulf %gather3A_195, %get3A_159 : vector<16xf32>
        %mul3A_219 = arith.mulf %gather3A_196, %get3A_163 : vector<16xf32>
        %add3A_220 = arith.addf %mul3A_218, %mul3A_219 : vector<16xf32>
        %mul3A_221 = arith.mulf %gather3A_197, %get3A_167 : vector<16xf32>
        %mul3A_222 = arith.mulf %gather3A_198, %get3A_171 : vector<16xf32>
        %add3A_223 = arith.addf %mul3A_221, %mul3A_222 : vector<16xf32>
        %add3A_224 = arith.addf %add3A_220, %add3A_223 : vector<16xf32>
        tpu.vector_store_idx %arg16[%add3A_188, %broadcast_in_dim3A_194], %add3A_224 : memref<512x8xf32, #tpu.memory_space<vmem>>[vector<16xi32>, vector<16xi32>], vector<16xf32>,
        %mul3A_225 = arith.mulf %gather3A_201, %get3A_159 : vector<16xf32>
        %mul3A_226 = arith.mulf %gather3A_202, %get3A_163 : vector<16xf32>
        %add3A_227 = arith.addf %mul3A_225, %mul3A_226 : vector<16xf32>
        %mul3A_228 = arith.mulf %gather3A_203, %get3A_167 : vector<16xf32>
        %mul3A_229 = arith.mulf %gather3A_204, %get3A_171 : vector<16xf32>
        %add3A_230 = arith.addf %mul3A_228, %mul3A_229 : vector<16xf32>
        %add3A_231 = arith.addf %add3A_227, %add3A_230 : vector<16xf32>
        tpu.vector_store_idx %arg16[%add3A_188, %broadcast_in_dim3A_200], %add3A_231 : memref<512x8xf32, #tpu.memory_space<vmem>>[vector<16xi32>, vector<16xi32>], vector<16xf32>,
        %mul3A_232 = arith.mulf %gather3A_207, %get3A_159 : vector<16xf32>
        %mul3A_233 = arith.mulf %gather3A_208, %get3A_163 : vector<16xf32>
        %add3A_234 = arith.addf %mul3A_232, %mul3A_233 : vector<16xf32>
        %mul3A_235 = arith.mulf %gather3A_209, %get3A_167 : vector<16xf32>
        %mul3A_236 = arith.mulf %gather3A_210, %get3A_171 : vector<16xf32>
        %add3A_237 = arith.addf %mul3A_235, %mul3A_236 : vector<16xf32>
        %add3A_238 = arith.addf %add3A_234, %add3A_237 : vector<16xf32>
        tpu.vector_store_idx %arg16[%add3A_188, %broadcast_in_dim3A_206], %add3A_238 : memref<512x8xf32, #tpu.memory_space<vmem>>[vector<16xi32>, vector<16xi32>], vector<16xf32>,
        %broadcast_in_dim3A_239 = arith.constant 4 : i32
        %broadcast_in_dim3A_240 = vector.broadcast %broadcast_in_dim3A_239 : i32 to vector<16xi32>
        %gather3A_241 = tpu.vector_load_idx %arg7[%broadcast_in_dim3A_240, %max3A_175] : memref<8x8192xf32, #tpu.memory_space<vmem>>[vector<16xi32>, vector<16xi32>], vector<16xf32>,
        %gather3A_242 = tpu.vector_load_idx %arg7[%broadcast_in_dim3A_240, %bitcast3A] : memref<8x8192xf32, #tpu.memory_space<vmem>>[vector<16xi32>, vector<16xi32>], vector<16xf32>,
        %gather3A_243 = tpu.vector_load_idx %arg7[%broadcast_in_dim3A_240, %add3A_178] : memref<8x8192xf32, #tpu.memory_space<vmem>>[vector<16xi32>, vector<16xi32>], vector<16xf32>,
        %gather3A_244 = tpu.vector_load_idx %arg7[%broadcast_in_dim3A_240, %min3A_184] : memref<8x8192xf32, #tpu.memory_space<vmem>>[vector<16xi32>, vector<16xi32>], vector<16xf32>,
        %broadcast_in_dim3A_245 = arith.constant 5 : i32
        %broadcast_in_dim3A_246 = vector.broadcast %broadcast_in_dim3A_245 : i32 to vector<16xi32>
        %gather3A_247 = tpu.vector_load_idx %arg7[%broadcast_in_dim3A_246, %max3A_175] : memref<8x8192xf32, #tpu.memory_space<vmem>>[vector<16xi32>, vector<16xi32>], vector<16xf32>,
        %gather3A_248 = tpu.vector_load_idx %arg7[%broadcast_in_dim3A_246, %bitcast3A] : memref<8x8192xf32, #tpu.memory_space<vmem>>[vector<16xi32>, vector<16xi32>], vector<16xf32>,
        %gather3A_249 = tpu.vector_load_idx %arg7[%broadcast_in_dim3A_246, %add3A_178] : memref<8x8192xf32, #tpu.memory_space<vmem>>[vector<16xi32>, vector<16xi32>], vector<16xf32>,
        %gather3A_250 = tpu.vector_load_idx %arg7[%broadcast_in_dim3A_246, %min3A_184] : memref<8x8192xf32, #tpu.memory_space<vmem>>[vector<16xi32>, vector<16xi32>], vector<16xf32>,
        %broadcast_in_dim3A_251 = arith.constant 6 : i32
        %broadcast_in_dim3A_252 = vector.broadcast %broadcast_in_dim3A_251 : i32 to vector<16xi32>
        %gather3A_253 = tpu.vector_load_idx %arg7[%broadcast_in_dim3A_252, %max3A_175] : memref<8x8192xf32, #tpu.memory_space<vmem>>[vector<16xi32>, vector<16xi32>], vector<16xf32>,
        %gather3A_254 = tpu.vector_load_idx %arg7[%broadcast_in_dim3A_252, %bitcast3A] : memref<8x8192xf32, #tpu.memory_space<vmem>>[vector<16xi32>, vector<16xi32>], vector<16xf32>,
        %gather3A_255 = tpu.vector_load_idx %arg7[%broadcast_in_dim3A_252, %add3A_178] : memref<8x8192xf32, #tpu.memory_space<vmem>>[vector<16xi32>, vector<16xi32>], vector<16xf32>,
        %gather3A_256 = tpu.vector_load_idx %arg7[%broadcast_in_dim3A_252, %min3A_184] : memref<8x8192xf32, #tpu.memory_space<vmem>>[vector<16xi32>, vector<16xi32>], vector<16xf32>,
        %broadcast_in_dim3A_257 = arith.constant 7 : i32
        %broadcast_in_dim3A_258 = vector.broadcast %broadcast_in_dim3A_257 : i32 to vector<16xi32>
        %gather3A_259 = tpu.vector_load_idx %arg7[%broadcast_in_dim3A_258, %max3A_175] : memref<8x8192xf32, #tpu.memory_space<vmem>>[vector<16xi32>, vector<16xi32>], vector<16xf32>,
        %gather3A_260 = tpu.vector_load_idx %arg7[%broadcast_in_dim3A_258, %bitcast3A] : memref<8x8192xf32, #tpu.memory_space<vmem>>[vector<16xi32>, vector<16xi32>], vector<16xf32>,
        %gather3A_261 = tpu.vector_load_idx %arg7[%broadcast_in_dim3A_258, %add3A_178] : memref<8x8192xf32, #tpu.memory_space<vmem>>[vector<16xi32>, vector<16xi32>], vector<16xf32>,
        %gather3A_262 = tpu.vector_load_idx %arg7[%broadcast_in_dim3A_258, %min3A_184] : memref<8x8192xf32, #tpu.memory_space<vmem>>[vector<16xi32>, vector<16xi32>], vector<16xf32>,
        %mul3A_263 = arith.mulf %gather3A_241, %get3A_159 : vector<16xf32>
        %mul3A_264 = arith.mulf %gather3A_242, %get3A_163 : vector<16xf32>
        %add3A_265 = arith.addf %mul3A_263, %mul3A_264 : vector<16xf32>
        %mul3A_266 = arith.mulf %gather3A_243, %get3A_167 : vector<16xf32>
        %mul3A_267 = arith.mulf %gather3A_244, %get3A_171 : vector<16xf32>
        %add3A_268 = arith.addf %mul3A_266, %mul3A_267 : vector<16xf32>
        %add3A_269 = arith.addf %add3A_265, %add3A_268 : vector<16xf32>
        tpu.vector_store_idx %arg16[%add3A_188, %broadcast_in_dim3A_240], %add3A_269 : memref<512x8xf32, #tpu.memory_space<vmem>>[vector<16xi32>, vector<16xi32>], vector<16xf32>,
        %mul3A_270 = arith.mulf %gather3A_247, %get3A_159 : vector<16xf32>
        %mul3A_271 = arith.mulf %gather3A_248, %get3A_163 : vector<16xf32>
        %add3A_272 = arith.addf %mul3A_270, %mul3A_271 : vector<16xf32>
        %mul3A_273 = arith.mulf %gather3A_249, %get3A_167 : vector<16xf32>
        %mul3A_274 = arith.mulf %gather3A_250, %get3A_171 : vector<16xf32>
        %add3A_275 = arith.addf %mul3A_273, %mul3A_274 : vector<16xf32>
        %add3A_276 = arith.addf %add3A_272, %add3A_275 : vector<16xf32>
        tpu.vector_store_idx %arg16[%add3A_188, %broadcast_in_dim3A_246], %add3A_276 : memref<512x8xf32, #tpu.memory_space<vmem>>[vector<16xi32>, vector<16xi32>], vector<16xf32>,
        %mul3A_277 = arith.mulf %gather3A_253, %get3A_159 : vector<16xf32>
        %mul3A_278 = arith.mulf %gather3A_254, %get3A_163 : vector<16xf32>
        %add3A_279 = arith.addf %mul3A_277, %mul3A_278 : vector<16xf32>
        %mul3A_280 = arith.mulf %gather3A_255, %get3A_167 : vector<16xf32>
        %mul3A_281 = arith.mulf %gather3A_256, %get3A_171 : vector<16xf32>
        %add3A_282 = arith.addf %mul3A_280, %mul3A_281 : vector<16xf32>
        %add3A_283 = arith.addf %add3A_279, %add3A_282 : vector<16xf32>
        tpu.vector_store_idx %arg16[%add3A_188, %broadcast_in_dim3A_252], %add3A_283 : memref<512x8xf32, #tpu.memory_space<vmem>>[vector<16xi32>, vector<16xi32>], vector<16xf32>,
        %mul3A_284 = arith.mulf %gather3A_259, %get3A_159 : vector<16xf32>
        %mul3A_285 = arith.mulf %gather3A_260, %get3A_163 : vector<16xf32>
        %add3A_286 = arith.addf %mul3A_284, %mul3A_285 : vector<16xf32>
        %mul3A_287 = arith.mulf %gather3A_261, %get3A_167 : vector<16xf32>
        %mul3A_288 = arith.mulf %gather3A_262, %get3A_171 : vector<16xf32>
        %add3A_289 = arith.addf %mul3A_287, %mul3A_288 : vector<16xf32>
        %add3A_290 = arith.addf %add3A_286, %add3A_289 : vector<16xf32>
        tpu.vector_store_idx %arg16[%add3A_188, %broadcast_in_dim3A_258], %add3A_290 : memref<512x8xf32, #tpu.memory_space<vmem>>[vector<16xi32>, vector<16xi32>], vector<16xf32>,
        %scan3A_291 = arith.constant 1 : i32
        %scan3A_292 = arith.addi %scan3A_152, %scan3A_291 : i32
        %mul3A_293 = arith.constant 80 : i32
        %mul3A_294 = arith.muli %scan3A_292, %mul3A_293 : i32
        %get3A_295 = arith.index_cast %mul3A_294 : i32 to index
        %get3A_296 = tpu.vector_load %arg14[%get3A_295] {strides = array<i32>} : memref<2560xf32, #tpu.memory_space<vmem>>, vector<16xf32>,
        %add3A_297 = arith.constant 16 : i32
        %add3A_298 = arith.addi %mul3A_294, %add3A_297 : i32
        %get3A_299 = arith.index_cast %add3A_298 : i32 to index
        %get3A_300 = tpu.vector_load %arg14[%get3A_299] {strides = array<i32>} : memref<2560xf32, #tpu.memory_space<vmem>>, vector<16xf32>,
        %add3A_301 = arith.constant 32 : i32
        %add3A_302 = arith.addi %mul3A_294, %add3A_301 : i32
        %get3A_303 = arith.index_cast %add3A_302 : i32 to index
        %get3A_304 = tpu.vector_load %arg14[%get3A_303] {strides = array<i32>} : memref<2560xf32, #tpu.memory_space<vmem>>, vector<16xf32>,
        %add3A_305 = arith.constant 48 : i32
        %add3A_306 = arith.addi %mul3A_294, %add3A_305 : i32
        %get3A_307 = arith.index_cast %add3A_306 : i32 to index
        %get3A_308 = tpu.vector_load %arg14[%get3A_307] {strides = array<i32>} : memref<2560xf32, #tpu.memory_space<vmem>>, vector<16xf32>,
        %add3A_309 = arith.constant 64 : i32
        %add3A_310 = arith.addi %mul3A_294, %add3A_309 : i32
        %get3A_311 = arith.index_cast %add3A_310 : i32 to index
        %get3A_312 = tpu.vector_load %arg14[%get3A_311] {strides = array<i32>} : memref<2560xf32, #tpu.memory_space<vmem>>, vector<16xf32>,
        %bitcast3A_313 = vector.bitcast %get3A_296 : vector<16xf32> to vector<16xi32>
        %sub3A_314 = arith.constant 1 : i32
        %sub3A_315 = vector.broadcast %sub3A_314 : i32 to vector<16xi32>
        %sub3A_316 = arith.subi %bitcast3A_313, %sub3A_315 : vector<16xi32>
        %max3A_317 = arith.constant 0 : i32
        %max3A_318 = vector.broadcast %max3A_317 : i32 to vector<16xi32>
        %max3A_319 = arith.maxsi %sub3A_316, %max3A_318 : vector<16xi32>
        %add3A_320 = arith.constant 1 : i32
        %add3A_321 = vector.broadcast %add3A_320 : i32 to vector<16xi32>
        %add3A_322 = arith.addi %bitcast3A_313, %add3A_321 : vector<16xi32>
        %add3A_323 = arith.constant 2 : i32
        %add3A_324 = vector.broadcast %add3A_323 : i32 to vector<16xi32>
        %add3A_325 = arith.addi %bitcast3A_313, %add3A_324 : vector<16xi32>
        %min3A_326 = arith.constant 8191 : i32
        %min3A_327 = vector.broadcast %min3A_326 : i32 to vector<16xi32>
        %min3A_328 = arith.minsi %add3A_325, %min3A_327 : vector<16xi32>
        %mul3A_329 = arith.constant 16 : i32
        %mul3A_330 = arith.muli %scan3A_292, %mul3A_329 : i32
        %add3A_331 = vector.broadcast %mul3A_330 : i32 to vector<16xi32>
        %add3A_332 = arith.addi %add3A_331, %iota3A : vector<16xi32>
        %broadcast_in_dim3A_333 = arith.constant 0 : i32
        %broadcast_in_dim3A_334 = vector.broadcast %broadcast_in_dim3A_333 : i32 to vector<16xi32>
        %gather3A_335 = tpu.vector_load_idx %arg7[%broadcast_in_dim3A_334, %max3A_319] : memref<8x8192xf32, #tpu.memory_space<vmem>>[vector<16xi32>, vector<16xi32>], vector<16xf32>,
        %gather3A_336 = tpu.vector_load_idx %arg7[%broadcast_in_dim3A_334, %bitcast3A_313] : memref<8x8192xf32, #tpu.memory_space<vmem>>[vector<16xi32>, vector<16xi32>], vector<16xf32>,
        %gather3A_337 = tpu.vector_load_idx %arg7[%broadcast_in_dim3A_334, %add3A_322] : memref<8x8192xf32, #tpu.memory_space<vmem>>[vector<16xi32>, vector<16xi32>], vector<16xf32>,
        %gather3A_338 = tpu.vector_load_idx %arg7[%broadcast_in_dim3A_334, %min3A_328] : memref<8x8192xf32, #tpu.memory_space<vmem>>[vector<16xi32>, vector<16xi32>], vector<16xf32>,
        %broadcast_in_dim3A_339 = arith.constant 1 : i32
        %broadcast_in_dim3A_340 = vector.broadcast %broadcast_in_dim3A_339 : i32 to vector<16xi32>
        %gather3A_341 = tpu.vector_load_idx %arg7[%broadcast_in_dim3A_340, %max3A_319] : memref<8x8192xf32, #tpu.memory_space<vmem>>[vector<16xi32>, vector<16xi32>], vector<16xf32>,
        %gather3A_342 = tpu.vector_load_idx %arg7[%broadcast_in_dim3A_340, %bitcast3A_313] : memref<8x8192xf32, #tpu.memory_space<vmem>>[vector<16xi32>, vector<16xi32>], vector<16xf32>,
        %gather3A_343 = tpu.vector_load_idx %arg7[%broadcast_in_dim3A_340, %add3A_322] : memref<8x8192xf32, #tpu.memory_space<vmem>>[vector<16xi32>, vector<16xi32>], vector<16xf32>,
        %gather3A_344 = tpu.vector_load_idx %arg7[%broadcast_in_dim3A_340, %min3A_328] : memref<8x8192xf32, #tpu.memory_space<vmem>>[vector<16xi32>, vector<16xi32>], vector<16xf32>,
        %broadcast_in_dim3A_345 = arith.constant 2 : i32
        %broadcast_in_dim3A_346 = vector.broadcast %broadcast_in_dim3A_345 : i32 to vector<16xi32>
        %gather3A_347 = tpu.vector_load_idx %arg7[%broadcast_in_dim3A_346, %max3A_319] : memref<8x8192xf32, #tpu.memory_space<vmem>>[vector<16xi32>, vector<16xi32>], vector<16xf32>,
        %gather3A_348 = tpu.vector_load_idx %arg7[%broadcast_in_dim3A_346, %bitcast3A_313] : memref<8x8192xf32, #tpu.memory_space<vmem>>[vector<16xi32>, vector<16xi32>], vector<16xf32>,
        %gather3A_349 = tpu.vector_load_idx %arg7[%broadcast_in_dim3A_346, %add3A_322] : memref<8x8192xf32, #tpu.memory_space<vmem>>[vector<16xi32>, vector<16xi32>], vector<16xf32>,
        %gather3A_350 = tpu.vector_load_idx %arg7[%broadcast_in_dim3A_346, %min3A_328] : memref<8x8192xf32, #tpu.memory_space<vmem>>[vector<16xi32>, vector<16xi32>], vector<16xf32>,
        %broadcast_in_dim3A_351 = arith.constant 3 : i32
        %broadcast_in_dim3A_352 = vector.broadcast %broadcast_in_dim3A_351 : i32 to vector<16xi32>
        %gather3A_353 = tpu.vector_load_idx %arg7[%broadcast_in_dim3A_352, %max3A_319] : memref<8x8192xf32, #tpu.memory_space<vmem>>[vector<16xi32>, vector<16xi32>], vector<16xf32>,
        %gather3A_354 = tpu.vector_load_idx %arg7[%broadcast_in_dim3A_352, %bitcast3A_313] : memref<8x8192xf32, #tpu.memory_space<vmem>>[vector<16xi32>, vector<16xi32>], vector<16xf32>,
        %gather3A_355 = tpu.vector_load_idx %arg7[%broadcast_in_dim3A_352, %add3A_322] : memref<8x8192xf32, #tpu.memory_space<vmem>>[vector<16xi32>, vector<16xi32>], vector<16xf32>,
        %gather3A_356 = tpu.vector_load_idx %arg7[%broadcast_in_dim3A_352, %min3A_328] : memref<8x8192xf32, #tpu.memory_space<vmem>>[vector<16xi32>, vector<16xi32>], vector<16xf32>,
        %mul3A_357 = arith.mulf %gather3A_335, %get3A_300 : vector<16xf32>
        %mul3A_358 = arith.mulf %gather3A_336, %get3A_304 : vector<16xf32>
        %add3A_359 = arith.addf %mul3A_357, %mul3A_358 : vector<16xf32>
        %mul3A_360 = arith.mulf %gather3A_337, %get3A_308 : vector<16xf32>
        %mul3A_361 = arith.mulf %gather3A_338, %get3A_312 : vector<16xf32>
        %add3A_362 = arith.addf %mul3A_360, %mul3A_361 : vector<16xf32>
        %add3A_363 = arith.addf %add3A_359, %add3A_362 : vector<16xf32>
        tpu.vector_store_idx %arg16[%add3A_332, %broadcast_in_dim3A_334], %add3A_363 : memref<512x8xf32, #tpu.memory_space<vmem>>[vector<16xi32>, vector<16xi32>], vector<16xf32>,
        %mul3A_364 = arith.mulf %gather3A_341, %get3A_300 : vector<16xf32>
        %mul3A_365 = arith.mulf %gather3A_342, %get3A_304 : vector<16xf32>
        %add3A_366 = arith.addf %mul3A_364, %mul3A_365 : vector<16xf32>
        %mul3A_367 = arith.mulf %gather3A_343, %get3A_308 : vector<16xf32>
        %mul3A_368 = arith.mulf %gather3A_344, %get3A_312 : vector<16xf32>
        %add3A_369 = arith.addf %mul3A_367, %mul3A_368 : vector<16xf32>
        %add3A_370 = arith.addf %add3A_366, %add3A_369 : vector<16xf32>
        tpu.vector_store_idx %arg16[%add3A_332, %broadcast_in_dim3A_340], %add3A_370 : memref<512x8xf32, #tpu.memory_space<vmem>>[vector<16xi32>, vector<16xi32>], vector<16xf32>,
        %mul3A_371 = arith.mulf %gather3A_347, %get3A_300 : vector<16xf32>
        %mul3A_372 = arith.mulf %gather3A_348, %get3A_304 : vector<16xf32>
        %add3A_373 = arith.addf %mul3A_371, %mul3A_372 : vector<16xf32>
        %mul3A_374 = arith.mulf %gather3A_349, %get3A_308 : vector<16xf32>
        %mul3A_375 = arith.mulf %gather3A_350, %get3A_312 : vector<16xf32>
        %add3A_376 = arith.addf %mul3A_374, %mul3A_375 : vector<16xf32>
        %add3A_377 = arith.addf %add3A_373, %add3A_376 : vector<16xf32>
        tpu.vector_store_idx %arg16[%add3A_332, %broadcast_in_dim3A_346], %add3A_377 : memref<512x8xf32, #tpu.memory_space<vmem>>[vector<16xi32>, vector<16xi32>], vector<16xf32>,
        %mul3A_378 = arith.mulf %gather3A_353, %get3A_300 : vector<16xf32>
        %mul3A_379 = arith.mulf %gather3A_354, %get3A_304 : vector<16xf32>
        %add3A_380 = arith.addf %mul3A_378, %mul3A_379 : vector<16xf32>
        %mul3A_381 = arith.mulf %gather3A_355, %get3A_308 : vector<16xf32>
        %mul3A_382 = arith.mulf %gather3A_356, %get3A_312 : vector<16xf32>
        %add3A_383 = arith.addf %mul3A_381, %mul3A_382 : vector<16xf32>
        %add3A_384 = arith.addf %add3A_380, %add3A_383 : vector<16xf32>
        tpu.vector_store_idx %arg16[%add3A_332, %broadcast_in_dim3A_352], %add3A_384 : memref<512x8xf32, #tpu.memory_space<vmem>>[vector<16xi32>, vector<16xi32>], vector<16xf32>,
        %broadcast_in_dim3A_385 = arith.constant 4 : i32
        %broadcast_in_dim3A_386 = vector.broadcast %broadcast_in_dim3A_385 : i32 to vector<16xi32>
        %gather3A_387 = tpu.vector_load_idx %arg7[%broadcast_in_dim3A_386, %max3A_319] : memref<8x8192xf32, #tpu.memory_space<vmem>>[vector<16xi32>, vector<16xi32>], vector<16xf32>,
        %gather3A_388 = tpu.vector_load_idx %arg7[%broadcast_in_dim3A_386, %bitcast3A_313] : memref<8x8192xf32, #tpu.memory_space<vmem>>[vector<16xi32>, vector<16xi32>], vector<16xf32>,
        %gather3A_389 = tpu.vector_load_idx %arg7[%broadcast_in_dim3A_386, %add3A_322] : memref<8x8192xf32, #tpu.memory_space<vmem>>[vector<16xi32>, vector<16xi32>], vector<16xf32>,
        %gather3A_390 = tpu.vector_load_idx %arg7[%broadcast_in_dim3A_386, %min3A_328] : memref<8x8192xf32, #tpu.memory_space<vmem>>[vector<16xi32>, vector<16xi32>], vector<16xf32>,
        %broadcast_in_dim3A_391 = arith.constant 5 : i32
        %broadcast_in_dim3A_392 = vector.broadcast %broadcast_in_dim3A_391 : i32 to vector<16xi32>
        %gather3A_393 = tpu.vector_load_idx %arg7[%broadcast_in_dim3A_392, %max3A_319] : memref<8x8192xf32, #tpu.memory_space<vmem>>[vector<16xi32>, vector<16xi32>], vector<16xf32>,
        %gather3A_394 = tpu.vector_load_idx %arg7[%broadcast_in_dim3A_392, %bitcast3A_313] : memref<8x8192xf32, #tpu.memory_space<vmem>>[vector<16xi32>, vector<16xi32>], vector<16xf32>,
        %gather3A_395 = tpu.vector_load_idx %arg7[%broadcast_in_dim3A_392, %add3A_322] : memref<8x8192xf32, #tpu.memory_space<vmem>>[vector<16xi32>, vector<16xi32>], vector<16xf32>,
        %gather3A_396 = tpu.vector_load_idx %arg7[%broadcast_in_dim3A_392, %min3A_328] : memref<8x8192xf32, #tpu.memory_space<vmem>>[vector<16xi32>, vector<16xi32>], vector<16xf32>,
        %broadcast_in_dim3A_397 = arith.constant 6 : i32
        %broadcast_in_dim3A_398 = vector.broadcast %broadcast_in_dim3A_397 : i32 to vector<16xi32>
        %gather3A_399 = tpu.vector_load_idx %arg7[%broadcast_in_dim3A_398, %max3A_319] : memref<8x8192xf32, #tpu.memory_space<vmem>>[vector<16xi32>, vector<16xi32>], vector<16xf32>,
        %gather3A_400 = tpu.vector_load_idx %arg7[%broadcast_in_dim3A_398, %bitcast3A_313] : memref<8x8192xf32, #tpu.memory_space<vmem>>[vector<16xi32>, vector<16xi32>], vector<16xf32>,
        %gather3A_401 = tpu.vector_load_idx %arg7[%broadcast_in_dim3A_398, %add3A_322] : memref<8x8192xf32, #tpu.memory_space<vmem>>[vector<16xi32>, vector<16xi32>], vector<16xf32>,
        %gather3A_402 = tpu.vector_load_idx %arg7[%broadcast_in_dim3A_398, %min3A_328] : memref<8x8192xf32, #tpu.memory_space<vmem>>[vector<16xi32>, vector<16xi32>], vector<16xf32>,
        %broadcast_in_dim3A_403 = arith.constant 7 : i32
        %broadcast_in_dim3A_404 = vector.broadcast %broadcast_in_dim3A_403 : i32 to vector<16xi32>
        %gather3A_405 = tpu.vector_load_idx %arg7[%broadcast_in_dim3A_404, %max3A_319] : memref<8x8192xf32, #tpu.memory_space<vmem>>[vector<16xi32>, vector<16xi32>], vector<16xf32>,
        %gather3A_406 = tpu.vector_load_idx %arg7[%broadcast_in_dim3A_404, %bitcast3A_313] : memref<8x8192xf32, #tpu.memory_space<vmem>>[vector<16xi32>, vector<16xi32>], vector<16xf32>,
        %gather3A_407 = tpu.vector_load_idx %arg7[%broadcast_in_dim3A_404, %add3A_322] : memref<8x8192xf32, #tpu.memory_space<vmem>>[vector<16xi32>, vector<16xi32>], vector<16xf32>,
        %gather3A_408 = tpu.vector_load_idx %arg7[%broadcast_in_dim3A_404, %min3A_328] : memref<8x8192xf32, #tpu.memory_space<vmem>>[vector<16xi32>, vector<16xi32>], vector<16xf32>,
        %mul3A_409 = arith.mulf %gather3A_387, %get3A_300 : vector<16xf32>
        %mul3A_410 = arith.mulf %gather3A_388, %get3A_304 : vector<16xf32>
        %add3A_411 = arith.addf %mul3A_409, %mul3A_410 : vector<16xf32>
        %mul3A_412 = arith.mulf %gather3A_389, %get3A_308 : vector<16xf32>
        %mul3A_413 = arith.mulf %gather3A_390, %get3A_312 : vector<16xf32>
        %add3A_414 = arith.addf %mul3A_412, %mul3A_413 : vector<16xf32>
        %add3A_415 = arith.addf %add3A_411, %add3A_414 : vector<16xf32>
        tpu.vector_store_idx %arg16[%add3A_332, %broadcast_in_dim3A_386], %add3A_415 : memref<512x8xf32, #tpu.memory_space<vmem>>[vector<16xi32>, vector<16xi32>], vector<16xf32>,
        %mul3A_416 = arith.mulf %gather3A_393, %get3A_300 : vector<16xf32>
        %mul3A_417 = arith.mulf %gather3A_394, %get3A_304 : vector<16xf32>
        %add3A_418 = arith.addf %mul3A_416, %mul3A_417 : vector<16xf32>
        %mul3A_419 = arith.mulf %gather3A_395, %get3A_308 : vector<16xf32>
        %mul3A_420 = arith.mulf %gather3A_396, %get3A_312 : vector<16xf32>
        %add3A_421 = arith.addf %mul3A_419, %mul3A_420 : vector<16xf32>
        %add3A_422 = arith.addf %add3A_418, %add3A_421 : vector<16xf32>
        tpu.vector_store_idx %arg16[%add3A_332, %broadcast_in_dim3A_392], %add3A_422 : memref<512x8xf32, #tpu.memory_space<vmem>>[vector<16xi32>, vector<16xi32>], vector<16xf32>,
        %mul3A_423 = arith.mulf %gather3A_399, %get3A_300 : vector<16xf32>
        %mul3A_424 = arith.mulf %gather3A_400, %get3A_304 : vector<16xf32>
        %add3A_425 = arith.addf %mul3A_423, %mul3A_424 : vector<16xf32>
        %mul3A_426 = arith.mulf %gather3A_401, %get3A_308 : vector<16xf32>
        %mul3A_427 = arith.mulf %gather3A_402, %get3A_312 : vector<16xf32>
        %add3A_428 = arith.addf %mul3A_426, %mul3A_427 : vector<16xf32>
        %add3A_429 = arith.addf %add3A_425, %add3A_428 : vector<16xf32>
        tpu.vector_store_idx %arg16[%add3A_332, %broadcast_in_dim3A_398], %add3A_429 : memref<512x8xf32, #tpu.memory_space<vmem>>[vector<16xi32>, vector<16xi32>], vector<16xf32>,
        %mul3A_430 = arith.mulf %gather3A_405, %get3A_300 : vector<16xf32>
        %mul3A_431 = arith.mulf %gather3A_406, %get3A_304 : vector<16xf32>
        %add3A_432 = arith.addf %mul3A_430, %mul3A_431 : vector<16xf32>
        %mul3A_433 = arith.mulf %gather3A_407, %get3A_308 : vector<16xf32>
        %mul3A_434 = arith.mulf %gather3A_408, %get3A_312 : vector<16xf32>
        %add3A_435 = arith.addf %mul3A_433, %mul3A_434 : vector<16xf32>
        %add3A_436 = arith.addf %add3A_432, %add3A_435 : vector<16xf32>
        tpu.vector_store_idx %arg16[%add3A_332, %broadcast_in_dim3A_404], %add3A_436 : memref<512x8xf32, #tpu.memory_space<vmem>>[vector<16xi32>, vector<16xi32>], vector<16xf32>,
      }
      %scan3A_81 = arith.constant 32 : i32
      %mul3A_82 = arith.constant 2048 : i32
      %mul3A_83 = arith.muli %scan3A_33, %mul3A_82 : i32
      %add3A_84 = arith.addi %mul3A_0, %mul3A_83 : i32
      %add3A_85 = arith.constant 512 : i32
      %add3A_86 = arith.addi %add3A_84, %add3A_85 : i32
      %mul3A_87 = arith.constant 8 : i32
      %mul3A_88 = arith.muli %arg1, %mul3A_87 : i32
      %dma_start3A_89 = tpu.memref_slice %arg6[%add3A_86, %mul3A_88] : memref<65536x128xf32, #tpu.memory_space<hbm>> -> memref<512x8xf32, #tpu.memory_space<hbm>>
      %dma_start3A_90 = tpu.memref_slice %arg6[%add3A_86, %mul3A_88] : memref<65536x128xf32, #tpu.memory_space<hbm>> -> memref<512x8xf32, #tpu.memory_space<hbm>>
      tpu.enqueue_dma source(%arg16 : memref<512x8xf32, #tpu.memory_space<vmem>>) target(%dma_start3A_90 : memref<512x8xf32, #tpu.memory_space<hbm>>) target_semaphore(%arg20 : memref<!tpu.dma_semaphore, #tpu.memory_space<semaphore_mem>>)
      %dma_start3A_91 = arith.constant 7680 : i32
      %dma_start3A_92 = tpu.memref_slice %arg12[%scan3A_33, %dma_start3A_91] : memref<16x10240xf32, #tpu.memory_space<vmem_shared>> -> memref<1x2560xf32, #tpu.memory_space<vmem_shared>>
      %dma_start3A_93 = tpu.memref_squeeze %dma_start3A_92 : memref<1x2560xf32, #tpu.memory_space<vmem_shared>> -> memref<2560xf32, #tpu.memory_space<vmem_shared>>
      %dma_start3A_94 = arith.constant 7680 : i32
      %dma_start3A_95 = tpu.memref_slice %arg12[%scan3A_33, %dma_start3A_94] : memref<16x10240xf32, #tpu.memory_space<vmem_shared>> -> memref<1x2560xf32, #tpu.memory_space<vmem_shared>>
      %dma_start3A_96 = tpu.memref_squeeze %dma_start3A_95 : memref<1x2560xf32, #tpu.memory_space<vmem_shared>> -> memref<2560xf32, #tpu.memory_space<vmem_shared>>
      tpu.enqueue_dma source(%dma_start3A_96 : memref<2560xf32, #tpu.memory_space<vmem_shared>>) target(%arg14 : memref<2560xf32, #tpu.memory_space<vmem>>) target_semaphore(%arg18 : memref<!tpu.dma_semaphore, #tpu.memory_space<semaphore_mem>>)
      %dma_wait3A_97 = arith.constant 0 : i32
      %dma_wait3A_98 = tpu.memref_slice %arg3[%dma_wait3A_97] : memref<65536xf32, #tpu.memory_space<hbm>> -> memref<2560xf32, #tpu.memory_space<hbm>>
      %dma_wait3A_99 = arith.constant 0 : i32
      %dma_wait3A_100 = tpu.memref_slice %arg3[%dma_wait3A_99] : memref<65536xf32, #tpu.memory_space<hbm>> -> memref<2560xf32, #tpu.memory_space<hbm>>
      tpu.wait_dma2 semaphore(%arg17 : memref<!tpu.dma_semaphore, #tpu.memory_space<semaphore_mem>>) src(%dma_wait3A_100 : memref<2560xf32, #tpu.memory_space<hbm>>) dst(%arg13 : memref<2560xf32, #tpu.memory_space<vmem>>)
      %mul3A_101 = arith.constant 8 : i32
      %mul3A_102 = arith.muli %arg1, %mul3A_101 : i32
      %dma_wait3A_103 = tpu.memref_slice %arg6[%mul3A_0, %mul3A_102] : memref<65536x128xf32, #tpu.memory_space<hbm>> -> memref<512x8xf32, #tpu.memory_space<hbm>>
      %dma_wait3A_104 = tpu.memref_slice %arg6[%mul3A_0, %mul3A_102] : memref<65536x128xf32, #tpu.memory_space<hbm>> -> memref<512x8xf32, #tpu.memory_space<hbm>>
      tpu.wait_dma2 semaphore(%arg19 : memref<!tpu.dma_semaphore, #tpu.memory_space<semaphore_mem>>) src(%arg15 : memref<512x8xf32, #tpu.memory_space<vmem>>) dst(%dma_wait3A_104 : memref<512x8xf32, #tpu.memory_space<hbm>>)
      %scan3A_105 = arith.constant 0 : i32
      %scan3A_106 = arith.constant 0 : i32
      %scan3A_107 = arith.constant 32 : i32
      %scan3A_108 = arith.addi %scan3A_106, %scan3A_107 : i32
      %scan3A_109 = arith.constant 2 : i32
      scf.for %scan3A_152 = %scan3A_106 to %scan3A_108 step %scan3A_109  : i32 {
        %mul3A_153 = arith.constant 80 : i32
        %mul3A_154 = arith.muli %scan3A_152, %mul3A_153 : i32
        %get3A = arith.index_cast %mul3A_154 : i32 to index
        %get3A_155 = tpu.vector_load %arg13[%get3A] {strides = array<i32>} : memref<2560xf32, #tpu.memory_space<vmem>>, vector<16xf32>,
        %add3A_156 = arith.constant 16 : i32
        %add3A_157 = arith.addi %mul3A_154, %add3A_156 : i32
        %get3A_158 = arith.index_cast %add3A_157 : i32 to index
        %get3A_159 = tpu.vector_load %arg13[%get3A_158] {strides = array<i32>} : memref<2560xf32, #tpu.memory_space<vmem>>, vector<16xf32>,
        %add3A_160 = arith.constant 32 : i32
        %add3A_161 = arith.addi %mul3A_154, %add3A_160 : i32
        %get3A_162 = arith.index_cast %add3A_161 : i32 to index
        %get3A_163 = tpu.vector_load %arg13[%get3A_162] {strides = array<i32>} : memref<2560xf32, #tpu.memory_space<vmem>>, vector<16xf32>,
        %add3A_164 = arith.constant 48 : i32
        %add3A_165 = arith.addi %mul3A_154, %add3A_164 : i32
        %get3A_166 = arith.index_cast %add3A_165 : i32 to index
        %get3A_167 = tpu.vector_load %arg13[%get3A_166] {strides = array<i32>} : memref<2560xf32, #tpu.memory_space<vmem>>, vector<16xf32>,
        %add3A_168 = arith.constant 64 : i32
        %add3A_169 = arith.addi %mul3A_154, %add3A_168 : i32
        %get3A_170 = arith.index_cast %add3A_169 : i32 to index
        %get3A_171 = tpu.vector_load %arg13[%get3A_170] {strides = array<i32>} : memref<2560xf32, #tpu.memory_space<vmem>>, vector<16xf32>,
        %bitcast3A = vector.bitcast %get3A_155 : vector<16xf32> to vector<16xi32>
        %sub3A = arith.constant 1 : i32
        %sub3A_172 = vector.broadcast %sub3A : i32 to vector<16xi32>
        %sub3A_173 = arith.subi %bitcast3A, %sub3A_172 : vector<16xi32>
        %max3A = arith.constant 0 : i32
        %max3A_174 = vector.broadcast %max3A : i32 to vector<16xi32>
        %max3A_175 = arith.maxsi %sub3A_173, %max3A_174 : vector<16xi32>
        %add3A_176 = arith.constant 1 : i32
        %add3A_177 = vector.broadcast %add3A_176 : i32 to vector<16xi32>
        %add3A_178 = arith.addi %bitcast3A, %add3A_177 : vector<16xi32>
        %add3A_179 = arith.constant 2 : i32
        %add3A_180 = vector.broadcast %add3A_179 : i32 to vector<16xi32>
        %add3A_181 = arith.addi %bitcast3A, %add3A_180 : vector<16xi32>
        %min3A_182 = arith.constant 8191 : i32
        %min3A_183 = vector.broadcast %min3A_182 : i32 to vector<16xi32>
        %min3A_184 = arith.minsi %add3A_181, %min3A_183 : vector<16xi32>
        %mul3A_185 = arith.constant 16 : i32
        %mul3A_186 = arith.muli %scan3A_152, %mul3A_185 : i32
        %add3A_187 = vector.broadcast %mul3A_186 : i32 to vector<16xi32>
        %add3A_188 = arith.addi %add3A_187, %iota3A : vector<16xi32>
        %broadcast_in_dim3A = arith.constant 0 : i32
        %broadcast_in_dim3A_189 = vector.broadcast %broadcast_in_dim3A : i32 to vector<16xi32>
        %gather3A = tpu.vector_load_idx %arg7[%broadcast_in_dim3A_189, %max3A_175] : memref<8x8192xf32, #tpu.memory_space<vmem>>[vector<16xi32>, vector<16xi32>], vector<16xf32>,
        %gather3A_190 = tpu.vector_load_idx %arg7[%broadcast_in_dim3A_189, %bitcast3A] : memref<8x8192xf32, #tpu.memory_space<vmem>>[vector<16xi32>, vector<16xi32>], vector<16xf32>,
        %gather3A_191 = tpu.vector_load_idx %arg7[%broadcast_in_dim3A_189, %add3A_178] : memref<8x8192xf32, #tpu.memory_space<vmem>>[vector<16xi32>, vector<16xi32>], vector<16xf32>,
        %gather3A_192 = tpu.vector_load_idx %arg7[%broadcast_in_dim3A_189, %min3A_184] : memref<8x8192xf32, #tpu.memory_space<vmem>>[vector<16xi32>, vector<16xi32>], vector<16xf32>,
        %broadcast_in_dim3A_193 = arith.constant 1 : i32
        %broadcast_in_dim3A_194 = vector.broadcast %broadcast_in_dim3A_193 : i32 to vector<16xi32>
        %gather3A_195 = tpu.vector_load_idx %arg7[%broadcast_in_dim3A_194, %max3A_175] : memref<8x8192xf32, #tpu.memory_space<vmem>>[vector<16xi32>, vector<16xi32>], vector<16xf32>,
        %gather3A_196 = tpu.vector_load_idx %arg7[%broadcast_in_dim3A_194, %bitcast3A] : memref<8x8192xf32, #tpu.memory_space<vmem>>[vector<16xi32>, vector<16xi32>], vector<16xf32>,
        %gather3A_197 = tpu.vector_load_idx %arg7[%broadcast_in_dim3A_194, %add3A_178] : memref<8x8192xf32, #tpu.memory_space<vmem>>[vector<16xi32>, vector<16xi32>], vector<16xf32>,
        %gather3A_198 = tpu.vector_load_idx %arg7[%broadcast_in_dim3A_194, %min3A_184] : memref<8x8192xf32, #tpu.memory_space<vmem>>[vector<16xi32>, vector<16xi32>], vector<16xf32>,
        %broadcast_in_dim3A_199 = arith.constant 2 : i32
        %broadcast_in_dim3A_200 = vector.broadcast %broadcast_in_dim3A_199 : i32 to vector<16xi32>
        %gather3A_201 = tpu.vector_load_idx %arg7[%broadcast_in_dim3A_200, %max3A_175] : memref<8x8192xf32, #tpu.memory_space<vmem>>[vector<16xi32>, vector<16xi32>], vector<16xf32>,
        %gather3A_202 = tpu.vector_load_idx %arg7[%broadcast_in_dim3A_200, %bitcast3A] : memref<8x8192xf32, #tpu.memory_space<vmem>>[vector<16xi32>, vector<16xi32>], vector<16xf32>,
        %gather3A_203 = tpu.vector_load_idx %arg7[%broadcast_in_dim3A_200, %add3A_178] : memref<8x8192xf32, #tpu.memory_space<vmem>>[vector<16xi32>, vector<16xi32>], vector<16xf32>,
        %gather3A_204 = tpu.vector_load_idx %arg7[%broadcast_in_dim3A_200, %min3A_184] : memref<8x8192xf32, #tpu.memory_space<vmem>>[vector<16xi32>, vector<16xi32>], vector<16xf32>,
        %broadcast_in_dim3A_205 = arith.constant 3 : i32
        %broadcast_in_dim3A_206 = vector.broadcast %broadcast_in_dim3A_205 : i32 to vector<16xi32>
        %gather3A_207 = tpu.vector_load_idx %arg7[%broadcast_in_dim3A_206, %max3A_175] : memref<8x8192xf32, #tpu.memory_space<vmem>>[vector<16xi32>, vector<16xi32>], vector<16xf32>,
        %gather3A_208 = tpu.vector_load_idx %arg7[%broadcast_in_dim3A_206, %bitcast3A] : memref<8x8192xf32, #tpu.memory_space<vmem>>[vector<16xi32>, vector<16xi32>], vector<16xf32>,
        %gather3A_209 = tpu.vector_load_idx %arg7[%broadcast_in_dim3A_206, %add3A_178] : memref<8x8192xf32, #tpu.memory_space<vmem>>[vector<16xi32>, vector<16xi32>], vector<16xf32>,
        %gather3A_210 = tpu.vector_load_idx %arg7[%broadcast_in_dim3A_206, %min3A_184] : memref<8x8192xf32, #tpu.memory_space<vmem>>[vector<16xi32>, vector<16xi32>], vector<16xf32>,
        %mul3A_211 = arith.mulf %gather3A, %get3A_159 : vector<16xf32>
        %mul3A_212 = arith.mulf %gather3A_190, %get3A_163 : vector<16xf32>
        %add3A_213 = arith.addf %mul3A_211, %mul3A_212 : vector<16xf32>
        %mul3A_214 = arith.mulf %gather3A_191, %get3A_167 : vector<16xf32>
        %mul3A_215 = arith.mulf %gather3A_192, %get3A_171 : vector<16xf32>
        %add3A_216 = arith.addf %mul3A_214, %mul3A_215 : vector<16xf32>
        %add3A_217 = arith.addf %add3A_213, %add3A_216 : vector<16xf32>
        tpu.vector_store_idx %arg15[%add3A_188, %broadcast_in_dim3A_189], %add3A_217 : memref<512x8xf32, #tpu.memory_space<vmem>>[vector<16xi32>, vector<16xi32>], vector<16xf32>,
        %mul3A_218 = arith.mulf %gather3A_195, %get3A_159 : vector<16xf32>
        %mul3A_219 = arith.mulf %gather3A_196, %get3A_163 : vector<16xf32>
        %add3A_220 = arith.addf %mul3A_218, %mul3A_219 : vector<16xf32>
        %mul3A_221 = arith.mulf %gather3A_197, %get3A_167 : vector<16xf32>
        %mul3A_222 = arith.mulf %gather3A_198, %get3A_171 : vector<16xf32>
        %add3A_223 = arith.addf %mul3A_221, %mul3A_222 : vector<16xf32>
        %add3A_224 = arith.addf %add3A_220, %add3A_223 : vector<16xf32>
        tpu.vector_store_idx %arg15[%add3A_188, %broadcast_in_dim3A_194], %add3A_224 : memref<512x8xf32, #tpu.memory_space<vmem>>[vector<16xi32>, vector<16xi32>], vector<16xf32>,
        %mul3A_225 = arith.mulf %gather3A_201, %get3A_159 : vector<16xf32>
        %mul3A_226 = arith.mulf %gather3A_202, %get3A_163 : vector<16xf32>
        %add3A_227 = arith.addf %mul3A_225, %mul3A_226 : vector<16xf32>
        %mul3A_228 = arith.mulf %gather3A_203, %get3A_167 : vector<16xf32>
        %mul3A_229 = arith.mulf %gather3A_204, %get3A_171 : vector<16xf32>
        %add3A_230 = arith.addf %mul3A_228, %mul3A_229 : vector<16xf32>
        %add3A_231 = arith.addf %add3A_227, %add3A_230 : vector<16xf32>
        tpu.vector_store_idx %arg15[%add3A_188, %broadcast_in_dim3A_200], %add3A_231 : memref<512x8xf32, #tpu.memory_space<vmem>>[vector<16xi32>, vector<16xi32>], vector<16xf32>,
        %mul3A_232 = arith.mulf %gather3A_207, %get3A_159 : vector<16xf32>
        %mul3A_233 = arith.mulf %gather3A_208, %get3A_163 : vector<16xf32>
        %add3A_234 = arith.addf %mul3A_232, %mul3A_233 : vector<16xf32>
        %mul3A_235 = arith.mulf %gather3A_209, %get3A_167 : vector<16xf32>
        %mul3A_236 = arith.mulf %gather3A_210, %get3A_171 : vector<16xf32>
        %add3A_237 = arith.addf %mul3A_235, %mul3A_236 : vector<16xf32>
        %add3A_238 = arith.addf %add3A_234, %add3A_237 : vector<16xf32>
        tpu.vector_store_idx %arg15[%add3A_188, %broadcast_in_dim3A_206], %add3A_238 : memref<512x8xf32, #tpu.memory_space<vmem>>[vector<16xi32>, vector<16xi32>], vector<16xf32>,
        %broadcast_in_dim3A_239 = arith.constant 4 : i32
        %broadcast_in_dim3A_240 = vector.broadcast %broadcast_in_dim3A_239 : i32 to vector<16xi32>
        %gather3A_241 = tpu.vector_load_idx %arg7[%broadcast_in_dim3A_240, %max3A_175] : memref<8x8192xf32, #tpu.memory_space<vmem>>[vector<16xi32>, vector<16xi32>], vector<16xf32>,
        %gather3A_242 = tpu.vector_load_idx %arg7[%broadcast_in_dim3A_240, %bitcast3A] : memref<8x8192xf32, #tpu.memory_space<vmem>>[vector<16xi32>, vector<16xi32>], vector<16xf32>,
        %gather3A_243 = tpu.vector_load_idx %arg7[%broadcast_in_dim3A_240, %add3A_178] : memref<8x8192xf32, #tpu.memory_space<vmem>>[vector<16xi32>, vector<16xi32>], vector<16xf32>,
        %gather3A_244 = tpu.vector_load_idx %arg7[%broadcast_in_dim3A_240, %min3A_184] : memref<8x8192xf32, #tpu.memory_space<vmem>>[vector<16xi32>, vector<16xi32>], vector<16xf32>,
        %broadcast_in_dim3A_245 = arith.constant 5 : i32
        %broadcast_in_dim3A_246 = vector.broadcast %broadcast_in_dim3A_245 : i32 to vector<16xi32>
        %gather3A_247 = tpu.vector_load_idx %arg7[%broadcast_in_dim3A_246, %max3A_175] : memref<8x8192xf32, #tpu.memory_space<vmem>>[vector<16xi32>, vector<16xi32>], vector<16xf32>,
        %gather3A_248 = tpu.vector_load_idx %arg7[%broadcast_in_dim3A_246, %bitcast3A] : memref<8x8192xf32, #tpu.memory_space<vmem>>[vector<16xi32>, vector<16xi32>], vector<16xf32>,
        %gather3A_249 = tpu.vector_load_idx %arg7[%broadcast_in_dim3A_246, %add3A_178] : memref<8x8192xf32, #tpu.memory_space<vmem>>[vector<16xi32>, vector<16xi32>], vector<16xf32>,
        %gather3A_250 = tpu.vector_load_idx %arg7[%broadcast_in_dim3A_246, %min3A_184] : memref<8x8192xf32, #tpu.memory_space<vmem>>[vector<16xi32>, vector<16xi32>], vector<16xf32>,
        %broadcast_in_dim3A_251 = arith.constant 6 : i32
        %broadcast_in_dim3A_252 = vector.broadcast %broadcast_in_dim3A_251 : i32 to vector<16xi32>
        %gather3A_253 = tpu.vector_load_idx %arg7[%broadcast_in_dim3A_252, %max3A_175] : memref<8x8192xf32, #tpu.memory_space<vmem>>[vector<16xi32>, vector<16xi32>], vector<16xf32>,
        %gather3A_254 = tpu.vector_load_idx %arg7[%broadcast_in_dim3A_252, %bitcast3A] : memref<8x8192xf32, #tpu.memory_space<vmem>>[vector<16xi32>, vector<16xi32>], vector<16xf32>,
        %gather3A_255 = tpu.vector_load_idx %arg7[%broadcast_in_dim3A_252, %add3A_178] : memref<8x8192xf32, #tpu.memory_space<vmem>>[vector<16xi32>, vector<16xi32>], vector<16xf32>,
        %gather3A_256 = tpu.vector_load_idx %arg7[%broadcast_in_dim3A_252, %min3A_184] : memref<8x8192xf32, #tpu.memory_space<vmem>>[vector<16xi32>, vector<16xi32>], vector<16xf32>,
        %broadcast_in_dim3A_257 = arith.constant 7 : i32
        %broadcast_in_dim3A_258 = vector.broadcast %broadcast_in_dim3A_257 : i32 to vector<16xi32>
        %gather3A_259 = tpu.vector_load_idx %arg7[%broadcast_in_dim3A_258, %max3A_175] : memref<8x8192xf32, #tpu.memory_space<vmem>>[vector<16xi32>, vector<16xi32>], vector<16xf32>,
        %gather3A_260 = tpu.vector_load_idx %arg7[%broadcast_in_dim3A_258, %bitcast3A] : memref<8x8192xf32, #tpu.memory_space<vmem>>[vector<16xi32>, vector<16xi32>], vector<16xf32>,
        %gather3A_261 = tpu.vector_load_idx %arg7[%broadcast_in_dim3A_258, %add3A_178] : memref<8x8192xf32, #tpu.memory_space<vmem>>[vector<16xi32>, vector<16xi32>], vector<16xf32>,
        %gather3A_262 = tpu.vector_load_idx %arg7[%broadcast_in_dim3A_258, %min3A_184] : memref<8x8192xf32, #tpu.memory_space<vmem>>[vector<16xi32>, vector<16xi32>], vector<16xf32>,
        %mul3A_263 = arith.mulf %gather3A_241, %get3A_159 : vector<16xf32>
        %mul3A_264 = arith.mulf %gather3A_242, %get3A_163 : vector<16xf32>
        %add3A_265 = arith.addf %mul3A_263, %mul3A_264 : vector<16xf32>
        %mul3A_266 = arith.mulf %gather3A_243, %get3A_167 : vector<16xf32>
        %mul3A_267 = arith.mulf %gather3A_244, %get3A_171 : vector<16xf32>
        %add3A_268 = arith.addf %mul3A_266, %mul3A_267 : vector<16xf32>
        %add3A_269 = arith.addf %add3A_265, %add3A_268 : vector<16xf32>
        tpu.vector_store_idx %arg15[%add3A_188, %broadcast_in_dim3A_240], %add3A_269 : memref<512x8xf32, #tpu.memory_space<vmem>>[vector<16xi32>, vector<16xi32>], vector<16xf32>,
        %mul3A_270 = arith.mulf %gather3A_247, %get3A_159 : vector<16xf32>
        %mul3A_271 = arith.mulf %gather3A_248, %get3A_163 : vector<16xf32>
        %add3A_272 = arith.addf %mul3A_270, %mul3A_271 : vector<16xf32>
        %mul3A_273 = arith.mulf %gather3A_249, %get3A_167 : vector<16xf32>
        %mul3A_274 = arith.mulf %gather3A_250, %get3A_171 : vector<16xf32>
        %add3A_275 = arith.addf %mul3A_273, %mul3A_274 : vector<16xf32>
        %add3A_276 = arith.addf %add3A_272, %add3A_275 : vector<16xf32>
        tpu.vector_store_idx %arg15[%add3A_188, %broadcast_in_dim3A_246], %add3A_276 : memref<512x8xf32, #tpu.memory_space<vmem>>[vector<16xi32>, vector<16xi32>], vector<16xf32>,
        %mul3A_277 = arith.mulf %gather3A_253, %get3A_159 : vector<16xf32>
        %mul3A_278 = arith.mulf %gather3A_254, %get3A_163 : vector<16xf32>
        %add3A_279 = arith.addf %mul3A_277, %mul3A_278 : vector<16xf32>
        %mul3A_280 = arith.mulf %gather3A_255, %get3A_167 : vector<16xf32>
        %mul3A_281 = arith.mulf %gather3A_256, %get3A_171 : vector<16xf32>
        %add3A_282 = arith.addf %mul3A_280, %mul3A_281 : vector<16xf32>
        %add3A_283 = arith.addf %add3A_279, %add3A_282 : vector<16xf32>
        tpu.vector_store_idx %arg15[%add3A_188, %broadcast_in_dim3A_252], %add3A_283 : memref<512x8xf32, #tpu.memory_space<vmem>>[vector<16xi32>, vector<16xi32>], vector<16xf32>,
        %mul3A_284 = arith.mulf %gather3A_259, %get3A_159 : vector<16xf32>
        %mul3A_285 = arith.mulf %gather3A_260, %get3A_163 : vector<16xf32>
        %add3A_286 = arith.addf %mul3A_284, %mul3A_285 : vector<16xf32>
        %mul3A_287 = arith.mulf %gather3A_261, %get3A_167 : vector<16xf32>
        %mul3A_288 = arith.mulf %gather3A_262, %get3A_171 : vector<16xf32>
        %add3A_289 = arith.addf %mul3A_287, %mul3A_288 : vector<16xf32>
        %add3A_290 = arith.addf %add3A_286, %add3A_289 : vector<16xf32>
        tpu.vector_store_idx %arg15[%add3A_188, %broadcast_in_dim3A_258], %add3A_290 : memref<512x8xf32, #tpu.memory_space<vmem>>[vector<16xi32>, vector<16xi32>], vector<16xf32>,
        %scan3A_291 = arith.constant 1 : i32
        %scan3A_292 = arith.addi %scan3A_152, %scan3A_291 : i32
        %mul3A_293 = arith.constant 80 : i32
        %mul3A_294 = arith.muli %scan3A_292, %mul3A_293 : i32
        %get3A_295 = arith.index_cast %mul3A_294 : i32 to index
        %get3A_296 = tpu.vector_load %arg13[%get3A_295] {strides = array<i32>} : memref<2560xf32, #tpu.memory_space<vmem>>, vector<16xf32>,
        %add3A_297 = arith.constant 16 : i32
        %add3A_298 = arith.addi %mul3A_294, %add3A_297 : i32
        %get3A_299 = arith.index_cast %add3A_298 : i32 to index
        %get3A_300 = tpu.vector_load %arg13[%get3A_299] {strides = array<i32>} : memref<2560xf32, #tpu.memory_space<vmem>>, vector<16xf32>,
        %add3A_301 = arith.constant 32 : i32
        %add3A_302 = arith.addi %mul3A_294, %add3A_301 : i32
        %get3A_303 = arith.index_cast %add3A_302 : i32 to index
        %get3A_304 = tpu.vector_load %arg13[%get3A_303] {strides = array<i32>} : memref<2560xf32, #tpu.memory_space<vmem>>, vector<16xf32>,
        %add3A_305 = arith.constant 48 : i32
        %add3A_306 = arith.addi %mul3A_294, %add3A_305 : i32
        %get3A_307 = arith.index_cast %add3A_306 : i32 to index
        %get3A_308 = tpu.vector_load %arg13[%get3A_307] {strides = array<i32>} : memref<2560xf32, #tpu.memory_space<vmem>>, vector<16xf32>,
        %add3A_309 = arith.constant 64 : i32
        %add3A_310 = arith.addi %mul3A_294, %add3A_309 : i32
        %get3A_311 = arith.index_cast %add3A_310 : i32 to index
        %get3A_312 = tpu.vector_load %arg13[%get3A_311] {strides = array<i32>} : memref<2560xf32, #tpu.memory_space<vmem>>, vector<16xf32>,
        %bitcast3A_313 = vector.bitcast %get3A_296 : vector<16xf32> to vector<16xi32>
        %sub3A_314 = arith.constant 1 : i32
        %sub3A_315 = vector.broadcast %sub3A_314 : i32 to vector<16xi32>
        %sub3A_316 = arith.subi %bitcast3A_313, %sub3A_315 : vector<16xi32>
        %max3A_317 = arith.constant 0 : i32
        %max3A_318 = vector.broadcast %max3A_317 : i32 to vector<16xi32>
        %max3A_319 = arith.maxsi %sub3A_316, %max3A_318 : vector<16xi32>
        %add3A_320 = arith.constant 1 : i32
        %add3A_321 = vector.broadcast %add3A_320 : i32 to vector<16xi32>
        %add3A_322 = arith.addi %bitcast3A_313, %add3A_321 : vector<16xi32>
        %add3A_323 = arith.constant 2 : i32
        %add3A_324 = vector.broadcast %add3A_323 : i32 to vector<16xi32>
        %add3A_325 = arith.addi %bitcast3A_313, %add3A_324 : vector<16xi32>
        %min3A_326 = arith.constant 8191 : i32
        %min3A_327 = vector.broadcast %min3A_326 : i32 to vector<16xi32>
        %min3A_328 = arith.minsi %add3A_325, %min3A_327 : vector<16xi32>
        %mul3A_329 = arith.constant 16 : i32
        %mul3A_330 = arith.muli %scan3A_292, %mul3A_329 : i32
        %add3A_331 = vector.broadcast %mul3A_330 : i32 to vector<16xi32>
        %add3A_332 = arith.addi %add3A_331, %iota3A : vector<16xi32>
        %broadcast_in_dim3A_333 = arith.constant 0 : i32
        %broadcast_in_dim3A_334 = vector.broadcast %broadcast_in_dim3A_333 : i32 to vector<16xi32>
        %gather3A_335 = tpu.vector_load_idx %arg7[%broadcast_in_dim3A_334, %max3A_319] : memref<8x8192xf32, #tpu.memory_space<vmem>>[vector<16xi32>, vector<16xi32>], vector<16xf32>,
        %gather3A_336 = tpu.vector_load_idx %arg7[%broadcast_in_dim3A_334, %bitcast3A_313] : memref<8x8192xf32, #tpu.memory_space<vmem>>[vector<16xi32>, vector<16xi32>], vector<16xf32>,
        %gather3A_337 = tpu.vector_load_idx %arg7[%broadcast_in_dim3A_334, %add3A_322] : memref<8x8192xf32, #tpu.memory_space<vmem>>[vector<16xi32>, vector<16xi32>], vector<16xf32>,
        %gather3A_338 = tpu.vector_load_idx %arg7[%broadcast_in_dim3A_334, %min3A_328] : memref<8x8192xf32, #tpu.memory_space<vmem>>[vector<16xi32>, vector<16xi32>], vector<16xf32>,
        %broadcast_in_dim3A_339 = arith.constant 1 : i32
        %broadcast_in_dim3A_340 = vector.broadcast %broadcast_in_dim3A_339 : i32 to vector<16xi32>
        %gather3A_341 = tpu.vector_load_idx %arg7[%broadcast_in_dim3A_340, %max3A_319] : memref<8x8192xf32, #tpu.memory_space<vmem>>[vector<16xi32>, vector<16xi32>], vector<16xf32>,
        %gather3A_342 = tpu.vector_load_idx %arg7[%broadcast_in_dim3A_340, %bitcast3A_313] : memref<8x8192xf32, #tpu.memory_space<vmem>>[vector<16xi32>, vector<16xi32>], vector<16xf32>,
        %gather3A_343 = tpu.vector_load_idx %arg7[%broadcast_in_dim3A_340, %add3A_322] : memref<8x8192xf32, #tpu.memory_space<vmem>>[vector<16xi32>, vector<16xi32>], vector<16xf32>,
        %gather3A_344 = tpu.vector_load_idx %arg7[%broadcast_in_dim3A_340, %min3A_328] : memref<8x8192xf32, #tpu.memory_space<vmem>>[vector<16xi32>, vector<16xi32>], vector<16xf32>,
        %broadcast_in_dim3A_345 = arith.constant 2 : i32
        %broadcast_in_dim3A_346 = vector.broadcast %broadcast_in_dim3A_345 : i32 to vector<16xi32>
        %gather3A_347 = tpu.vector_load_idx %arg7[%broadcast_in_dim3A_346, %max3A_319] : memref<8x8192xf32, #tpu.memory_space<vmem>>[vector<16xi32>, vector<16xi32>], vector<16xf32>,
        %gather3A_348 = tpu.vector_load_idx %arg7[%broadcast_in_dim3A_346, %bitcast3A_313] : memref<8x8192xf32, #tpu.memory_space<vmem>>[vector<16xi32>, vector<16xi32>], vector<16xf32>,
        %gather3A_349 = tpu.vector_load_idx %arg7[%broadcast_in_dim3A_346, %add3A_322] : memref<8x8192xf32, #tpu.memory_space<vmem>>[vector<16xi32>, vector<16xi32>], vector<16xf32>,
        %gather3A_350 = tpu.vector_load_idx %arg7[%broadcast_in_dim3A_346, %min3A_328] : memref<8x8192xf32, #tpu.memory_space<vmem>>[vector<16xi32>, vector<16xi32>], vector<16xf32>,
        %broadcast_in_dim3A_351 = arith.constant 3 : i32
        %broadcast_in_dim3A_352 = vector.broadcast %broadcast_in_dim3A_351 : i32 to vector<16xi32>
        %gather3A_353 = tpu.vector_load_idx %arg7[%broadcast_in_dim3A_352, %max3A_319] : memref<8x8192xf32, #tpu.memory_space<vmem>>[vector<16xi32>, vector<16xi32>], vector<16xf32>,
        %gather3A_354 = tpu.vector_load_idx %arg7[%broadcast_in_dim3A_352, %bitcast3A_313] : memref<8x8192xf32, #tpu.memory_space<vmem>>[vector<16xi32>, vector<16xi32>], vector<16xf32>,
        %gather3A_355 = tpu.vector_load_idx %arg7[%broadcast_in_dim3A_352, %add3A_322] : memref<8x8192xf32, #tpu.memory_space<vmem>>[vector<16xi32>, vector<16xi32>], vector<16xf32>,
        %gather3A_356 = tpu.vector_load_idx %arg7[%broadcast_in_dim3A_352, %min3A_328] : memref<8x8192xf32, #tpu.memory_space<vmem>>[vector<16xi32>, vector<16xi32>], vector<16xf32>,
        %mul3A_357 = arith.mulf %gather3A_335, %get3A_300 : vector<16xf32>
        %mul3A_358 = arith.mulf %gather3A_336, %get3A_304 : vector<16xf32>
        %add3A_359 = arith.addf %mul3A_357, %mul3A_358 : vector<16xf32>
        %mul3A_360 = arith.mulf %gather3A_337, %get3A_308 : vector<16xf32>
        %mul3A_361 = arith.mulf %gather3A_338, %get3A_312 : vector<16xf32>
        %add3A_362 = arith.addf %mul3A_360, %mul3A_361 : vector<16xf32>
        %add3A_363 = arith.addf %add3A_359, %add3A_362 : vector<16xf32>
        tpu.vector_store_idx %arg15[%add3A_332, %broadcast_in_dim3A_334], %add3A_363 : memref<512x8xf32, #tpu.memory_space<vmem>>[vector<16xi32>, vector<16xi32>], vector<16xf32>,
        %mul3A_364 = arith.mulf %gather3A_341, %get3A_300 : vector<16xf32>
        %mul3A_365 = arith.mulf %gather3A_342, %get3A_304 : vector<16xf32>
        %add3A_366 = arith.addf %mul3A_364, %mul3A_365 : vector<16xf32>
        %mul3A_367 = arith.mulf %gather3A_343, %get3A_308 : vector<16xf32>
        %mul3A_368 = arith.mulf %gather3A_344, %get3A_312 : vector<16xf32>
        %add3A_369 = arith.addf %mul3A_367, %mul3A_368 : vector<16xf32>
        %add3A_370 = arith.addf %add3A_366, %add3A_369 : vector<16xf32>
        tpu.vector_store_idx %arg15[%add3A_332, %broadcast_in_dim3A_340], %add3A_370 : memref<512x8xf32, #tpu.memory_space<vmem>>[vector<16xi32>, vector<16xi32>], vector<16xf32>,
        %mul3A_371 = arith.mulf %gather3A_347, %get3A_300 : vector<16xf32>
        %mul3A_372 = arith.mulf %gather3A_348, %get3A_304 : vector<16xf32>
        %add3A_373 = arith.addf %mul3A_371, %mul3A_372 : vector<16xf32>
        %mul3A_374 = arith.mulf %gather3A_349, %get3A_308 : vector<16xf32>
        %mul3A_375 = arith.mulf %gather3A_350, %get3A_312 : vector<16xf32>
        %add3A_376 = arith.addf %mul3A_374, %mul3A_375 : vector<16xf32>
        %add3A_377 = arith.addf %add3A_373, %add3A_376 : vector<16xf32>
        tpu.vector_store_idx %arg15[%add3A_332, %broadcast_in_dim3A_346], %add3A_377 : memref<512x8xf32, #tpu.memory_space<vmem>>[vector<16xi32>, vector<16xi32>], vector<16xf32>,
        %mul3A_378 = arith.mulf %gather3A_353, %get3A_300 : vector<16xf32>
        %mul3A_379 = arith.mulf %gather3A_354, %get3A_304 : vector<16xf32>
        %add3A_380 = arith.addf %mul3A_378, %mul3A_379 : vector<16xf32>
        %mul3A_381 = arith.mulf %gather3A_355, %get3A_308 : vector<16xf32>
        %mul3A_382 = arith.mulf %gather3A_356, %get3A_312 : vector<16xf32>
        %add3A_383 = arith.addf %mul3A_381, %mul3A_382 : vector<16xf32>
        %add3A_384 = arith.addf %add3A_380, %add3A_383 : vector<16xf32>
        tpu.vector_store_idx %arg15[%add3A_332, %broadcast_in_dim3A_352], %add3A_384 : memref<512x8xf32, #tpu.memory_space<vmem>>[vector<16xi32>, vector<16xi32>], vector<16xf32>,
        %broadcast_in_dim3A_385 = arith.constant 4 : i32
        %broadcast_in_dim3A_386 = vector.broadcast %broadcast_in_dim3A_385 : i32 to vector<16xi32>
        %gather3A_387 = tpu.vector_load_idx %arg7[%broadcast_in_dim3A_386, %max3A_319] : memref<8x8192xf32, #tpu.memory_space<vmem>>[vector<16xi32>, vector<16xi32>], vector<16xf32>,
        %gather3A_388 = tpu.vector_load_idx %arg7[%broadcast_in_dim3A_386, %bitcast3A_313] : memref<8x8192xf32, #tpu.memory_space<vmem>>[vector<16xi32>, vector<16xi32>], vector<16xf32>,
        %gather3A_389 = tpu.vector_load_idx %arg7[%broadcast_in_dim3A_386, %add3A_322] : memref<8x8192xf32, #tpu.memory_space<vmem>>[vector<16xi32>, vector<16xi32>], vector<16xf32>,
        %gather3A_390 = tpu.vector_load_idx %arg7[%broadcast_in_dim3A_386, %min3A_328] : memref<8x8192xf32, #tpu.memory_space<vmem>>[vector<16xi32>, vector<16xi32>], vector<16xf32>,
        %broadcast_in_dim3A_391 = arith.constant 5 : i32
        %broadcast_in_dim3A_392 = vector.broadcast %broadcast_in_dim3A_391 : i32 to vector<16xi32>
        %gather3A_393 = tpu.vector_load_idx %arg7[%broadcast_in_dim3A_392, %max3A_319] : memref<8x8192xf32, #tpu.memory_space<vmem>>[vector<16xi32>, vector<16xi32>], vector<16xf32>,
        %gather3A_394 = tpu.vector_load_idx %arg7[%broadcast_in_dim3A_392, %bitcast3A_313] : memref<8x8192xf32, #tpu.memory_space<vmem>>[vector<16xi32>, vector<16xi32>], vector<16xf32>,
        %gather3A_395 = tpu.vector_load_idx %arg7[%broadcast_in_dim3A_392, %add3A_322] : memref<8x8192xf32, #tpu.memory_space<vmem>>[vector<16xi32>, vector<16xi32>], vector<16xf32>,
        %gather3A_396 = tpu.vector_load_idx %arg7[%broadcast_in_dim3A_392, %min3A_328] : memref<8x8192xf32, #tpu.memory_space<vmem>>[vector<16xi32>, vector<16xi32>], vector<16xf32>,
        %broadcast_in_dim3A_397 = arith.constant 6 : i32
        %broadcast_in_dim3A_398 = vector.broadcast %broadcast_in_dim3A_397 : i32 to vector<16xi32>
        %gather3A_399 = tpu.vector_load_idx %arg7[%broadcast_in_dim3A_398, %max3A_319] : memref<8x8192xf32, #tpu.memory_space<vmem>>[vector<16xi32>, vector<16xi32>], vector<16xf32>,
        %gather3A_400 = tpu.vector_load_idx %arg7[%broadcast_in_dim3A_398, %bitcast3A_313] : memref<8x8192xf32, #tpu.memory_space<vmem>>[vector<16xi32>, vector<16xi32>], vector<16xf32>,
        %gather3A_401 = tpu.vector_load_idx %arg7[%broadcast_in_dim3A_398, %add3A_322] : memref<8x8192xf32, #tpu.memory_space<vmem>>[vector<16xi32>, vector<16xi32>], vector<16xf32>,
        %gather3A_402 = tpu.vector_load_idx %arg7[%broadcast_in_dim3A_398, %min3A_328] : memref<8x8192xf32, #tpu.memory_space<vmem>>[vector<16xi32>, vector<16xi32>], vector<16xf32>,
        %broadcast_in_dim3A_403 = arith.constant 7 : i32
        %broadcast_in_dim3A_404 = vector.broadcast %broadcast_in_dim3A_403 : i32 to vector<16xi32>
        %gather3A_405 = tpu.vector_load_idx %arg7[%broadcast_in_dim3A_404, %max3A_319] : memref<8x8192xf32, #tpu.memory_space<vmem>>[vector<16xi32>, vector<16xi32>], vector<16xf32>,
        %gather3A_406 = tpu.vector_load_idx %arg7[%broadcast_in_dim3A_404, %bitcast3A_313] : memref<8x8192xf32, #tpu.memory_space<vmem>>[vector<16xi32>, vector<16xi32>], vector<16xf32>,
        %gather3A_407 = tpu.vector_load_idx %arg7[%broadcast_in_dim3A_404, %add3A_322] : memref<8x8192xf32, #tpu.memory_space<vmem>>[vector<16xi32>, vector<16xi32>], vector<16xf32>,
        %gather3A_408 = tpu.vector_load_idx %arg7[%broadcast_in_dim3A_404, %min3A_328] : memref<8x8192xf32, #tpu.memory_space<vmem>>[vector<16xi32>, vector<16xi32>], vector<16xf32>,
        %mul3A_409 = arith.mulf %gather3A_387, %get3A_300 : vector<16xf32>
        %mul3A_410 = arith.mulf %gather3A_388, %get3A_304 : vector<16xf32>
        %add3A_411 = arith.addf %mul3A_409, %mul3A_410 : vector<16xf32>
        %mul3A_412 = arith.mulf %gather3A_389, %get3A_308 : vector<16xf32>
        %mul3A_413 = arith.mulf %gather3A_390, %get3A_312 : vector<16xf32>
        %add3A_414 = arith.addf %mul3A_412, %mul3A_413 : vector<16xf32>
        %add3A_415 = arith.addf %add3A_411, %add3A_414 : vector<16xf32>
        tpu.vector_store_idx %arg15[%add3A_332, %broadcast_in_dim3A_386], %add3A_415 : memref<512x8xf32, #tpu.memory_space<vmem>>[vector<16xi32>, vector<16xi32>], vector<16xf32>,
        %mul3A_416 = arith.mulf %gather3A_393, %get3A_300 : vector<16xf32>
        %mul3A_417 = arith.mulf %gather3A_394, %get3A_304 : vector<16xf32>
        %add3A_418 = arith.addf %mul3A_416, %mul3A_417 : vector<16xf32>
        %mul3A_419 = arith.mulf %gather3A_395, %get3A_308 : vector<16xf32>
        %mul3A_420 = arith.mulf %gather3A_396, %get3A_312 : vector<16xf32>
        %add3A_421 = arith.addf %mul3A_419, %mul3A_420 : vector<16xf32>
        %add3A_422 = arith.addf %add3A_418, %add3A_421 : vector<16xf32>
        tpu.vector_store_idx %arg15[%add3A_332, %broadcast_in_dim3A_392], %add3A_422 : memref<512x8xf32, #tpu.memory_space<vmem>>[vector<16xi32>, vector<16xi32>], vector<16xf32>,
        %mul3A_423 = arith.mulf %gather3A_399, %get3A_300 : vector<16xf32>
        %mul3A_424 = arith.mulf %gather3A_400, %get3A_304 : vector<16xf32>
        %add3A_425 = arith.addf %mul3A_423, %mul3A_424 : vector<16xf32>
        %mul3A_426 = arith.mulf %gather3A_401, %get3A_308 : vector<16xf32>
        %mul3A_427 = arith.mulf %gather3A_402, %get3A_312 : vector<16xf32>
        %add3A_428 = arith.addf %mul3A_426, %mul3A_427 : vector<16xf32>
        %add3A_429 = arith.addf %add3A_425, %add3A_428 : vector<16xf32>
        tpu.vector_store_idx %arg15[%add3A_332, %broadcast_in_dim3A_398], %add3A_429 : memref<512x8xf32, #tpu.memory_space<vmem>>[vector<16xi32>, vector<16xi32>], vector<16xf32>,
        %mul3A_430 = arith.mulf %gather3A_405, %get3A_300 : vector<16xf32>
        %mul3A_431 = arith.mulf %gather3A_406, %get3A_304 : vector<16xf32>
        %add3A_432 = arith.addf %mul3A_430, %mul3A_431 : vector<16xf32>
        %mul3A_433 = arith.mulf %gather3A_407, %get3A_308 : vector<16xf32>
        %mul3A_434 = arith.mulf %gather3A_408, %get3A_312 : vector<16xf32>
        %add3A_435 = arith.addf %mul3A_433, %mul3A_434 : vector<16xf32>
        %add3A_436 = arith.addf %add3A_432, %add3A_435 : vector<16xf32>
        tpu.vector_store_idx %arg15[%add3A_332, %broadcast_in_dim3A_404], %add3A_436 : memref<512x8xf32, #tpu.memory_space<vmem>>[vector<16xi32>, vector<16xi32>], vector<16xf32>,
      }
      %scan3A_110 = arith.constant 32 : i32
      %mul3A_111 = arith.constant 2048 : i32
      %mul3A_112 = arith.muli %scan3A_33, %mul3A_111 : i32
      %add3A_113 = arith.addi %mul3A_0, %mul3A_112 : i32
      %add3A_114 = arith.constant 1024 : i32
      %add3A_115 = arith.addi %add3A_113, %add3A_114 : i32
      %mul3A_116 = arith.constant 8 : i32
      %mul3A_117 = arith.muli %arg1, %mul3A_116 : i32
      %dma_start3A_118 = tpu.memref_slice %arg6[%add3A_115, %mul3A_117] : memref<65536x128xf32, #tpu.memory_space<hbm>> -> memref<512x8xf32, #tpu.memory_space<hbm>>
      %dma_start3A_119 = tpu.memref_slice %arg6[%add3A_115, %mul3A_117] : memref<65536x128xf32, #tpu.memory_space<hbm>> -> memref<512x8xf32, #tpu.memory_space<hbm>>
      tpu.enqueue_dma source(%arg15 : memref<512x8xf32, #tpu.memory_space<vmem>>) target(%dma_start3A_119 : memref<512x8xf32, #tpu.memory_space<hbm>>) target_semaphore(%arg19 : memref<!tpu.dma_semaphore, #tpu.memory_space<semaphore_mem>>)
      %add3A_120 = arith.constant 1 : i32
      %add3A_121 = arith.addi %scan3A_33, %add3A_120 : i32
      %min3A = arith.constant 15 : i32
      %min3A_122 = arith.minsi %add3A_121, %min3A : i32
      %dma_start3A_123 = arith.constant 0 : i32
      %dma_start3A_124 = tpu.memref_slice %arg12[%min3A_122, %dma_start3A_123] : memref<16x10240xf32, #tpu.memory_space<vmem_shared>> -> memref<1x2560xf32, #tpu.memory_space<vmem_shared>>
      %dma_start3A_125 = tpu.memref_squeeze %dma_start3A_124 : memref<1x2560xf32, #tpu.memory_space<vmem_shared>> -> memref<2560xf32, #tpu.memory_space<vmem_shared>>
      %dma_start3A_126 = arith.constant 0 : i32
      %dma_start3A_127 = tpu.memref_slice %arg12[%min3A_122, %dma_start3A_126] : memref<16x10240xf32, #tpu.memory_space<vmem_shared>> -> memref<1x2560xf32, #tpu.memory_space<vmem_shared>>
      %dma_start3A_128 = tpu.memref_squeeze %dma_start3A_127 : memref<1x2560xf32, #tpu.memory_space<vmem_shared>> -> memref<2560xf32, #tpu.memory_space<vmem_shared>>
      tpu.enqueue_dma source(%dma_start3A_128 : memref<2560xf32, #tpu.memory_space<vmem_shared>>) target(%arg13 : memref<2560xf32, #tpu.memory_space<vmem>>) target_semaphore(%arg17 : memref<!tpu.dma_semaphore, #tpu.memory_space<semaphore_mem>>)
      %dma_wait3A_129 = arith.constant 0 : i32
      %dma_wait3A_130 = tpu.memref_slice %arg3[%dma_wait3A_129] : memref<65536xf32, #tpu.memory_space<hbm>> -> memref<2560xf32, #tpu.memory_space<hbm>>
      %dma_wait3A_131 = arith.constant 0 : i32
      %dma_wait3A_132 = tpu.memref_slice %arg3[%dma_wait3A_131] : memref<65536xf32, #tpu.memory_space<hbm>> -> memref<2560xf32, #tpu.memory_space<hbm>>
      tpu.wait_dma2 semaphore(%arg18 : memref<!tpu.dma_semaphore, #tpu.memory_space<semaphore_mem>>) src(%dma_wait3A_132 : memref<2560xf32, #tpu.memory_space<hbm>>) dst(%arg14 : memref<2560xf32, #tpu.memory_space<vmem>>)
      %mul3A_133 = arith.constant 8 : i32
      %mul3A_134 = arith.muli %arg1, %mul3A_133 : i32
      %dma_wait3A_135 = tpu.memref_slice %arg6[%mul3A_0, %mul3A_134] : memref<65536x128xf32, #tpu.memory_space<hbm>> -> memref<512x8xf32, #tpu.memory_space<hbm>>
      %dma_wait3A_136 = tpu.memref_slice %arg6[%mul3A_0, %mul3A_134] : memref<65536x128xf32, #tpu.memory_space<hbm>> -> memref<512x8xf32, #tpu.memory_space<hbm>>
      tpu.wait_dma2 semaphore(%arg20 : memref<!tpu.dma_semaphore, #tpu.memory_space<semaphore_mem>>) src(%arg16 : memref<512x8xf32, #tpu.memory_space<vmem>>) dst(%dma_wait3A_136 : memref<512x8xf32, #tpu.memory_space<hbm>>)
      %scan3A_137 = arith.constant 0 : i32
      %scan3A_138 = arith.constant 0 : i32
      %scan3A_139 = arith.constant 32 : i32
      %scan3A_140 = arith.addi %scan3A_138, %scan3A_139 : i32
      %scan3A_141 = arith.constant 2 : i32
      scf.for %scan3A_152 = %scan3A_138 to %scan3A_140 step %scan3A_141  : i32 {
        %mul3A_153 = arith.constant 80 : i32
        %mul3A_154 = arith.muli %scan3A_152, %mul3A_153 : i32
        %get3A = arith.index_cast %mul3A_154 : i32 to index
        %get3A_155 = tpu.vector_load %arg14[%get3A] {strides = array<i32>} : memref<2560xf32, #tpu.memory_space<vmem>>, vector<16xf32>,
        %add3A_156 = arith.constant 16 : i32
        %add3A_157 = arith.addi %mul3A_154, %add3A_156 : i32
        %get3A_158 = arith.index_cast %add3A_157 : i32 to index
        %get3A_159 = tpu.vector_load %arg14[%get3A_158] {strides = array<i32>} : memref<2560xf32, #tpu.memory_space<vmem>>, vector<16xf32>,
        %add3A_160 = arith.constant 32 : i32
        %add3A_161 = arith.addi %mul3A_154, %add3A_160 : i32
        %get3A_162 = arith.index_cast %add3A_161 : i32 to index
        %get3A_163 = tpu.vector_load %arg14[%get3A_162] {strides = array<i32>} : memref<2560xf32, #tpu.memory_space<vmem>>, vector<16xf32>,
        %add3A_164 = arith.constant 48 : i32
        %add3A_165 = arith.addi %mul3A_154, %add3A_164 : i32
        %get3A_166 = arith.index_cast %add3A_165 : i32 to index
        %get3A_167 = tpu.vector_load %arg14[%get3A_166] {strides = array<i32>} : memref<2560xf32, #tpu.memory_space<vmem>>, vector<16xf32>,
        %add3A_168 = arith.constant 64 : i32
        %add3A_169 = arith.addi %mul3A_154, %add3A_168 : i32
        %get3A_170 = arith.index_cast %add3A_169 : i32 to index
        %get3A_171 = tpu.vector_load %arg14[%get3A_170] {strides = array<i32>} : memref<2560xf32, #tpu.memory_space<vmem>>, vector<16xf32>,
        %bitcast3A = vector.bitcast %get3A_155 : vector<16xf32> to vector<16xi32>
        %sub3A = arith.constant 1 : i32
        %sub3A_172 = vector.broadcast %sub3A : i32 to vector<16xi32>
        %sub3A_173 = arith.subi %bitcast3A, %sub3A_172 : vector<16xi32>
        %max3A = arith.constant 0 : i32
        %max3A_174 = vector.broadcast %max3A : i32 to vector<16xi32>
        %max3A_175 = arith.maxsi %sub3A_173, %max3A_174 : vector<16xi32>
        %add3A_176 = arith.constant 1 : i32
        %add3A_177 = vector.broadcast %add3A_176 : i32 to vector<16xi32>
        %add3A_178 = arith.addi %bitcast3A, %add3A_177 : vector<16xi32>
        %add3A_179 = arith.constant 2 : i32
        %add3A_180 = vector.broadcast %add3A_179 : i32 to vector<16xi32>
        %add3A_181 = arith.addi %bitcast3A, %add3A_180 : vector<16xi32>
        %min3A_182 = arith.constant 8191 : i32
        %min3A_183 = vector.broadcast %min3A_182 : i32 to vector<16xi32>
        %min3A_184 = arith.minsi %add3A_181, %min3A_183 : vector<16xi32>
        %mul3A_185 = arith.constant 16 : i32
        %mul3A_186 = arith.muli %scan3A_152, %mul3A_185 : i32
        %add3A_187 = vector.broadcast %mul3A_186 : i32 to vector<16xi32>
        %add3A_188 = arith.addi %add3A_187, %iota3A : vector<16xi32>
        %broadcast_in_dim3A = arith.constant 0 : i32
        %broadcast_in_dim3A_189 = vector.broadcast %broadcast_in_dim3A : i32 to vector<16xi32>
        %gather3A = tpu.vector_load_idx %arg7[%broadcast_in_dim3A_189, %max3A_175] : memref<8x8192xf32, #tpu.memory_space<vmem>>[vector<16xi32>, vector<16xi32>], vector<16xf32>,
        %gather3A_190 = tpu.vector_load_idx %arg7[%broadcast_in_dim3A_189, %bitcast3A] : memref<8x8192xf32, #tpu.memory_space<vmem>>[vector<16xi32>, vector<16xi32>], vector<16xf32>,
        %gather3A_191 = tpu.vector_load_idx %arg7[%broadcast_in_dim3A_189, %add3A_178] : memref<8x8192xf32, #tpu.memory_space<vmem>>[vector<16xi32>, vector<16xi32>], vector<16xf32>,
        %gather3A_192 = tpu.vector_load_idx %arg7[%broadcast_in_dim3A_189, %min3A_184] : memref<8x8192xf32, #tpu.memory_space<vmem>>[vector<16xi32>, vector<16xi32>], vector<16xf32>,
        %broadcast_in_dim3A_193 = arith.constant 1 : i32
        %broadcast_in_dim3A_194 = vector.broadcast %broadcast_in_dim3A_193 : i32 to vector<16xi32>
        %gather3A_195 = tpu.vector_load_idx %arg7[%broadcast_in_dim3A_194, %max3A_175] : memref<8x8192xf32, #tpu.memory_space<vmem>>[vector<16xi32>, vector<16xi32>], vector<16xf32>,
        %gather3A_196 = tpu.vector_load_idx %arg7[%broadcast_in_dim3A_194, %bitcast3A] : memref<8x8192xf32, #tpu.memory_space<vmem>>[vector<16xi32>, vector<16xi32>], vector<16xf32>,
        %gather3A_197 = tpu.vector_load_idx %arg7[%broadcast_in_dim3A_194, %add3A_178] : memref<8x8192xf32, #tpu.memory_space<vmem>>[vector<16xi32>, vector<16xi32>], vector<16xf32>,
        %gather3A_198 = tpu.vector_load_idx %arg7[%broadcast_in_dim3A_194, %min3A_184] : memref<8x8192xf32, #tpu.memory_space<vmem>>[vector<16xi32>, vector<16xi32>], vector<16xf32>,
        %broadcast_in_dim3A_199 = arith.constant 2 : i32
        %broadcast_in_dim3A_200 = vector.broadcast %broadcast_in_dim3A_199 : i32 to vector<16xi32>
        %gather3A_201 = tpu.vector_load_idx %arg7[%broadcast_in_dim3A_200, %max3A_175] : memref<8x8192xf32, #tpu.memory_space<vmem>>[vector<16xi32>, vector<16xi32>], vector<16xf32>,
        %gather3A_202 = tpu.vector_load_idx %arg7[%broadcast_in_dim3A_200, %bitcast3A] : memref<8x8192xf32, #tpu.memory_space<vmem>>[vector<16xi32>, vector<16xi32>], vector<16xf32>,
        %gather3A_203 = tpu.vector_load_idx %arg7[%broadcast_in_dim3A_200, %add3A_178] : memref<8x8192xf32, #tpu.memory_space<vmem>>[vector<16xi32>, vector<16xi32>], vector<16xf32>,
        %gather3A_204 = tpu.vector_load_idx %arg7[%broadcast_in_dim3A_200, %min3A_184] : memref<8x8192xf32, #tpu.memory_space<vmem>>[vector<16xi32>, vector<16xi32>], vector<16xf32>,
        %broadcast_in_dim3A_205 = arith.constant 3 : i32
        %broadcast_in_dim3A_206 = vector.broadcast %broadcast_in_dim3A_205 : i32 to vector<16xi32>
        %gather3A_207 = tpu.vector_load_idx %arg7[%broadcast_in_dim3A_206, %max3A_175] : memref<8x8192xf32, #tpu.memory_space<vmem>>[vector<16xi32>, vector<16xi32>], vector<16xf32>,
        %gather3A_208 = tpu.vector_load_idx %arg7[%broadcast_in_dim3A_206, %bitcast3A] : memref<8x8192xf32, #tpu.memory_space<vmem>>[vector<16xi32>, vector<16xi32>], vector<16xf32>,
        %gather3A_209 = tpu.vector_load_idx %arg7[%broadcast_in_dim3A_206, %add3A_178] : memref<8x8192xf32, #tpu.memory_space<vmem>>[vector<16xi32>, vector<16xi32>], vector<16xf32>,
        %gather3A_210 = tpu.vector_load_idx %arg7[%broadcast_in_dim3A_206, %min3A_184] : memref<8x8192xf32, #tpu.memory_space<vmem>>[vector<16xi32>, vector<16xi32>], vector<16xf32>,
        %mul3A_211 = arith.mulf %gather3A, %get3A_159 : vector<16xf32>
        %mul3A_212 = arith.mulf %gather3A_190, %get3A_163 : vector<16xf32>
        %add3A_213 = arith.addf %mul3A_211, %mul3A_212 : vector<16xf32>
        %mul3A_214 = arith.mulf %gather3A_191, %get3A_167 : vector<16xf32>
        %mul3A_215 = arith.mulf %gather3A_192, %get3A_171 : vector<16xf32>
        %add3A_216 = arith.addf %mul3A_214, %mul3A_215 : vector<16xf32>
        %add3A_217 = arith.addf %add3A_213, %add3A_216 : vector<16xf32>
        tpu.vector_store_idx %arg16[%add3A_188, %broadcast_in_dim3A_189], %add3A_217 : memref<512x8xf32, #tpu.memory_space<vmem>>[vector<16xi32>, vector<16xi32>], vector<16xf32>,
        %mul3A_218 = arith.mulf %gather3A_195, %get3A_159 : vector<16xf32>
        %mul3A_219 = arith.mulf %gather3A_196, %get3A_163 : vector<16xf32>
        %add3A_220 = arith.addf %mul3A_218, %mul3A_219 : vector<16xf32>
        %mul3A_221 = arith.mulf %gather3A_197, %get3A_167 : vector<16xf32>
        %mul3A_222 = arith.mulf %gather3A_198, %get3A_171 : vector<16xf32>
        %add3A_223 = arith.addf %mul3A_221, %mul3A_222 : vector<16xf32>
        %add3A_224 = arith.addf %add3A_220, %add3A_223 : vector<16xf32>
        tpu.vector_store_idx %arg16[%add3A_188, %broadcast_in_dim3A_194], %add3A_224 : memref<512x8xf32, #tpu.memory_space<vmem>>[vector<16xi32>, vector<16xi32>], vector<16xf32>,
        %mul3A_225 = arith.mulf %gather3A_201, %get3A_159 : vector<16xf32>
        %mul3A_226 = arith.mulf %gather3A_202, %get3A_163 : vector<16xf32>
        %add3A_227 = arith.addf %mul3A_225, %mul3A_226 : vector<16xf32>
        %mul3A_228 = arith.mulf %gather3A_203, %get3A_167 : vector<16xf32>
        %mul3A_229 = arith.mulf %gather3A_204, %get3A_171 : vector<16xf32>
        %add3A_230 = arith.addf %mul3A_228, %mul3A_229 : vector<16xf32>
        %add3A_231 = arith.addf %add3A_227, %add3A_230 : vector<16xf32>
        tpu.vector_store_idx %arg16[%add3A_188, %broadcast_in_dim3A_200], %add3A_231 : memref<512x8xf32, #tpu.memory_space<vmem>>[vector<16xi32>, vector<16xi32>], vector<16xf32>,
        %mul3A_232 = arith.mulf %gather3A_207, %get3A_159 : vector<16xf32>
        %mul3A_233 = arith.mulf %gather3A_208, %get3A_163 : vector<16xf32>
        %add3A_234 = arith.addf %mul3A_232, %mul3A_233 : vector<16xf32>
        %mul3A_235 = arith.mulf %gather3A_209, %get3A_167 : vector<16xf32>
        %mul3A_236 = arith.mulf %gather3A_210, %get3A_171 : vector<16xf32>
        %add3A_237 = arith.addf %mul3A_235, %mul3A_236 : vector<16xf32>
        %add3A_238 = arith.addf %add3A_234, %add3A_237 : vector<16xf32>
        tpu.vector_store_idx %arg16[%add3A_188, %broadcast_in_dim3A_206], %add3A_238 : memref<512x8xf32, #tpu.memory_space<vmem>>[vector<16xi32>, vector<16xi32>], vector<16xf32>,
        %broadcast_in_dim3A_239 = arith.constant 4 : i32
        %broadcast_in_dim3A_240 = vector.broadcast %broadcast_in_dim3A_239 : i32 to vector<16xi32>
        %gather3A_241 = tpu.vector_load_idx %arg7[%broadcast_in_dim3A_240, %max3A_175] : memref<8x8192xf32, #tpu.memory_space<vmem>>[vector<16xi32>, vector<16xi32>], vector<16xf32>,
        %gather3A_242 = tpu.vector_load_idx %arg7[%broadcast_in_dim3A_240, %bitcast3A] : memref<8x8192xf32, #tpu.memory_space<vmem>>[vector<16xi32>, vector<16xi32>], vector<16xf32>,
        %gather3A_243 = tpu.vector_load_idx %arg7[%broadcast_in_dim3A_240, %add3A_178] : memref<8x8192xf32, #tpu.memory_space<vmem>>[vector<16xi32>, vector<16xi32>], vector<16xf32>,
        %gather3A_244 = tpu.vector_load_idx %arg7[%broadcast_in_dim3A_240, %min3A_184] : memref<8x8192xf32, #tpu.memory_space<vmem>>[vector<16xi32>, vector<16xi32>], vector<16xf32>,
        %broadcast_in_dim3A_245 = arith.constant 5 : i32
        %broadcast_in_dim3A_246 = vector.broadcast %broadcast_in_dim3A_245 : i32 to vector<16xi32>
        %gather3A_247 = tpu.vector_load_idx %arg7[%broadcast_in_dim3A_246, %max3A_175] : memref<8x8192xf32, #tpu.memory_space<vmem>>[vector<16xi32>, vector<16xi32>], vector<16xf32>,
        %gather3A_248 = tpu.vector_load_idx %arg7[%broadcast_in_dim3A_246, %bitcast3A] : memref<8x8192xf32, #tpu.memory_space<vmem>>[vector<16xi32>, vector<16xi32>], vector<16xf32>,
        %gather3A_249 = tpu.vector_load_idx %arg7[%broadcast_in_dim3A_246, %add3A_178] : memref<8x8192xf32, #tpu.memory_space<vmem>>[vector<16xi32>, vector<16xi32>], vector<16xf32>,
        %gather3A_250 = tpu.vector_load_idx %arg7[%broadcast_in_dim3A_246, %min3A_184] : memref<8x8192xf32, #tpu.memory_space<vmem>>[vector<16xi32>, vector<16xi32>], vector<16xf32>,
        %broadcast_in_dim3A_251 = arith.constant 6 : i32
        %broadcast_in_dim3A_252 = vector.broadcast %broadcast_in_dim3A_251 : i32 to vector<16xi32>
        %gather3A_253 = tpu.vector_load_idx %arg7[%broadcast_in_dim3A_252, %max3A_175] : memref<8x8192xf32, #tpu.memory_space<vmem>>[vector<16xi32>, vector<16xi32>], vector<16xf32>,
        %gather3A_254 = tpu.vector_load_idx %arg7[%broadcast_in_dim3A_252, %bitcast3A] : memref<8x8192xf32, #tpu.memory_space<vmem>>[vector<16xi32>, vector<16xi32>], vector<16xf32>,
        %gather3A_255 = tpu.vector_load_idx %arg7[%broadcast_in_dim3A_252, %add3A_178] : memref<8x8192xf32, #tpu.memory_space<vmem>>[vector<16xi32>, vector<16xi32>], vector<16xf32>,
        %gather3A_256 = tpu.vector_load_idx %arg7[%broadcast_in_dim3A_252, %min3A_184] : memref<8x8192xf32, #tpu.memory_space<vmem>>[vector<16xi32>, vector<16xi32>], vector<16xf32>,
        %broadcast_in_dim3A_257 = arith.constant 7 : i32
        %broadcast_in_dim3A_258 = vector.broadcast %broadcast_in_dim3A_257 : i32 to vector<16xi32>
        %gather3A_259 = tpu.vector_load_idx %arg7[%broadcast_in_dim3A_258, %max3A_175] : memref<8x8192xf32, #tpu.memory_space<vmem>>[vector<16xi32>, vector<16xi32>], vector<16xf32>,
        %gather3A_260 = tpu.vector_load_idx %arg7[%broadcast_in_dim3A_258, %bitcast3A] : memref<8x8192xf32, #tpu.memory_space<vmem>>[vector<16xi32>, vector<16xi32>], vector<16xf32>,
        %gather3A_261 = tpu.vector_load_idx %arg7[%broadcast_in_dim3A_258, %add3A_178] : memref<8x8192xf32, #tpu.memory_space<vmem>>[vector<16xi32>, vector<16xi32>], vector<16xf32>,
        %gather3A_262 = tpu.vector_load_idx %arg7[%broadcast_in_dim3A_258, %min3A_184] : memref<8x8192xf32, #tpu.memory_space<vmem>>[vector<16xi32>, vector<16xi32>], vector<16xf32>,
        %mul3A_263 = arith.mulf %gather3A_241, %get3A_159 : vector<16xf32>
        %mul3A_264 = arith.mulf %gather3A_242, %get3A_163 : vector<16xf32>
        %add3A_265 = arith.addf %mul3A_263, %mul3A_264 : vector<16xf32>
        %mul3A_266 = arith.mulf %gather3A_243, %get3A_167 : vector<16xf32>
        %mul3A_267 = arith.mulf %gather3A_244, %get3A_171 : vector<16xf32>
        %add3A_268 = arith.addf %mul3A_266, %mul3A_267 : vector<16xf32>
        %add3A_269 = arith.addf %add3A_265, %add3A_268 : vector<16xf32>
        tpu.vector_store_idx %arg16[%add3A_188, %broadcast_in_dim3A_240], %add3A_269 : memref<512x8xf32, #tpu.memory_space<vmem>>[vector<16xi32>, vector<16xi32>], vector<16xf32>,
        %mul3A_270 = arith.mulf %gather3A_247, %get3A_159 : vector<16xf32>
        %mul3A_271 = arith.mulf %gather3A_248, %get3A_163 : vector<16xf32>
        %add3A_272 = arith.addf %mul3A_270, %mul3A_271 : vector<16xf32>
        %mul3A_273 = arith.mulf %gather3A_249, %get3A_167 : vector<16xf32>
        %mul3A_274 = arith.mulf %gather3A_250, %get3A_171 : vector<16xf32>
        %add3A_275 = arith.addf %mul3A_273, %mul3A_274 : vector<16xf32>
        %add3A_276 = arith.addf %add3A_272, %add3A_275 : vector<16xf32>
        tpu.vector_store_idx %arg16[%add3A_188, %broadcast_in_dim3A_246], %add3A_276 : memref<512x8xf32, #tpu.memory_space<vmem>>[vector<16xi32>, vector<16xi32>], vector<16xf32>,
        %mul3A_277 = arith.mulf %gather3A_253, %get3A_159 : vector<16xf32>
        %mul3A_278 = arith.mulf %gather3A_254, %get3A_163 : vector<16xf32>
        %add3A_279 = arith.addf %mul3A_277, %mul3A_278 : vector<16xf32>
        %mul3A_280 = arith.mulf %gather3A_255, %get3A_167 : vector<16xf32>
        %mul3A_281 = arith.mulf %gather3A_256, %get3A_171 : vector<16xf32>
        %add3A_282 = arith.addf %mul3A_280, %mul3A_281 : vector<16xf32>
        %add3A_283 = arith.addf %add3A_279, %add3A_282 : vector<16xf32>
        tpu.vector_store_idx %arg16[%add3A_188, %broadcast_in_dim3A_252], %add3A_283 : memref<512x8xf32, #tpu.memory_space<vmem>>[vector<16xi32>, vector<16xi32>], vector<16xf32>,
        %mul3A_284 = arith.mulf %gather3A_259, %get3A_159 : vector<16xf32>
        %mul3A_285 = arith.mulf %gather3A_260, %get3A_163 : vector<16xf32>
        %add3A_286 = arith.addf %mul3A_284, %mul3A_285 : vector<16xf32>
        %mul3A_287 = arith.mulf %gather3A_261, %get3A_167 : vector<16xf32>
        %mul3A_288 = arith.mulf %gather3A_262, %get3A_171 : vector<16xf32>
        %add3A_289 = arith.addf %mul3A_287, %mul3A_288 : vector<16xf32>
        %add3A_290 = arith.addf %add3A_286, %add3A_289 : vector<16xf32>
        tpu.vector_store_idx %arg16[%add3A_188, %broadcast_in_dim3A_258], %add3A_290 : memref<512x8xf32, #tpu.memory_space<vmem>>[vector<16xi32>, vector<16xi32>], vector<16xf32>,
        %scan3A_291 = arith.constant 1 : i32
        %scan3A_292 = arith.addi %scan3A_152, %scan3A_291 : i32
        %mul3A_293 = arith.constant 80 : i32
        %mul3A_294 = arith.muli %scan3A_292, %mul3A_293 : i32
        %get3A_295 = arith.index_cast %mul3A_294 : i32 to index
        %get3A_296 = tpu.vector_load %arg14[%get3A_295] {strides = array<i32>} : memref<2560xf32, #tpu.memory_space<vmem>>, vector<16xf32>,
        %add3A_297 = arith.constant 16 : i32
        %add3A_298 = arith.addi %mul3A_294, %add3A_297 : i32
        %get3A_299 = arith.index_cast %add3A_298 : i32 to index
        %get3A_300 = tpu.vector_load %arg14[%get3A_299] {strides = array<i32>} : memref<2560xf32, #tpu.memory_space<vmem>>, vector<16xf32>,
        %add3A_301 = arith.constant 32 : i32
        %add3A_302 = arith.addi %mul3A_294, %add3A_301 : i32
        %get3A_303 = arith.index_cast %add3A_302 : i32 to index
        %get3A_304 = tpu.vector_load %arg14[%get3A_303] {strides = array<i32>} : memref<2560xf32, #tpu.memory_space<vmem>>, vector<16xf32>,
        %add3A_305 = arith.constant 48 : i32
        %add3A_306 = arith.addi %mul3A_294, %add3A_305 : i32
        %get3A_307 = arith.index_cast %add3A_306 : i32 to index
        %get3A_308 = tpu.vector_load %arg14[%get3A_307] {strides = array<i32>} : memref<2560xf32, #tpu.memory_space<vmem>>, vector<16xf32>,
        %add3A_309 = arith.constant 64 : i32
        %add3A_310 = arith.addi %mul3A_294, %add3A_309 : i32
        %get3A_311 = arith.index_cast %add3A_310 : i32 to index
        %get3A_312 = tpu.vector_load %arg14[%get3A_311] {strides = array<i32>} : memref<2560xf32, #tpu.memory_space<vmem>>, vector<16xf32>,
        %bitcast3A_313 = vector.bitcast %get3A_296 : vector<16xf32> to vector<16xi32>
        %sub3A_314 = arith.constant 1 : i32
        %sub3A_315 = vector.broadcast %sub3A_314 : i32 to vector<16xi32>
        %sub3A_316 = arith.subi %bitcast3A_313, %sub3A_315 : vector<16xi32>
        %max3A_317 = arith.constant 0 : i32
        %max3A_318 = vector.broadcast %max3A_317 : i32 to vector<16xi32>
        %max3A_319 = arith.maxsi %sub3A_316, %max3A_318 : vector<16xi32>
        %add3A_320 = arith.constant 1 : i32
        %add3A_321 = vector.broadcast %add3A_320 : i32 to vector<16xi32>
        %add3A_322 = arith.addi %bitcast3A_313, %add3A_321 : vector<16xi32>
        %add3A_323 = arith.constant 2 : i32
        %add3A_324 = vector.broadcast %add3A_323 : i32 to vector<16xi32>
        %add3A_325 = arith.addi %bitcast3A_313, %add3A_324 : vector<16xi32>
        %min3A_326 = arith.constant 8191 : i32
        %min3A_327 = vector.broadcast %min3A_326 : i32 to vector<16xi32>
        %min3A_328 = arith.minsi %add3A_325, %min3A_327 : vector<16xi32>
        %mul3A_329 = arith.constant 16 : i32
        %mul3A_330 = arith.muli %scan3A_292, %mul3A_329 : i32
        %add3A_331 = vector.broadcast %mul3A_330 : i32 to vector<16xi32>
        %add3A_332 = arith.addi %add3A_331, %iota3A : vector<16xi32>
        %broadcast_in_dim3A_333 = arith.constant 0 : i32
        %broadcast_in_dim3A_334 = vector.broadcast %broadcast_in_dim3A_333 : i32 to vector<16xi32>
        %gather3A_335 = tpu.vector_load_idx %arg7[%broadcast_in_dim3A_334, %max3A_319] : memref<8x8192xf32, #tpu.memory_space<vmem>>[vector<16xi32>, vector<16xi32>], vector<16xf32>,
        %gather3A_336 = tpu.vector_load_idx %arg7[%broadcast_in_dim3A_334, %bitcast3A_313] : memref<8x8192xf32, #tpu.memory_space<vmem>>[vector<16xi32>, vector<16xi32>], vector<16xf32>,
        %gather3A_337 = tpu.vector_load_idx %arg7[%broadcast_in_dim3A_334, %add3A_322] : memref<8x8192xf32, #tpu.memory_space<vmem>>[vector<16xi32>, vector<16xi32>], vector<16xf32>,
        %gather3A_338 = tpu.vector_load_idx %arg7[%broadcast_in_dim3A_334, %min3A_328] : memref<8x8192xf32, #tpu.memory_space<vmem>>[vector<16xi32>, vector<16xi32>], vector<16xf32>,
        %broadcast_in_dim3A_339 = arith.constant 1 : i32
        %broadcast_in_dim3A_340 = vector.broadcast %broadcast_in_dim3A_339 : i32 to vector<16xi32>
        %gather3A_341 = tpu.vector_load_idx %arg7[%broadcast_in_dim3A_340, %max3A_319] : memref<8x8192xf32, #tpu.memory_space<vmem>>[vector<16xi32>, vector<16xi32>], vector<16xf32>,
        %gather3A_342 = tpu.vector_load_idx %arg7[%broadcast_in_dim3A_340, %bitcast3A_313] : memref<8x8192xf32, #tpu.memory_space<vmem>>[vector<16xi32>, vector<16xi32>], vector<16xf32>,
        %gather3A_343 = tpu.vector_load_idx %arg7[%broadcast_in_dim3A_340, %add3A_322] : memref<8x8192xf32, #tpu.memory_space<vmem>>[vector<16xi32>, vector<16xi32>], vector<16xf32>,
        %gather3A_344 = tpu.vector_load_idx %arg7[%broadcast_in_dim3A_340, %min3A_328] : memref<8x8192xf32, #tpu.memory_space<vmem>>[vector<16xi32>, vector<16xi32>], vector<16xf32>,
        %broadcast_in_dim3A_345 = arith.constant 2 : i32
        %broadcast_in_dim3A_346 = vector.broadcast %broadcast_in_dim3A_345 : i32 to vector<16xi32>
        %gather3A_347 = tpu.vector_load_idx %arg7[%broadcast_in_dim3A_346, %max3A_319] : memref<8x8192xf32, #tpu.memory_space<vmem>>[vector<16xi32>, vector<16xi32>], vector<16xf32>,
        %gather3A_348 = tpu.vector_load_idx %arg7[%broadcast_in_dim3A_346, %bitcast3A_313] : memref<8x8192xf32, #tpu.memory_space<vmem>>[vector<16xi32>, vector<16xi32>], vector<16xf32>,
        %gather3A_349 = tpu.vector_load_idx %arg7[%broadcast_in_dim3A_346, %add3A_322] : memref<8x8192xf32, #tpu.memory_space<vmem>>[vector<16xi32>, vector<16xi32>], vector<16xf32>,
        %gather3A_350 = tpu.vector_load_idx %arg7[%broadcast_in_dim3A_346, %min3A_328] : memref<8x8192xf32, #tpu.memory_space<vmem>>[vector<16xi32>, vector<16xi32>], vector<16xf32>,
        %broadcast_in_dim3A_351 = arith.constant 3 : i32
        %broadcast_in_dim3A_352 = vector.broadcast %broadcast_in_dim3A_351 : i32 to vector<16xi32>
        %gather3A_353 = tpu.vector_load_idx %arg7[%broadcast_in_dim3A_352, %max3A_319] : memref<8x8192xf32, #tpu.memory_space<vmem>>[vector<16xi32>, vector<16xi32>], vector<16xf32>,
        %gather3A_354 = tpu.vector_load_idx %arg7[%broadcast_in_dim3A_352, %bitcast3A_313] : memref<8x8192xf32, #tpu.memory_space<vmem>>[vector<16xi32>, vector<16xi32>], vector<16xf32>,
        %gather3A_355 = tpu.vector_load_idx %arg7[%broadcast_in_dim3A_352, %add3A_322] : memref<8x8192xf32, #tpu.memory_space<vmem>>[vector<16xi32>, vector<16xi32>], vector<16xf32>,
        %gather3A_356 = tpu.vector_load_idx %arg7[%broadcast_in_dim3A_352, %min3A_328] : memref<8x8192xf32, #tpu.memory_space<vmem>>[vector<16xi32>, vector<16xi32>], vector<16xf32>,
        %mul3A_357 = arith.mulf %gather3A_335, %get3A_300 : vector<16xf32>
        %mul3A_358 = arith.mulf %gather3A_336, %get3A_304 : vector<16xf32>
        %add3A_359 = arith.addf %mul3A_357, %mul3A_358 : vector<16xf32>
        %mul3A_360 = arith.mulf %gather3A_337, %get3A_308 : vector<16xf32>
        %mul3A_361 = arith.mulf %gather3A_338, %get3A_312 : vector<16xf32>
        %add3A_362 = arith.addf %mul3A_360, %mul3A_361 : vector<16xf32>
        %add3A_363 = arith.addf %add3A_359, %add3A_362 : vector<16xf32>
        tpu.vector_store_idx %arg16[%add3A_332, %broadcast_in_dim3A_334], %add3A_363 : memref<512x8xf32, #tpu.memory_space<vmem>>[vector<16xi32>, vector<16xi32>], vector<16xf32>,
        %mul3A_364 = arith.mulf %gather3A_341, %get3A_300 : vector<16xf32>
        %mul3A_365 = arith.mulf %gather3A_342, %get3A_304 : vector<16xf32>
        %add3A_366 = arith.addf %mul3A_364, %mul3A_365 : vector<16xf32>
        %mul3A_367 = arith.mulf %gather3A_343, %get3A_308 : vector<16xf32>
        %mul3A_368 = arith.mulf %gather3A_344, %get3A_312 : vector<16xf32>
        %add3A_369 = arith.addf %mul3A_367, %mul3A_368 : vector<16xf32>
        %add3A_370 = arith.addf %add3A_366, %add3A_369 : vector<16xf32>
        tpu.vector_store_idx %arg16[%add3A_332, %broadcast_in_dim3A_340], %add3A_370 : memref<512x8xf32, #tpu.memory_space<vmem>>[vector<16xi32>, vector<16xi32>], vector<16xf32>,
        %mul3A_371 = arith.mulf %gather3A_347, %get3A_300 : vector<16xf32>
        %mul3A_372 = arith.mulf %gather3A_348, %get3A_304 : vector<16xf32>
        %add3A_373 = arith.addf %mul3A_371, %mul3A_372 : vector<16xf32>
        %mul3A_374 = arith.mulf %gather3A_349, %get3A_308 : vector<16xf32>
        %mul3A_375 = arith.mulf %gather3A_350, %get3A_312 : vector<16xf32>
        %add3A_376 = arith.addf %mul3A_374, %mul3A_375 : vector<16xf32>
        %add3A_377 = arith.addf %add3A_373, %add3A_376 : vector<16xf32>
        tpu.vector_store_idx %arg16[%add3A_332, %broadcast_in_dim3A_346], %add3A_377 : memref<512x8xf32, #tpu.memory_space<vmem>>[vector<16xi32>, vector<16xi32>], vector<16xf32>,
        %mul3A_378 = arith.mulf %gather3A_353, %get3A_300 : vector<16xf32>
        %mul3A_379 = arith.mulf %gather3A_354, %get3A_304 : vector<16xf32>
        %add3A_380 = arith.addf %mul3A_378, %mul3A_379 : vector<16xf32>
        %mul3A_381 = arith.mulf %gather3A_355, %get3A_308 : vector<16xf32>
        %mul3A_382 = arith.mulf %gather3A_356, %get3A_312 : vector<16xf32>
        %add3A_383 = arith.addf %mul3A_381, %mul3A_382 : vector<16xf32>
        %add3A_384 = arith.addf %add3A_380, %add3A_383 : vector<16xf32>
        tpu.vector_store_idx %arg16[%add3A_332, %broadcast_in_dim3A_352], %add3A_384 : memref<512x8xf32, #tpu.memory_space<vmem>>[vector<16xi32>, vector<16xi32>], vector<16xf32>,
        %broadcast_in_dim3A_385 = arith.constant 4 : i32
        %broadcast_in_dim3A_386 = vector.broadcast %broadcast_in_dim3A_385 : i32 to vector<16xi32>
        %gather3A_387 = tpu.vector_load_idx %arg7[%broadcast_in_dim3A_386, %max3A_319] : memref<8x8192xf32, #tpu.memory_space<vmem>>[vector<16xi32>, vector<16xi32>], vector<16xf32>,
        %gather3A_388 = tpu.vector_load_idx %arg7[%broadcast_in_dim3A_386, %bitcast3A_313] : memref<8x8192xf32, #tpu.memory_space<vmem>>[vector<16xi32>, vector<16xi32>], vector<16xf32>,
        %gather3A_389 = tpu.vector_load_idx %arg7[%broadcast_in_dim3A_386, %add3A_322] : memref<8x8192xf32, #tpu.memory_space<vmem>>[vector<16xi32>, vector<16xi32>], vector<16xf32>,
        %gather3A_390 = tpu.vector_load_idx %arg7[%broadcast_in_dim3A_386, %min3A_328] : memref<8x8192xf32, #tpu.memory_space<vmem>>[vector<16xi32>, vector<16xi32>], vector<16xf32>,
        %broadcast_in_dim3A_391 = arith.constant 5 : i32
        %broadcast_in_dim3A_392 = vector.broadcast %broadcast_in_dim3A_391 : i32 to vector<16xi32>
        %gather3A_393 = tpu.vector_load_idx %arg7[%broadcast_in_dim3A_392, %max3A_319] : memref<8x8192xf32, #tpu.memory_space<vmem>>[vector<16xi32>, vector<16xi32>], vector<16xf32>,
        %gather3A_394 = tpu.vector_load_idx %arg7[%broadcast_in_dim3A_392, %bitcast3A_313] : memref<8x8192xf32, #tpu.memory_space<vmem>>[vector<16xi32>, vector<16xi32>], vector<16xf32>,
        %gather3A_395 = tpu.vector_load_idx %arg7[%broadcast_in_dim3A_392, %add3A_322] : memref<8x8192xf32, #tpu.memory_space<vmem>>[vector<16xi32>, vector<16xi32>], vector<16xf32>,
        %gather3A_396 = tpu.vector_load_idx %arg7[%broadcast_in_dim3A_392, %min3A_328] : memref<8x8192xf32, #tpu.memory_space<vmem>>[vector<16xi32>, vector<16xi32>], vector<16xf32>,
        %broadcast_in_dim3A_397 = arith.constant 6 : i32
        %broadcast_in_dim3A_398 = vector.broadcast %broadcast_in_dim3A_397 : i32 to vector<16xi32>
        %gather3A_399 = tpu.vector_load_idx %arg7[%broadcast_in_dim3A_398, %max3A_319] : memref<8x8192xf32, #tpu.memory_space<vmem>>[vector<16xi32>, vector<16xi32>], vector<16xf32>,
        %gather3A_400 = tpu.vector_load_idx %arg7[%broadcast_in_dim3A_398, %bitcast3A_313] : memref<8x8192xf32, #tpu.memory_space<vmem>>[vector<16xi32>, vector<16xi32>], vector<16xf32>,
        %gather3A_401 = tpu.vector_load_idx %arg7[%broadcast_in_dim3A_398, %add3A_322] : memref<8x8192xf32, #tpu.memory_space<vmem>>[vector<16xi32>, vector<16xi32>], vector<16xf32>,
        %gather3A_402 = tpu.vector_load_idx %arg7[%broadcast_in_dim3A_398, %min3A_328] : memref<8x8192xf32, #tpu.memory_space<vmem>>[vector<16xi32>, vector<16xi32>], vector<16xf32>,
        %broadcast_in_dim3A_403 = arith.constant 7 : i32
        %broadcast_in_dim3A_404 = vector.broadcast %broadcast_in_dim3A_403 : i32 to vector<16xi32>
        %gather3A_405 = tpu.vector_load_idx %arg7[%broadcast_in_dim3A_404, %max3A_319] : memref<8x8192xf32, #tpu.memory_space<vmem>>[vector<16xi32>, vector<16xi32>], vector<16xf32>,
        %gather3A_406 = tpu.vector_load_idx %arg7[%broadcast_in_dim3A_404, %bitcast3A_313] : memref<8x8192xf32, #tpu.memory_space<vmem>>[vector<16xi32>, vector<16xi32>], vector<16xf32>,
        %gather3A_407 = tpu.vector_load_idx %arg7[%broadcast_in_dim3A_404, %add3A_322] : memref<8x8192xf32, #tpu.memory_space<vmem>>[vector<16xi32>, vector<16xi32>], vector<16xf32>,
        %gather3A_408 = tpu.vector_load_idx %arg7[%broadcast_in_dim3A_404, %min3A_328] : memref<8x8192xf32, #tpu.memory_space<vmem>>[vector<16xi32>, vector<16xi32>], vector<16xf32>,
        %mul3A_409 = arith.mulf %gather3A_387, %get3A_300 : vector<16xf32>
        %mul3A_410 = arith.mulf %gather3A_388, %get3A_304 : vector<16xf32>
        %add3A_411 = arith.addf %mul3A_409, %mul3A_410 : vector<16xf32>
        %mul3A_412 = arith.mulf %gather3A_389, %get3A_308 : vector<16xf32>
        %mul3A_413 = arith.mulf %gather3A_390, %get3A_312 : vector<16xf32>
        %add3A_414 = arith.addf %mul3A_412, %mul3A_413 : vector<16xf32>
        %add3A_415 = arith.addf %add3A_411, %add3A_414 : vector<16xf32>
        tpu.vector_store_idx %arg16[%add3A_332, %broadcast_in_dim3A_386], %add3A_415 : memref<512x8xf32, #tpu.memory_space<vmem>>[vector<16xi32>, vector<16xi32>], vector<16xf32>,
        %mul3A_416 = arith.mulf %gather3A_393, %get3A_300 : vector<16xf32>
        %mul3A_417 = arith.mulf %gather3A_394, %get3A_304 : vector<16xf32>
        %add3A_418 = arith.addf %mul3A_416, %mul3A_417 : vector<16xf32>
        %mul3A_419 = arith.mulf %gather3A_395, %get3A_308 : vector<16xf32>
        %mul3A_420 = arith.mulf %gather3A_396, %get3A_312 : vector<16xf32>
        %add3A_421 = arith.addf %mul3A_419, %mul3A_420 : vector<16xf32>
        %add3A_422 = arith.addf %add3A_418, %add3A_421 : vector<16xf32>
        tpu.vector_store_idx %arg16[%add3A_332, %broadcast_in_dim3A_392], %add3A_422 : memref<512x8xf32, #tpu.memory_space<vmem>>[vector<16xi32>, vector<16xi32>], vector<16xf32>,
        %mul3A_423 = arith.mulf %gather3A_399, %get3A_300 : vector<16xf32>
        %mul3A_424 = arith.mulf %gather3A_400, %get3A_304 : vector<16xf32>
        %add3A_425 = arith.addf %mul3A_423, %mul3A_424 : vector<16xf32>
        %mul3A_426 = arith.mulf %gather3A_401, %get3A_308 : vector<16xf32>
        %mul3A_427 = arith.mulf %gather3A_402, %get3A_312 : vector<16xf32>
        %add3A_428 = arith.addf %mul3A_426, %mul3A_427 : vector<16xf32>
        %add3A_429 = arith.addf %add3A_425, %add3A_428 : vector<16xf32>
        tpu.vector_store_idx %arg16[%add3A_332, %broadcast_in_dim3A_398], %add3A_429 : memref<512x8xf32, #tpu.memory_space<vmem>>[vector<16xi32>, vector<16xi32>], vector<16xf32>,
        %mul3A_430 = arith.mulf %gather3A_405, %get3A_300 : vector<16xf32>
        %mul3A_431 = arith.mulf %gather3A_406, %get3A_304 : vector<16xf32>
        %add3A_432 = arith.addf %mul3A_430, %mul3A_431 : vector<16xf32>
        %mul3A_433 = arith.mulf %gather3A_407, %get3A_308 : vector<16xf32>
        %mul3A_434 = arith.mulf %gather3A_408, %get3A_312 : vector<16xf32>
        %add3A_435 = arith.addf %mul3A_433, %mul3A_434 : vector<16xf32>
        %add3A_436 = arith.addf %add3A_432, %add3A_435 : vector<16xf32>
        tpu.vector_store_idx %arg16[%add3A_332, %broadcast_in_dim3A_404], %add3A_436 : memref<512x8xf32, #tpu.memory_space<vmem>>[vector<16xi32>, vector<16xi32>], vector<16xf32>,
      }
      %scan3A_142 = arith.constant 32 : i32
      %mul3A_143 = arith.constant 2048 : i32
      %mul3A_144 = arith.muli %scan3A_33, %mul3A_143 : i32
      %add3A_145 = arith.addi %mul3A_0, %mul3A_144 : i32
      %add3A_146 = arith.constant 1536 : i32
      %add3A_147 = arith.addi %add3A_145, %add3A_146 : i32
      %mul3A_148 = arith.constant 8 : i32
      %mul3A_149 = arith.muli %arg1, %mul3A_148 : i32
      %dma_start3A_150 = tpu.memref_slice %arg6[%add3A_147, %mul3A_149] : memref<65536x128xf32, #tpu.memory_space<hbm>> -> memref<512x8xf32, #tpu.memory_space<hbm>>
      %dma_start3A_151 = tpu.memref_slice %arg6[%add3A_147, %mul3A_149] : memref<65536x128xf32, #tpu.memory_space<hbm>> -> memref<512x8xf32, #tpu.memory_space<hbm>>
      tpu.enqueue_dma source(%arg16 : memref<512x8xf32, #tpu.memory_space<vmem>>) target(%dma_start3A_151 : memref<512x8xf32, #tpu.memory_space<hbm>>) target_semaphore(%arg20 : memref<!tpu.dma_semaphore, #tpu.memory_space<semaphore_mem>>)
    }
    %scan3A_21 = arith.constant 16 : i32
    %dma_wait3A = arith.constant 0 : i32
    %dma_wait3A_22 = tpu.memref_slice %arg3[%dma_wait3A] : memref<65536xf32, #tpu.memory_space<hbm>> -> memref<2560xf32, #tpu.memory_space<hbm>>
    %dma_wait3A_23 = arith.constant 0 : i32
    %dma_wait3A_24 = tpu.memref_slice %arg3[%dma_wait3A_23] : memref<65536xf32, #tpu.memory_space<hbm>> -> memref<2560xf32, #tpu.memory_space<hbm>>
    tpu.wait_dma2 semaphore(%arg17 : memref<!tpu.dma_semaphore, #tpu.memory_space<semaphore_mem>>) src(%dma_wait3A_24 : memref<2560xf32, #tpu.memory_space<hbm>>) dst(%arg13 : memref<2560xf32, #tpu.memory_space<vmem>>)
    %mul3A_25 = arith.constant 8 : i32
    %mul3A_26 = arith.muli %arg1, %mul3A_25 : i32
    %dma_wait3A_27 = tpu.memref_slice %arg6[%mul3A_0, %mul3A_26] : memref<65536x128xf32, #tpu.memory_space<hbm>> -> memref<512x8xf32, #tpu.memory_space<hbm>>
    %dma_wait3A_28 = tpu.memref_slice %arg6[%mul3A_0, %mul3A_26] : memref<65536x128xf32, #tpu.memory_space<hbm>> -> memref<512x8xf32, #tpu.memory_space<hbm>>
    tpu.wait_dma2 semaphore(%arg19 : memref<!tpu.dma_semaphore, #tpu.memory_space<semaphore_mem>>) src(%arg15 : memref<512x8xf32, #tpu.memory_space<vmem>>) dst(%dma_wait3A_28 : memref<512x8xf32, #tpu.memory_space<hbm>>)
    %mul3A_29 = arith.constant 8 : i32
    %mul3A_30 = arith.muli %arg1, %mul3A_29 : i32
    %dma_wait3A_31 = tpu.memref_slice %arg6[%mul3A_0, %mul3A_30] : memref<65536x128xf32, #tpu.memory_space<hbm>> -> memref<512x8xf32, #tpu.memory_space<hbm>>
    %dma_wait3A_32 = tpu.memref_slice %arg6[%mul3A_0, %mul3A_30] : memref<65536x128xf32, #tpu.memory_space<hbm>> -> memref<512x8xf32, #tpu.memory_space<hbm>>
    tpu.wait_dma2 semaphore(%arg20 : memref<!tpu.dma_semaphore, #tpu.memory_space<semaphore_mem>>) src(%arg16 : memref<512x8xf32, #tpu.memory_space<vmem>>) dst(%dma_wait3A_32 : memref<512x8xf32, #tpu.memory_space<hbm>>)
    return
  }
}

module attributes {stable_mosaic.version = 14 : i64} {
  func.func @_weight_t_body(%arg0: memref<8192x128xf32, #tpu.memory_space<vmem>>, %arg1: memref<8192x128xf32, #tpu.memory_space<vmem>>, %arg2: memref<1x128xf32, #tpu.memory_space<vmem>>, %arg3: memref<128x8192xf32, #tpu.memory_space<vmem>>) attributes {dimension_semantics = [], scalar_prefetch = 0 : i64, scratch_operands = 0 : i64, tpu.core_type = #tpu.core_type<tc>} {
    %get3A = arith.constant 0 : index
    %get3A_0 = arith.constant 0 : index
    %get3A_1 = vector.load %arg0[%get3A, %get3A_0] : memref<8192x128xf32, #tpu.memory_space<vmem>>, vector<8192x128xf32>
    %get3A_2 = arith.constant 0 : index
    %get3A_3 = arith.constant 0 : index
    %get3A_4 = vector.load %arg1[%get3A_2, %get3A_3] : memref<8192x128xf32, #tpu.memory_space<vmem>>, vector<8192x128xf32>
    %add3A = arith.addf %get3A_1, %get3A_4 : vector<8192x128xf32>
    %get3A_5 = arith.constant 0 : index
    %get3A_6 = arith.constant 0 : index
    %get3A_7 = vector.load %arg2[%get3A_5, %get3A_6] : memref<1x128xf32, #tpu.memory_space<vmem>>, vector<1x128xf32>
    %mul3A = vector.broadcast %get3A_7 : vector<1x128xf32> to vector<8192x128xf32>
    %mul3A_8 = arith.mulf %add3A, %mul3A : vector<8192x128xf32>
    %transpose3A = tpu.transpose %mul3A_8, [1, 0] : vector<8192x128xf32> -> vector<128x8192xf32>
    %swap3A = arith.constant 0 : index
    %swap3A_9 = arith.constant 0 : index
    %swap3A_10 = vector.load %arg3[%swap3A, %swap3A_9] : memref<128x8192xf32, #tpu.memory_space<vmem>>, vector<128x8192xf32>
    tpu.vector_store %arg3[%swap3A, %swap3A_9], %transpose3A {strides = array<i32>} : memref<128x8192xf32, #tpu.memory_space<vmem>>, vector<128x8192xf32>,
    return
  }
}

</mosaic_0001>

<sc_bundles>
// kernel: kernel.4.cloned.1.call-start
scs
__scs_entry_jumppad:
0x0: {  	(pc) =	sbr.rel $0x88, $3  }
0x1: {  	(tag) =	ssettag $0x0;
	lr =	simm.s32 $0x1  }
0x2: {  	[smem:$0x3F9B] =	sst lr;
	_ =	strace $0xD0000000  }
0x3: {  	_ = 	snop  }
0x4: {  	_ = 	snop  }
0x5: {  	_ = 	snop  }
0x6: {  	_ = 	snop  }
0x7: {  	_ = 	snop  }
__scs_overlays_trampoline_lowered:
0x8: {  	[smem:$0x3FAA] =	sst s0  }
0x9: {  	[smem:$0x3FAB] =	sst s1  }
0xa: {  	[smem:$0x3FAC] =	sst s2  }
0xb: {  	[smem:$0x3FAD] =	sst s3  }
0xc: {  	[smem:$0x3FAE] =	sst s4  }
0xd: {  	[smem:$0x3FAF] =	sst s5  }
0xe: {  	[smem:$0x3FB0] =	sst s6  }
0xf: {  	[smem:$0x3FB1] =	sst s7  }
0x10: {  	[smem:$0x3FB2] =	sst s8  }
0x11: {  	[smem:$0x3FB3] =	sst s9;
	s0 =	simm.s32 @!p0 $0x0  }
0x12: {  	s1 =	sld [smem:$0x3F99];
	s0 =	simm.s32 @p0 $0x1  }
0x13: {  	[smem:$0x3FB4] =	sst s0;
	s0 =	simm.s32 @!p1 $0x0  }
0x14: {  	s2 =	sld [smem:$0x3F98];
	s0 =	simm.s32 @p1 $0x1  }
0x15: {  	[smem:$0x3FB5] =	sst s0;
	s0 =	simm.s32 @!p2 $0x0  }
0x16: {  	s3 =	sld [smem:$0x3FDB];
	s0 =	simm.s32 @p2 $0x1  }
0x17: {  	s4 =	simm.s32 $0x1BF5;
	[smem:$0x3FB7] =	sst s0  }
0x18: {  	s0 =	sld [smem:$0x3F9A];
	_ =	swait.ge [sflag:s4], $0x0  }
0x19: {  	s7 =	sld [smem:$0x3F9B]  }
0x1a: {  	s8 =	sadd.s32 $0xFFFFE003, lr  }
0x1b: {  	s9 =	sadd.s32 $0xFFFFFEF7, lr;
	s5 =	simm.s32 $0xFFFFFFFF;
	p2 =	slt.u32 s8, $0xFFFFF086  }
0x1c: {  	p1 =	slt.u32 s9, $0xF7A;
	s5 =	simm.s32 @!p2 $0x0  }
0x1d: {  	s5 =	simm.s32 @p1 $0x1;
	p0 =	seq.s32 s7, s2  }
0x1e: {  	s7 =	smul.u32 @!p0 $0xF7A, s2;
	p2 =	seq.s32 @!p0 s5, $0x0  }
0x1f: {  	s9 =	smul.u32 $0xF7A, s1;
	s8 =	simm.s32 @!p0 $0x1BF5;
	p2 =	por !p2, p0  }
0x20: {  	[sflag:s8] =	ssyncset.s32 @!p0 $0xFFFFF086;
	s6 =	sadd.s32 @!p0 s3, s7;
	s7 =	simm.s32 @!p0 $0x108  }
0x21: {  	s3 =	sadd.s32 s3, s9;
	s6 =	sadd.s32 @!p0 $0x88, s6;
	s7 =	simm.s32 @p2 $0x1082  }
0x22: {  	[simem:s7], [sflag:s8] =	dma.local @!p0 [hbm:s6], $0xF7A  }
0x23: {  	s9 =	sor.u32 $0xD0000000, s2;
	s6 =	simm.s32 $0x108;
	_ =	swait.ge @!p0 [sflag:s8], $0x0  }
0x24: {  	s3 =	sadd.s32 $0x88, s3;
	s6 =	simm.s32 @!p1 $0x1082;
	[sflag:s4] =	ssyncset.s32 $0xFFFFF086  }
0x25: {  	[simem:s6], [sflag:s4] =	dma.local [hbm:s3], $0xF7A  }
0x26: {  	[smem:$0x3F9B] =	sst s1;
	(tag) =	ssettag s2;
	_ =	strace s9  }
0x27: {  	s1 =	sld [smem:$0x3FAB]  }
0x28: {  	s2 =	sld [smem:$0x3FAC]  }
0x29: {  	s4 =	sld [smem:$0x3FAE]  }
0x2a: {  	p0 =	seq.s32 s5, $0x0;
	s5 =	sld [smem:$0x3FAF]  }
0x2b: {  	s6 =	sld [smem:$0x3FB0]  }
0x2c: {  	s7 =	sld [smem:$0x3FB1]  }
0x2d: {  	s3 =	simm.s32 $0x108;
	s8 =	sld [smem:$0x3FB2]  }
0x2e: {  	s3 =	simm.s32 @!p0 $0x1082;
	s9 =	sld [smem:$0x3FB3]  }
0x2f: {  	lr =	sadd.s32 s0, s3;
	s0 =	sld [smem:$0x3FAA]  }
0x30: {  	s3 =	sld [smem:$0x3FAD]  }
0x31: {  	[smem:$0x3FB6] =	sst s10  }
0x32: {  	s10 =	sld [smem:$0x3FB4];
	_ =	sdelay $0x3  }
0x33: {  	p0 =	seq.s32 s10, $0x1;
	s10 =	sld [smem:$0x3FB6];
	_ =	sdelay $0x3  }
0x34: {  	[smem:$0x3FB6] =	sst s10  }
0x35: {  	s10 =	sld [smem:$0x3FB5];
	_ =	sdelay $0x3  }
0x36: {  	p1 =	seq.s32 s10, $0x1;
	s10 =	sld [smem:$0x3FB6];
	_ =	sdelay $0x3  }
0x37: {  	[smem:$0x3FB6] =	sst s10  }
0x38: {  	s10 =	sld [smem:$0x3FB7]  }
0x39: {  	_ = 	snop;
	(pc) =	sbr.ind lr, $3  }
0x3a: {  	_ = 	snop  }
0x3b: {  	_ = 	snop  }
0x3c: {  	p2 =	seq.s32 s10, $0x1;
	s10 =	sld [smem:$0x3FB6]  }
0x3d: {  	_ =	shalt  }
0x3e: {  	_ =	shalt  }
0x3f: {  	_ =	shalt  }
0x40: {  	_ =	shalt  }
0x41: {  	_ =	shalt  }
0x42: {  	_ =	shalt  }
0x43: {  	_ =	shalt  }
0x44: {  	_ =	shalt  }
0x45: {  	_ =	shalt  }
0x46: {  	_ =	shalt  }
0x47: {  	_ =	shalt  }
0x48: {  	_ =	shalt  }
0x49: {  	_ =	shalt  }
0x4a: {  	_ =	shalt  }
0x4b: {  	_ =	shalt  }
0x4c: {  	_ =	shalt  }
0x4d: {  	_ =	shalt  }
0x4e: {  	_ =	shalt  }
0x4f: {  	_ =	shalt  }
0x50: {  	_ =	shalt  }
0x51: {  	_ =	shalt  }
0x52: {  	_ =	shalt  }
0x53: {  	_ =	shalt  }
0x54: {  	_ =	shalt  }
0x55: {  	_ =	shalt  }
0x56: {  	_ =	shalt  }
0x57: {  	_ =	shalt  }
0x58: {  	_ =	shalt  }
0x59: {  	_ =	shalt  }
0x5a: {  	_ =	shalt  }
0x5b: {  	_ =	shalt  }
0x5c: {  	_ =	shalt  }
0x5d: {  	_ =	shalt  }
0x5e: {  	_ =	shalt  }
0x5f: {  	_ =	shalt  }
0x60: {  	_ =	shalt  }
0x61: {  	_ =	shalt  }
0x62: {  	_ =	shalt  }
0x63: {  	_ =	shalt  }
0x64: {  	_ =	shalt  }
0x65: {  	_ =	shalt  }
0x66: {  	_ =	shalt  }
0x67: {  	_ =	shalt  }
0x68: {  	_ =	shalt  }
0x69: {  	_ =	shalt  }
0x6a: {  	_ =	shalt  }
0x6b: {  	_ =	shalt  }
0x6c: {  	_ =	shalt  }
0x6d: {  	_ =	shalt  }
0x6e: {  	_ =	shalt  }
0x6f: {  	_ =	shalt  }
0x70: {  	_ =	shalt  }
0x71: {  	_ =	shalt  }
0x72: {  	_ =	shalt  }
0x73: {  	_ =	shalt  }
0x74: {  	_ =	shalt  }
0x75: {  	_ =	shalt  }
0x76: {  	_ =	shalt  }
0x77: {  	_ =	shalt  }
0x78: {  	_ =	shalt  }
0x79: {  	_ =	shalt  }
0x7a: {  	_ =	shalt  }
0x7b: {  	_ =	shalt  }
0x7c: {  	_ =	shalt  }
0x7d: {  	_ =	shalt  }
0x7e: {  	_ =	shalt  }
0x7f: {  	_ =	shalt  }
0x80: {  	_ =	shalt  }
0x81: {  	_ =	shalt  }
0x82: {  	_ =	shalt  }
0x83: {  	_ =	shalt  }
0x84: {  	_ =	shalt  }
0x85: {  	_ =	shalt  }
0x86: {  	_ =	shalt  }
0x87: {  	_ =	shalt  }
.Lfunc_end0:
.L_simem_size_0:
called_computation_lowered:
.L_overlay_start_0:
0x88: {  	s2 =	sld [smem:$0x3FD9]  }
0x89: {  	s3 =	sld [smem:$0x3FFE];
	_ =	sdelay $0x1  }
0x8a: {  	s1 =	srdreg.scid  }
0x8b: {  	s0 =	sand.u32 $0x1, s1  }
0x8c: {  	s17 =	sshll.u32 s0, $0xA;
	s2 =	sadd.s32 s3, s2  }
0x8d: {  	s2 =	sadd.s32 s2, s17  }
0x8e: {  	[smem:$0x3FC2] =	sst s2  }
0x8f: {  	_ = 	snop  }
0x90: {  	s2 =	sld [smem:$0x3FC8]  }
0x91: {  	s18 =	sld [smem:$0x3FC4]  }
0x92: {  	s4 =	sld [smem:$0x3FD0];
	(tm) =	ssettm $0x1  }
0x93: {  	s5 =	sld [smem:$0x3FFB];
	_ =	sdelay $0x3  }
0x94: {  	_ =	strace s5  }
0x95: {  	s5 =	sld [smem:$0x3FFC];
	_ =	sdelay $0x3  }
0x96: {  	_ =	strace s5  }
0x97: {  	s5 =	sld [smem:$0x3FFD];
	_ =	sdelay $0x3  }
0x98: {  	_ =	strace s5  }
0x99: {  	_ =	strace $0x8FFFFFFF  }
0x9a: {  	s19 =	sld [smem:$0x3FDB];
	_ =	sdelay $0x1  }
0x9b: {  	s6 =	simm.s32 $_scs_section_size  }
0x9c: {  	s7 =	simm.s32 $_size__tile_overlayer_lowered;
	s8 =	simm.s32 $_tile_overlayer_lowered  }
0x9d: {  	s22 =	simm.s32 $0x1BFF;
	s21 =	sshll.u32 s8, $0x1;
	s5 =	sadd.s32 s6, s19  }
0x9e: {  	s9 =	simm.s32 $0x0;
	s20 =	sshll.u32 s7, $0x1;
	s7 =	sadd.s32 s21, s5  }
0x9f: {  	[timem:s9], [sflag:s22] =	dma.local [hbm:s7], s20  }
0xa0: {  	_ =	swait.ge [sflag:s22], s20  }
0xa1: {  	s6 =	ssub.s32 $0x0, s20;
	[sflag:s22] =	ssyncset.done $0x0  }
0xa2: {  	[sflag:s22] =	ssyncadd.s32 s6;
	_ =	sdelay $0x1  }
0xa3: {  	s23 =	simm.s32 $0x1B8B  }
0xa4: {  	_ =	swait.ge [sflag:s23], $0x1  }
0xa5: {  	[sflag:s23] =	ssyncset.done $0x0  }
0xa6: {  	s25 =	simm.s32 $0x1B8E;
	s24 =	sld [smem:$0x3FFE];
	[sflag:s23] =	ssyncadd.s32 $0xFFFFFFFF  }
0xa7: {  	s26 =	simm.s32 $execute0_lowered;
	[smem:$0x3FD2] =	sst s25  }
0xa8: {  	s7 =	sshll.u32 s26, $0x1;
	_ =	strace $0x80000046;
	[dreg:$0x1] =	wrdreg $0xFFFFFFFF  }
0xa9: {  	s28 =	simm.s32 $_size_execute0_lowered;
	s5 =	sadd.s32 s5, s7;
	[dreg:$0x0] =	wrdreg $0x0  }
0xaa: {  	s7 =	sshll.u32 s28, $0x1;
	[dreg:$0x2] =	wrdreg s5  }
0xab: {  	[dreg:$0x3] =	wrdreg s7  }
0xac: {  	[dreg:$0x4] =	wrdreg $0xC0  }
0xad: {  	_ =	task [dreg:s9], $0x5FFFF  }
0xae: {  	[dreg:$0x1] =	wrdreg $0xFFFFFFFF  }
0xaf: {  	[dreg:$0x0] =	wrdreg $0x60  }
0xb0: {  	[dreg:$0x2] =	wrdreg s24  }
0xb1: {  	[dreg:$0x3] =	wrdreg s2  }
0xb2: {  	[dreg:$0x4] =	wrdreg s18  }
0xb3: {  	[dreg:$0x5] =	wrdreg s4  }
0xb4: {  	[dreg:$0x6] =	wrdreg $0x170000  }
0xb5: {  	[dreg:$0x7] =	wrdreg $0x9  }
0xb6: {  	_ =	task.clear_ibuf [dreg:s9], $0x8FFFF;
	_ =	strace $0x90000046  }
0xb7: {  	s29 =	simm.s32 $0x9;
	_ =	strace $0x80000048  }
0xb8: {  	_ =	swait.ge [sflag:s29], $0x1  }
0xb9: {  	[sflag:s29] =	ssyncadd.s32 $0xFFFFFFFF  }
0xba: {  	_ =	strace $0x90000048  }
0xbb: {  	_ =	sfence  }
0xbc: {  	s30 =	sld [smem:$0x0];
	_ =	sdelay $0x2  }
0xbd: {  	s31 =	sshll.u32 s1, $0xD;
	s1 =	sshrl.u32 s1, $0x2  }
0xbe: {  	s3 =	sand.u32 $0x4000, s31;
	s1 =	sadd.s32 s1, s30  }
0xbf: {  	s0 =	sor.u32 s3, s0;
	s1 =	sshll.u32 s1, $0x11  }
0xc0: {  	s0 =	sor.u32 s1, s0  }
0xc1: {  	s0 =	sadd.s32 $0x8F2B, s0  }
0xc2: {  	[sflag:s0] =	ssyncadd.remote.s32 $0x1  }
0xc3: {  	_ =	sfence.sel $0xFFFF  }
0xc4: {  	[dreg:$0x0] =	wrdreg $0xFFFFFFFF;
	(pc) =	sbr.abs _section_cstart, $3  }
0xc5: {  	[dreg:$0x1] =	wrdreg $0xFFFFFFFF  }
0xc6: {  	_ =	task.clear_ibuf [dreg:s9], $0x2FFFF;
	_ =	strace $0x9FFFFFFF  }
0xc7: {  	(tm) =	ssettm $0x7FFFFFFF  }
tec
execute0_lowered:
.L_overlay_start_1:
0x0: {  	(tag) =	ssettag $0x1  }
0x1: {  	s0 =	rddreg [dreg:$0x0]  }
0x2: {  	s1 =	rddreg [dreg:$0x1]  }
0x3: {  	s3 =	rddreg [dreg:$0x3]  }
0x4: {  	s4 =	rddreg [dreg:$0x4]  }
0x5: {  	s5 =	simm.s32 $0x0;
	s11 =	stileid.u32;
	s2 =	srdreg.scid  }
0x6: {  	s15 =	simm.s32 $0x5;
	s16 =	simm.s32 $0x10000;
	s17 =	simm.s32 $0x12000  }
0x7: {  	s20 =	simm.s32 $0x19800;
	s21 =	simm.s32 $0x1A200;
	s22 =	simm.s32 $0x1  }
0x8: {  	s28 =	simm.s32 $0x1BC00;
	s29 =	simm.s32 $0x3;
	s30 =	simm.s32 $0x4  }
0x9: {  	s31 =	simm.s32 $0x0;
	[smem:$0x7FF] =	sst s5;
	s6 =	sshll.u32 s11, $0xD  }
0xa: {  	s2 =	sand.u32 $0x1, s2;
	s8 =	smul.u32 $0xA000, s11;
	s10 =	sshll.u32 s11, $0x8  }
0xb: {  	s12 =	sadd.s32 $0x4000, s3;
	s13 =	sadd.s32 $0x6000, s3;
	_ =	strace $0x80000047  }
0xc: {  	s6 =	sadd.s32 s6, s0;
	s7 =	ssub.s32 $0x2, s2;
	s0 =	sadd.s32 $0x20C00, s0  }
0xd: {  	s9 =	sshll.u32 s2, $0xC;
	s26 =	sshll.u32 s2, $0x13;
	[dreg:$0x6] =	wrdreg s0  }
0xe: {  	s23 =	sshrl.u32 s7, $0x1;
	s6 =	sadd.s32 $0xC00, s6;
	s24 =	sor.u32 s10, s9  }
0xf: {  	s25 =	sshrl.u32 s8, $0x2;
	s10 =	sor.u32 s11, s26;
	s11 =	sadd.s32 $0x2000, s3  }
0x10: {  	s26 =	simm.s32 $0x2;
	s0 =	ssub.s32 s7, s23;
	[dreg:$0x7] =	wrdreg s6  }
0x11: {  	v0 =	vlaneseq.u32;
	s8 =	sadd.s32 s1, s24;
	s9 =	sadd.s32 s25, s4;
	s23 =	simm.s32 $0x1AC00  }
0x12: {  	v0 =	vmul.u32 $0x8, v0;
	s24 =	simm.s32 $0x8;
	s25 =	simm.s32 $0x80;
	s14 =	smax.u32 s0, $0x1  }
.LBB2_1:
0x13: {  	s0 =	rddreg [dreg:$0x7]  }
0x14: {  	[tilespmem:s5], [sflag:$0x5] =	stream.linear.gather [hbm4b:s0+s5], $0x10000, $0x38;
	[tilespmem:$0x1CC00] =	vst v63  }
0x15: {  	_ =	swait.ge [sflag:s15], $0x10000  }
0x16: {  	[sflag:s15] =	ssyncset.done $0x0  }
0x17: {  	s6 =	rddreg [dreg:$0x6];
	[sflag:s15] =	ssyncadd.s32 $0xFFFF0000  }
0x18: {  	[tilespmem:s16], [sflag:$0x5] =	stream.linear.gather [hbm4b:s6+s5], $0x2000, $0x38;
	[tilespmem:$0x1CC00] =	vst v63  }
0x19: {  	_ =	swait.ge [sflag:s15], $0x2000  }
0x1a: {  	[sflag:s15] =	ssyncset.done $0x0  }
0x1b: {  	[sflag:s15] =	ssyncadd.s32 $0xFFFFE000  }
0x1c: {  	s7 =	rddreg [dreg:$0x2]  }
0x1d: {  	[tilespmem:s17], [sflag:$0x5] =	stream.linear.gather [hbm4b:s7+s5], $0x2000, $0x38;
	[tilespmem:$0x1CC00] =	vst v63  }
0x1e: {  	_ =	swait.ge [sflag:s15], $0x2000  }
0x1f: {  	[sflag:s15] =	ssyncset.done $0x0  }
0x20: {  	s18 =	simm.s32 $0x14000;
	[sflag:s15] =	ssyncadd.s32 $0xFFFFE000  }
0x21: {  	[tilespmem:s18], [sflag:$0x5] =	stream.linear.gather [hbm4b:s8+s5], $0x800, $0x38;
	[tilespmem:$0x1CC00] =	vst v63  }
0x22: {  	_ =	swait.ge [sflag:s15], $0x800  }
0x23: {  	[sflag:s15] =	ssyncset.done $0x0  }
0x24: {  	s19 =	simm.s32 $0x0;
	[sflag:s15] =	ssyncadd.s32 $0xFFFFF800  }
0x25: {  	v1 =	vld [tilespmem:s19+$0x14000];
	_ =	sdelay $0x4  }
0x26: {  	v1 =	vmul.f32 $8.191000000e+03, v1;
	_ =	sdelay $0x1  }
0x27: {  	v2 =	vtrunc.f32 v1  }
0x28: {  	v2 =	vcvt.f32.s32 v2;
	_ =	sdelay $0x1  }
0x29: {  	vm0 =	vgt.s32 v2, $0x0  }
0x2a: {  	v2 =	vnsel vm0, $0x0, v2  }
0x2b: {  	v2 =	vmin.u32 v2, $0x1FFE;
	_ =	sdelay $0x4  }
0x2c: {  	v3 =	vld.idx.msk [tilespmem:v2+s16+$0x0], $0xffff;
	_ =	sdelay $0x4  }
0x2d: {  	v3 =	vsub.f32 $0.0e+00, v3;
	_ =	sdelay $0x1  }
0x2e: {  	v3 =	vmul.f32 $1.442695020e+00, v3;
	_ =	sdelay $0x1  }
0x2f: {  	(erf) = vpow2.f32 v3;
	_ =	sdelay $0x7  }
0x30: {  	v3 =	vcvt.s32.f32 v2  }
0x31: {  	v4 =	vpop (erf)  }
0x32: {  	v1 =	vsub.f32 v1, v3;
	v3 =	vadd.f32 $1.000000000e+00, v4;
	_ =	sdelay $0x1  }
0x33: {  	v59 =	vmul.f32 v1, v1;
	(erf) = vrcp.f32 v3;
	_ =	sdelay $0x1  }
0x34: {  	v5 =	vmul.f32 v59, v1;
	v3 =	vadd.s32 $0x1, v2  }
0x35: {  	v6 =	vmul.f32 $-2.500000000e+00, v59  }
0x36: {  	v7 =	vmul.f32 $5.000000000e-01, v5;
	v5 =	vmul.f32 $1.500000000e+00, v5  }
0x37: {  	v8 =	vld.idx.msk [tilespmem:v2+s17+$0x0], $0xffff;
	v9 =	vadd.f32 v59, v59  }
0x38: {  	v1 =	vmul.f32 $5.000000000e-01, v1;
	v10 =	vsub.f32 v59, v7;
	v6 =	vadd.f32 v6, v5  }
0x39: {  	v5 =	vsub.f32 v9, v5;
	v3 =	vld.idx.msk [tilespmem:v3+s17+$0x0], $0xffff  }
0x3a: {  	v60 =	vsub.f32 v10, v1;
	v6 =	vadd.f32 $1.000000000e+00, v6  }
0x3b: {  	v4 =	vmul.f32 $5.000000000e-01, v59;
	v61 =	vpop (erf)  }
0x3c: {  	v1 =	vadd.f32 v5, v1;
	v6 =	vmul.f32 v6, v8;
	v9 =	vmul.f32 v60, v61;
	_ =	sdelay $0x1  }
0x3d: {  	v1 =	vmul.f32 v1, v3;
	v3 =	vsub.f32 v7, v4;
	v62 =	vadd.f32 v6, v9;
	_ =	sdelay $0x1  }
0x3e: {  	v3 =	vmul.f32 v3, v61;
	v4 =	vadd.f32 v62, v1;
	_ =	sdelay $0x1  }
0x3f: {  	v4 =	vadd.f32 v4, v3;
	_ =	sdelay $0x1  }
0x40: {  	(erf) = vrcp.f32 v4;
	_ =	sdelay $0x8  }
0x41: {  	v4 =	vpop (erf)  }
0x42: {  	s0 =	simm.s32 $0x14820;
	v63 =	vmul.f32 v4, v9  }
0x43: {  	[tilespmem:s0+$0xFFFFFFE0] =	vst v2;
	v2 =	vmul.f32 v4, v6  }
0x44: {  	v1 =	vmul.f32 v4, v1;
	[tilespmem:s0+$0xFFFFFFF0] =	vst v63  }
0x45: {  	v3 =	vmul.f32 v4, v3;
	[tilespmem:s0+$0x0] =	vst v2  }
0x46: {  	[tilespmem:s0+$0x10] =	vst v1  }
0x47: {  	s2 =	simm.s32 $0x10;
	s1 =	simm.s32 $0x80;
	[tilespmem:s0+$0x20] =	vst v3  }
.LBB2_2:
0x48: {  	p0 =	sne.s32 s1, $0x1FC0;
	v1 =	vld [tilespmem:s2+$0x14000];
	_ =	sdelay $0x4  }
0x49: {  	v1 =	vmul.f32 $8.191000000e+03, v1;
	_ =	sdelay $0x1  }
0x4a: {  	v2 =	vtrunc.f32 v1  }
0x4b: {  	v2 =	vcvt.f32.s32 v2;
	_ =	sdelay $0x1  }
0x4c: {  	vm0 =	vgt.s32 v2, $0x0  }
0x4d: {  	v2 =	vnsel vm0, $0x0, v2  }
0x4e: {  	v2 =	vmin.u32 v2, $0x1FFE;
	_ =	sdelay $0x4  }
0x4f: {  	v3 =	vld.idx.msk [tilespmem:v2+s16+$0x0], $0xffff;
	_ =	sdelay $0x5  }
0x50: {  	v3 =	vsub.f32 $0.0e+00, v3;
	_ =	sdelay $0x1  }
0x51: {  	v3 =	vmul.f32 $1.442695020e+00, v3;
	_ =	sdelay $0x1  }
0x52: {  	(erf) = vpow2.f32 v3;
	_ =	sdelay $0x7  }
0x53: {  	v3 =	vcvt.s32.f32 v2  }
0x54: {  	v4 =	vpop (erf)  }
0x55: {  	v1 =	vsub.f32 v1, v3;
	v3 =	vadd.f32 $1.000000000e+00, v4;
	_ =	sdelay $0x1  }
0x56: {  	v4 =	vmul.f32 v1, v1;
	(erf) = vrcp.f32 v3  }
0x57: {  	v3 =	vadd.s32 $0x1, v2  }
0x58: {  	v5 =	vmul.f32 v4, v1  }
0x59: {  	v6 =	vmul.f32 $-2.500000000e+00, v4  }
0x5a: {  	v8 =	vmul.f32 $5.000000000e-01, v5;
	v5 =	vmul.f32 $1.500000000e+00, v5;
	v7 =	vld.idx.msk [tilespmem:v2+s17+$0x0], $0xffff  }
0x5b: {  	s0 =	sadd.s32 $0x50, s0;
	v9 =	vadd.f32 v4, v4  }
0x5c: {  	v1 =	vmul.f32 $5.000000000e-01, v1;
	v10 =	vsub.f32 v4, v8;
	v6 =	vadd.f32 v6, v5;
	v3 =	vld.idx.msk [tilespmem:v3+s17+$0x0], $0xffff;
	[tilespmem:s0+$0xFFFFFFE0] =	vst v2  }
0x5d: {  	v2 =	vsub.f32 v9, v5  }
0x5e: {  	v5 =	vsub.f32 v10, v1;
	v6 =	vadd.f32 $1.000000000e+00, v6  }
0x5f: {  	v4 =	vmul.f32 $5.000000000e-01, v4;
	v9 =	vpop (erf)  }
0x60: {  	v1 =	vadd.f32 v2, v1;
	v6 =	vmul.f32 v6, v7;
	v5 =	vmul.f32 v5, v9;
	_ =	sdelay $0x1  }
0x61: {  	v2 =	vsub.f32 v8, v4;
	v1 =	vmul.f32 v1, v3;
	v3 =	vadd.f32 v6, v5;
	_ =	sdelay $0x1  }
0x62: {  	v2 =	vmul.f32 v2, v9;
	v3 =	vadd.f32 v3, v1;
	_ =	sdelay $0x1  }
0x63: {  	v3 =	vadd.f32 v3, v2;
	_ =	sdelay $0x1  }
0x64: {  	(erf) = vrcp.f32 v3;
	_ =	sdelay $0x8  }
0x65: {  	v3 =	vpop (erf)  }
0x66: {  	v4 =	vmul.f32 v3, v5;
	v5 =	vmul.f32 v3, v6  }
.Ltmp0:
0x67: {  	v1 =	vmul.f32 v3, v1;
	v2 =	vmul.f32 v3, v2;
	(pc) =	sbr.rel @p0 .LBB2_2-.Ltmp0, $4  }
0x68: {  	[tilespmem:s0+$0xFFFFFFF0] =	vst v4  }
0x69: {  	[tilespmem:s0+$0x0] =	vst v5  }
0x6a: {  	[tilespmem:s0+$0x10] =	vst v1  }
0x6b: {  	s2 =	sshra.s32 s1, $0x2;
	s1 =	sadd.s32 $0x40, s1;
	[tilespmem:s0+$0x20] =	vst v2  }
0x6c: {  	v1 =	vld [tilespmem:s2+$0x14000];
	_ =	sdelay $0x4  }
0x6d: {  	v1 =	vmul.f32 $8.191000000e+03, v1;
	_ =	sdelay $0x1  }
0x6e: {  	v2 =	vtrunc.f32 v1  }
0x6f: {  	v2 =	vcvt.f32.s32 v2;
	_ =	sdelay $0x1  }
0x70: {  	vm0 =	vgt.s32 v2, $0x0  }
0x71: {  	v2 =	vnsel vm0, $0x0, v2  }
0x72: {  	v2 =	vmin.u32 v2, $0x1FFE;
	_ =	sdelay $0x4  }
0x73: {  	v3 =	vld.idx.msk [tilespmem:v2+s16+$0x0], $0xffff;
	_ =	sdelay $0x4  }
0x74: {  	v3 =	vsub.f32 $0.0e+00, v3;
	_ =	sdelay $0x1  }
0x75: {  	v3 =	vmul.f32 $1.442695020e+00, v3;
	_ =	sdelay $0x1  }
0x76: {  	(erf) = vpow2.f32 v3;
	_ =	sdelay $0x7  }
0x77: {  	v3 =	vcvt.s32.f32 v2  }
0x78: {  	v4 =	vpop (erf)  }
0x79: {  	v1 =	vsub.f32 v1, v3;
	v3 =	vadd.f32 $1.000000000e+00, v4;
	_ =	sdelay $0x1  }
0x7a: {  	v59 =	vmul.f32 v1, v1;
	(erf) = vrcp.f32 v3;
	_ =	sdelay $0x1  }
0x7b: {  	v5 =	vmul.f32 v59, v1;
	v3 =	vadd.s32 $0x1, v2  }
0x7c: {  	v6 =	vmul.f32 $-2.500000000e+00, v59  }
0x7d: {  	v7 =	vmul.f32 $5.000000000e-01, v5;
	v5 =	vmul.f32 $1.500000000e+00, v5  }
0x7e: {  	v8 =	vld.idx.msk [tilespmem:v2+s17+$0x0], $0xffff;
	v9 =	vadd.f32 v59, v59  }
0x7f: {  	v1 =	vmul.f32 $5.000000000e-01, v1;
	v10 =	vsub.f32 v59, v7;
	v6 =	vadd.f32 v6, v5  }
0x80: {  	v5 =	vsub.f32 v9, v5;
	v3 =	vld.idx.msk [tilespmem:v3+s17+$0x0], $0xffff  }
0x81: {  	v60 =	vsub.f32 v10, v1;
	v6 =	vadd.f32 $1.000000000e+00, v6  }
0x82: {  	v4 =	vmul.f32 $5.000000000e-01, v59;
	v61 =	vpop (erf)  }
0x83: {  	v1 =	vadd.f32 v5, v1;
	v6 =	vmul.f32 v6, v8;
	v9 =	vmul.f32 v60, v61;
	_ =	sdelay $0x1  }
0x84: {  	v1 =	vmul.f32 v1, v3;
	v3 =	vsub.f32 v7, v4;
	v62 =	vadd.f32 v6, v9;
	_ =	sdelay $0x1  }
0x85: {  	v3 =	vmul.f32 v3, v61;
	v4 =	vadd.f32 v62, v1;
	_ =	sdelay $0x1  }
0x86: {  	v4 =	vadd.f32 v4, v3;
	_ =	sdelay $0x1  }
0x87: {  	(erf) = vrcp.f32 v4;
	_ =	sdelay $0x8  }
0x88: {  	v4 =	vpop (erf)  }
0x89: {  	s0 =	sadd.s32 $0x50, s0;
	v63 =	vmul.f32 v4, v9  }
0x8a: {  	[tilespmem:s0+$0xFFFFFFE0] =	vst v2;
	v2 =	vmul.f32 v4, v6  }
0x8b: {  	v1 =	vmul.f32 v4, v1;
	[tilespmem:s0+$0xFFFFFFF0] =	vst v63  }
0x8c: {  	v3 =	vmul.f32 v4, v3;
	[tilespmem:s0+$0x0] =	vst v2  }
0x8d: {  	[tilespmem:s0+$0x10] =	vst v1  }
0x8e: {  	s19 =	simm.s32 $0x14800;
	[tilespmem:s0+$0x20] =	vst v3  }
0x8f: {  	[spmem:s9] =	stream.linear.scatter [tilespmem:s19], [sflag:$0x5], $0x2800, $0x38;
	[tilespmem:$0x1CC00] =	vst v63  }
0x90: {  	_ =	swait.ge [sflag:s15], $0x2800  }
0x91: {  	[sflag:s15] =	ssyncset.done $0x0  }
0x92: {  	[sflag:s15] =	ssyncadd.s32 $0xFFFFD800  }
0x93: {  	s0 =	simm.s32 $0x0;
	[bflag:$0x0] =	sbarrier.arrive $0xFFFF  }
0x94: {  	[tilespmem:s20], [sflag:$0x1] =	stream.linear.gather [spmem:s4], $0xA00, $0x38;
	[tilespmem:$0x1CC00] =	vst v63  }
.LBB2_4:
0x95: {  	s1 =	smul.u32 $0xA000, s0;
	_ =	sdelay $0x1  }
0x96: {  	s1 =	sshra.s32 s1, $0x2  }
0x97: {  	s1 =	sadd.s32 s1, s4  }
0x98: {  	s2 =	sadd.s32 $0xA00, s1  }
0x99: {  	[tilespmem:s21], [sflag:$0x2] =	stream.linear.gather [spmem:s2], $0xA00, $0x38;
	[tilespmem:$0x1CC00] =	vst v63  }
0x9a: {  	_ =	swait.ge [sflag:s22], $0xA00  }
0x9b: {  	p0 =	seq.s32 s0, $0x0;
	[sflag:s22] =	ssyncset.done $0x0  }
0x9c: {  	s2 =	simm.s32 @!p0 $0x3;
	[sflag:s22] =	ssyncadd.s32 $0xFFFFF600  }
0x9d: {  	_ =	swait.ge @!p0 [sflag:s2], $0x1000  }
0x9e: {  	s18 =	simm.s32 $0x19850;
	[sflag:s2] =	ssyncset.done @!p0 $0x0  }
0x9f: {  	s19 =	simm.s32 $0x0;
	[sflag:s2] =	ssyncadd.s32 @!p0 $0xFFFFF000;
	s2 =	simm.s32 $0xFFFFFFFE  }
.LBB2_5:
0xa0: {  	v1 =	vld [tilespmem:s18+$0xFFFFFFB0];
	_ =	sdelay $0x4  }
0xa1: {  	v3 =	vld [tilespmem:s18+$0xFFFFFFC0];
	v6 =	vadd.s32 $0x1, v1  }
0xa2: {  	v5 =	vld [tilespmem:s18+$0xFFFFFFD0];
	v11 =	vadd.s32 $0x2000, v1  }
0xa3: {  	v7 =	vld [tilespmem:s18+$0xFFFFFFE0];
	v13 =	vadd.s32 $0x2001, v1  }
0xa4: {  	v8 =	vld [tilespmem:s18+$0xFFFFFFF0];
	v2 =	vadd.s32 $0xFFFFFFFF, v1;
	v18 =	vadd.s32 $0x4000, v1  }
0xa5: {  	v4 =	vadd.s32 $0x2, v1;
	vm0 =	vgt.s32 v2, $0x0;
	v19 =	vadd.s32 $0x4000, v6;
	v12 =	vld.idx.msk [tilespmem:v1+s5+$0x0], $0xffff  }
0xa6: {  	vm13 =	vlt.s32 v4, $0x1FFF;
	v2 =	vnsel vm0, $0x0, v2;
	v14 =	vld.idx.msk [tilespmem:v6+s5+$0x0], $0xffff  }
0xa7: {  	v4 =	vnsel vm13, $0x1FFF, v4;
	v11 =	vld.idx.msk [tilespmem:v11+s5+$0x0], $0xffff  }
0xa8: {  	v9 =	vadd.s32 $0x2000, v2;
	v13 =	vld.idx.msk [tilespmem:v13+s5+$0x0], $0xffff  }
0xa9: {  	v15 =	vadd.s32 $0x2000, v4;
	v18 =	vld.idx.msk [tilespmem:v18+s5+$0x0], $0xffff  }
0xaa: {  	v17 =	vadd.s32 $0x4000, v2;
	v19 =	vld.idx.msk [tilespmem:v19+s5+$0x0], $0xffff  }
0xab: {  	v20 =	vadd.s32 $0x4000, v4;
	v10 =	vld.idx.msk [tilespmem:v2+s5+$0x0], $0xffff  }
0xac: {  	v21 =	vadd.s32 $0x6000, v2;
	v16 =	vld.idx.msk [tilespmem:v4+s5+$0x0], $0xffff  }
0xad: {  	v24 =	vadd.s32 $0x6000, v4;
	v9 =	vld.idx.msk [tilespmem:v9+s5+$0x0], $0xffff  }
0xae: {  	v22 =	vadd.s32 $0x6000, v1;
	v15 =	vld.idx.msk [tilespmem:v15+s5+$0x0], $0xffff  }
0xaf: {  	v23 =	vadd.s32 $0x6000, v6;
	v17 =	vld.idx.msk [tilespmem:v17+s5+$0x0], $0xffff  }
0xb0: {  	v12 =	vmul.f32 v12, v5;
	v20 =	vld.idx.msk [tilespmem:v20+s5+$0x0], $0xffff  }
0xb1: {  	v21 =	vld.idx.msk [tilespmem:v21+s5+$0x0], $0xffff;
	v14 =	vmul.f32 v14, v7;
	v11 =	vmul.f32 v11, v5  }
0xb2: {  	v42 =	vmov s19;
	v43 =	vld.idx.msk [tilespmem:v24+s5+$0x0], $0xffff;
	v13 =	vmul.f32 v13, v7;
	v48 =	vmul.f32 v18, v5  }
0xb3: {  	v44 =	vshll.u32 v42, $0x3;
	v40 =	vld.idx.msk [tilespmem:v22+s5+$0x0], $0xffff;
	v49 =	vmul.f32 v19, v7;
	v10 =	vmul.f32 v10, v3  }
0xb4: {  	v46 =	vor.u32 v0, v44;
	v41 =	vld.idx.msk [tilespmem:v23+s5+$0x0], $0xffff;
	v16 =	vmul.f32 v16, v8;
	v9 =	vmul.f32 v9, v3  }
0xb5: {  	v51 =	vor.u32 $0x1, v46;
	v15 =	vmul.f32 v15, v8;
	v47 =	vmul.f32 v17, v3  }
0xb6: {  	v53 =	vor.u32 $0x2, v46;
	v50 =	vmul.f32 v20, v8;
	v52 =	vmul.f32 v21, v3  }
0xb7: {  	v54 =	vmul.f32 v43, v8;
	v10 =	vadd.f32 v12, v10;
	v14 =	vadd.f32 v16, v14  }
0xb8: {  	v12 =	vmul.f32 v40, v5;
	v9 =	vadd.f32 v11, v9;
	v45 =	vadd.f32 v15, v13  }
0xb9: {  	v16 =	vmul.f32 v41, v7;
	v11 =	vadd.f32 v50, v49;
	v10 =	vadd.f32 v14, v10  }
0xba: {  	v55 =	vor.u32 $0x3, v46;
	v14 =	vadd.f32 v48, v47;
	v12 =	vadd.f32 v12, v52  }
0xbb: {  	v56 =	vadd.s32 $0x8000, v2;
	v16 =	vadd.f32 v54, v16;
	v9 =	vadd.f32 v45, v9  }
0xbc: {  	v58 =	vadd.s32 $0x8000, v1;
	[tilespmem:v46+s23+$0x0] =	vst.idx.msk $0xffff, v10;
	v57 =	vadd.f32 v11, v14  }
0xbd: {  	v60 =	vadd.s32 $0x8000, v6;
	v59 =	vadd.f32 v16, v12;
	[tilespmem:v51+s23+$0x0] =	vst.idx.msk $0xffff, v9  }
0xbe: {  	v61 =	vadd.s32 $0x8000, v4;
	[tilespmem:v53+s23+$0x0] =	vst.idx.msk $0xffff, v57  }
0xbf: {  	v62 =	vadd.s32 $0xA000, v2;
	[tilespmem:v55+s23+$0x0] =	vst.idx.msk $0xffff, v59  }
0xc0: {  	v23 =	vadd.s32 $0xA000, v1;
	v63 =	vld.idx.msk [tilespmem:v56+s5+$0x0], $0xffff  }
0xc1: {  	v24 =	vadd.s32 $0xA000, v6;
	v11 =	vld.idx.msk [tilespmem:v58+s5+$0x0], $0xffff  }
0xc2: {  	v25 =	vadd.s32 $0xA000, v4;
	v12 =	vld.idx.msk [tilespmem:v60+s5+$0x0], $0xffff  }
0xc3: {  	v26 =	vadd.s32 $0xC000, v2;
	v10 =	vld.idx.msk [tilespmem:v61+s5+$0x0], $0xffff  }
0xc4: {  	v27 =	vadd.s32 $0xC000, v1;
	v9 =	vld.idx.msk [tilespmem:v62+s5+$0x0], $0xffff  }
0xc5: {  	v28 =	vadd.s32 $0xC000, v6;
	v15 =	vld.idx.msk [tilespmem:v23+s5+$0x0], $0xffff  }
0xc6: {  	v29 =	vadd.s32 $0xC000, v4;
	v16 =	vld.idx.msk [tilespmem:v24+s5+$0x0], $0xffff  }
0xc7: {  	v2 =	vadd.s32 $0xE000, v2;
	v17 =	vld.idx.msk [tilespmem:v25+s5+$0x0], $0xffff  }
0xc8: {  	v1 =	vadd.s32 $0xE000, v1;
	v18 =	vld.idx.msk [tilespmem:v26+s5+$0x0], $0xffff  }
0xc9: {  	v19 =	vld.idx.msk [tilespmem:v27+s5+$0x0], $0xffff  }
0xca: {  	v6 =	vadd.s32 $0xE000, v6;
	v20 =	vld.idx.msk [tilespmem:v28+s5+$0x0], $0xffff  }
0xcb: {  	v4 =	vadd.s32 $0xE000, v4;
	v21 =	vld.idx.msk [tilespmem:v29+s5+$0x0], $0xffff  }
0xcc: {  	v2 =	vld.idx.msk [tilespmem:v2+s5+$0x0], $0xffff;
	v14 =	vmul.f32 v63, v3;
	v11 =	vmul.f32 v11, v5  }
0xcd: {  	v1 =	vld.idx.msk [tilespmem:v1+s5+$0x0], $0xffff;
	v12 =	vmul.f32 v12, v7;
	v10 =	vmul.f32 v10, v8  }
0xce: {  	v9 =	vmul.f32 v9, v3;
	v30 =	vmul.f32 v15, v5  }
0xcf: {  	v6 =	vld.idx.msk [tilespmem:v6+s5+$0x0], $0xffff;
	v31 =	vmul.f32 v16, v7;
	v32 =	vmul.f32 v17, v8  }
0xd0: {  	v4 =	vld.idx.msk [tilespmem:v4+s5+$0x0], $0xffff;
	v35 =	vmul.f32 v18, v3;
	v36 =	vmul.f32 v19, v5  }
0xd1: {  	v34 =	vor.u32 $0x4, v46;
	v37 =	vmul.f32 v20, v7;
	v38 =	vmul.f32 v21, v8  }
0xd2: {  	v39 =	vor.u32 $0x5, v46;
	v2 =	vmul.f32 v2, v3;
	v1 =	vmul.f32 v1, v5  }
0xd3: {  	v3 =	vor.u32 $0x6, v46;
	v11 =	vadd.f32 v11, v14;
	v10 =	vadd.f32 v10, v12  }
0xd4: {  	v40 =	vmul.f32 v6, v7;
	v9 =	vadd.f32 v30, v9;
	v33 =	vadd.f32 v32, v31  }
0xd5: {  	v4 =	vmul.f32 v4, v8;
	v41 =	vadd.f32 v36, v35;
	v42 =	vadd.f32 v38, v37  }
0xd6: {  	v43 =	vor.u32 $0x7, v46;
	v1 =	vadd.f32 v1, v2;
	v10 =	vadd.f32 v10, v11  }
0xd7: {  	v2 =	vadd.f32 v4, v40;
	v9 =	vadd.f32 v33, v9  }
0xd8: {  	v44 =	vadd.f32 v42, v41;
	[tilespmem:v34+s23+$0x0] =	vst.idx.msk $0xffff, v10  }
0xd9: {  	v1 =	vadd.f32 v2, v1;
	[tilespmem:v39+s23+$0x0] =	vst.idx.msk $0xffff, v9  }
0xda: {  	[tilespmem:v3+s23+$0x0] =	vst.idx.msk $0xffff, v44  }
0xdb: {  	[tilespmem:v43+s23+$0x0] =	vst.idx.msk $0xffff, v1  }
0xdc: {  	v1 =	vld [tilespmem:s18+$0x0];
	_ =	sdelay $0x4  }
0xdd: {  	v3 =	vld [tilespmem:s18+$0x10];
	v46 =	vadd.s32 $0x1, v1  }
0xde: {  	v5 =	vld [tilespmem:s18+$0x20];
	v48 =	vadd.s32 $0x2000, v1  }
0xdf: {  	v7 =	vld [tilespmem:s18+$0x30];
	v49 =	vadd.s32 $0x2001, v1  }
0xe0: {  	v8 =	vld [tilespmem:s18+$0x40];
	v2 =	vadd.s32 $0xFFFFFFFF, v1;
	v53 =	vadd.s32 $0x4000, v1  }
0xe1: {  	v45 =	vadd.s32 $0x2, v1;
	v54 =	vadd.s32 $0x4001, v1;
	vm14 =	vgt.s32 v2, $0x0;
	v12 =	vld.idx.msk [tilespmem:v1+s5+$0x0], $0xffff  }
0xe2: {  	vm15 =	vlt.s32 v45, $0x1FFF;
	v2 =	vnsel vm14, $0x0, v2;
	v6 =	vld.idx.msk [tilespmem:v46+s5+$0x0], $0xffff  }
0xe3: {  	v4 =	vnsel vm15, $0x1FFF, v45;
	v11 =	vld.idx.msk [tilespmem:v48+s5+$0x0], $0xffff  }
0xe4: {  	v47 =	vadd.s32 $0x2000, v2;
	v13 =	vld.idx.msk [tilespmem:v49+s5+$0x0], $0xffff  }
0xe5: {  	v50 =	vadd.s32 $0x2000, v4;
	v17 =	vld.idx.msk [tilespmem:v53+s5+$0x0], $0xffff  }
0xe6: {  	v52 =	vadd.s32 $0x4000, v2;
	v18 =	vld.idx.msk [tilespmem:v54+s5+$0x0], $0xffff  }
0xe7: {  	v55 =	vadd.s32 $0x4000, v4;
	v10 =	vld.idx.msk [tilespmem:v2+s5+$0x0], $0xffff  }
0xe8: {  	v56 =	vadd.s32 $0x6000, v2;
	v51 =	vld.idx.msk [tilespmem:v4+s5+$0x0], $0xffff  }
0xe9: {  	v59 =	vadd.s32 $0x6000, v4;
	v9 =	vld.idx.msk [tilespmem:v47+s5+$0x0], $0xffff  }
0xea: {  	v57 =	vadd.s32 $0x6000, v1;
	v14 =	vld.idx.msk [tilespmem:v50+s5+$0x0], $0xffff  }
0xeb: {  	v58 =	vadd.s32 $0x6001, v1;
	v16 =	vld.idx.msk [tilespmem:v52+s5+$0x0], $0xffff  }
0xec: {  	v12 =	vmul.f32 v12, v5;
	v19 =	vld.idx.msk [tilespmem:v55+s5+$0x0], $0xffff  }
0xed: {  	v20 =	vld.idx.msk [tilespmem:v56+s5+$0x0], $0xffff;
	v6 =	vmul.f32 v6, v7;
	v11 =	vmul.f32 v11, v5  }
0xee: {  	v63 =	vld.idx.msk [tilespmem:v59+s5+$0x0], $0xffff;
	v13 =	vmul.f32 v13, v7;
	v26 =	vmul.f32 v17, v5  }
0xef: {  	v60 =	vld.idx.msk [tilespmem:v57+s5+$0x0], $0xffff;
	v27 =	vmul.f32 v18, v7;
	v10 =	vmul.f32 v10, v3  }
0xf0: {  	s6 =	sadd.s32 $0x10, s19;
	v61 =	vld.idx.msk [tilespmem:v58+s5+$0x0], $0xffff;
	v15 =	vmul.f32 v51, v8;
	v9 =	vmul.f32 v9, v3  }
0xf1: {  	v62 =	vmov s6;
	v14 =	vmul.f32 v14, v8;
	v25 =	vmul.f32 v16, v3  }
0xf2: {  	v28 =	vmul.f32 v19, v8;
	v10 =	vadd.f32 v12, v10;
	v6 =	vadd.f32 v15, v6  }
0xf3: {  	v23 =	vshll.u32 v62, $0x3;
	v30 =	vmul.f32 v20, v3;
	v32 =	vmul.f32 v63, v8  }
0xf4: {  	v12 =	vmul.f32 v60, v5;
	v6 =	vadd.f32 v6, v10;
	v10 =	vor.u32 v0, v23  }
0xf5: {  	v15 =	vmul.f32 v61, v7;
	v9 =	vadd.f32 v11, v9;
	v29 =	vor.u32 $0x1, v10  }
0xf6: {  	v24 =	vadd.f32 v14, v13;
	v13 =	vadd.f32 v26, v25;
	v31 =	vor.u32 $0x2, v10  }
0xf7: {  	v11 =	vadd.f32 v28, v27;
	v12 =	vadd.f32 v12, v30;
	v33 =	vor.u32 $0x3, v10  }
0xf8: {  	v34 =	vadd.s32 $0x8000, v2;
	v15 =	vadd.f32 v32, v15;
	v9 =	vadd.f32 v24, v9  }
0xf9: {  	v36 =	vadd.s32 $0x8000, v1;
	v35 =	vadd.f32 v11, v13;
	[tilespmem:v10+s23+$0x0] =	vst.idx.msk $0xffff, v6  }
0xfa: {  	v38 =	vadd.s32 $0x8001, v1;
	v37 =	vadd.f32 v15, v12;
	[tilespmem:v29+s23+$0x0] =	vst.idx.msk $0xffff, v9  }
0xfb: {  	v39 =	vadd.s32 $0x8000, v4;
	[tilespmem:v31+s23+$0x0] =	vst.idx.msk $0xffff, v35  }
0xfc: {  	v40 =	vadd.s32 $0xA000, v2;
	[tilespmem:v33+s23+$0x0] =	vst.idx.msk $0xffff, v37  }
0xfd: {  	v42 =	vadd.s32 $0xA000, v1;
	v41 =	vld.idx.msk [tilespmem:v34+s5+$0x0], $0xffff  }
0xfe: {  	v43 =	vadd.s32 $0xA001, v1;
	v11 =	vld.idx.msk [tilespmem:v36+s5+$0x0], $0xffff  }
0xff: {  	v44 =	vadd.s32 $0xA000, v4;
	v12 =	vld.idx.msk [tilespmem:v38+s5+$0x0], $0xffff  }
0x100: {  	v45 =	vadd.s32 $0xC000, v2;
	v6 =	vld.idx.msk [tilespmem:v39+s5+$0x0], $0xffff  }
0x101: {  	v46 =	vadd.s32 $0xC000, v1;
	v9 =	vld.idx.msk [tilespmem:v40+s5+$0x0], $0xffff  }
0x102: {  	v47 =	vadd.s32 $0xC001, v1;
	v14 =	vld.idx.msk [tilespmem:v42+s5+$0x0], $0xffff  }
0x103: {  	v48 =	vadd.s32 $0xC000, v4;
	v15 =	vld.idx.msk [tilespmem:v43+s5+$0x0], $0xffff  }
0x104: {  	v2 =	vadd.s32 $0xE000, v2;
	v16 =	vld.idx.msk [tilespmem:v44+s5+$0x0], $0xffff  }
0x105: {  	v49 =	vadd.s32 $0xE000, v1;
	v17 =	vld.idx.msk [tilespmem:v45+s5+$0x0], $0xffff  }
0x106: {  	v1 =	vadd.s32 $0xE001, v1;
	v18 =	vld.idx.msk [tilespmem:v46+s5+$0x0], $0xffff  }
0x107: {  	v4 =	vadd.s32 $0xE000, v4;
	v19 =	vld.idx.msk [tilespmem:v47+s5+$0x0], $0xffff  }
0x108: {  	v20 =	vld.idx.msk [tilespmem:v48+s5+$0x0], $0xffff;
	v13 =	vmul.f32 v41, v3  }
0x109: {  	v2 =	vld.idx.msk [tilespmem:v2+s5+$0x0], $0xffff;
	v11 =	vmul.f32 v11, v5;
	v12 =	vmul.f32 v12, v7  }
0x10a: {  	v50 =	vld.idx.msk [tilespmem:v49+s5+$0x0], $0xffff;
	v6 =	vmul.f32 v6, v8;
	v9 =	vmul.f32 v9, v3  }
0x10b: {  	v1 =	vld.idx.msk [tilespmem:v1+s5+$0x0], $0xffff;
	v51 =	vmul.f32 v14, v5;
	v52 =	vmul.f32 v15, v7  }
0x10c: {  	v55 =	vor.u32 $0x4, v10;
	v4 =	vld.idx.msk [tilespmem:v4+s5+$0x0], $0xffff;
	v53 =	vmul.f32 v16, v8;
	v56 =	vmul.f32 v17, v3  }
0x10d: {  	v60 =	vor.u32 $0x5, v10;
	v57 =	vmul.f32 v18, v5;
	v58 =	vmul.f32 v19, v7  }
0x10e: {  	v61 =	vor.u32 $0x6, v10;
	v59 =	vmul.f32 v20, v8;
	v2 =	vmul.f32 v2, v3  }
0x10f: {  	v3 =	vmul.f32 v50, v5;
	v11 =	vadd.f32 v11, v13;
	v6 =	vadd.f32 v6, v12  }
0x110: {  	v1 =	vmul.f32 v1, v7;
	v9 =	vadd.f32 v51, v9;
	v54 =	vadd.f32 v53, v52  }
0x111: {  	s2 =	sadd.s32 $0x2, s2;
	v4 =	vmul.f32 v4, v8;
	v62 =	vadd.f32 v57, v56;
	v63 =	vadd.f32 v59, v58  }
0x112: {  	p1 =	slt.u32 s2, $0x1E;
	v10 =	vor.u32 $0x7, v10;
	v2 =	vadd.f32 v3, v2;
	v6 =	vadd.f32 v6, v11  }
.Ltmp1:
0x113: {  	v1 =	vadd.f32 v4, v1;
	v9 =	vadd.f32 v54, v9;
	(pc) =	sbr.rel @p1 .LBB2_5-.Ltmp1, $4  }
0x114: {  	v3 =	vadd.f32 v63, v62;
	[tilespmem:v55+s23+$0x0] =	vst.idx.msk $0xffff, v6  }
0x115: {  	v1 =	vadd.f32 v1, v2;
	[tilespmem:v60+s23+$0x0] =	vst.idx.msk $0xffff, v9  }
0x116: {  	[tilespmem:v61+s23+$0x0] =	vst.idx.msk $0xffff, v3  }
0x117: {  	s19 =	sadd.s32 $0x20, s19;
	s18 =	sadd.s32 $0xA0, s18;
	[tilespmem:v10+s23+$0x0] =	vst.idx.msk $0xffff, v1  }
0x118: {  	s2 =	sshll.u32 s0, $0xF  }
0x119: {  	s2 =	sadd.s32 s10, s2  }
0x11a: {  	s6 =	sadd.s32 s3, s2  }
0x11b: {  	[hbm4b:s6+s24] =	stream.strided.scatter [tilespmem:s23], [sflag:$0x3], $0x1000, s25, s24, $0x38;
	[tilespmem:$0x1CC00] =	vst v63  }
0x11c: {  	s19 =	sadd.s32 $0x1400, s1  }
0x11d: {  	[tilespmem:s20], [sflag:$0x1] =	stream.linear.gather [spmem:s19], $0xA00, $0x38;
	[tilespmem:$0x1CC00] =	vst v63  }
0x11e: {  	_ =	swait.ge [sflag:s26], $0xA00  }
0x11f: {  	[sflag:s26] =	ssyncset.done $0x0  }
0x120: {  	s6 =	simm.s32 @!p0 $0x4;
	[sflag:s26] =	ssyncadd.s32 $0xFFFFF600  }
0x121: {  	_ =	swait.ge @!p0 [sflag:s6], $0x1000  }
0x122: {  	s18 =	simm.s32 $0xFFFFFFFE;
	[sflag:s6] =	ssyncset.done @!p0 $0x0  }
0x123: {  	s19 =	simm.s32 $0x1A250;
	[sflag:s6] =	ssyncadd.s32 @!p0 $0xFFFFF000;
	s6 =	simm.s32 $0x0  }
.LBB2_7:
0x124: {  	v1 =	vld [tilespmem:s19+$0xFFFFFFB0];
	_ =	sdelay $0x4  }
0x125: {  	v3 =	vld [tilespmem:s19+$0xFFFFFFC0];
	v6 =	vadd.s32 $0x1, v1  }
0x126: {  	v5 =	vld [tilespmem:s19+$0xFFFFFFD0];
	v11 =	vadd.s32 $0x2000, v1  }
0x127: {  	v7 =	vld [tilespmem:s19+$0xFFFFFFE0];
	v13 =	vadd.s32 $0x2001, v1  }
0x128: {  	v8 =	vld [tilespmem:s19+$0xFFFFFFF0];
	v2 =	vadd.s32 $0xFFFFFFFF, v1;
	v18 =	vadd.s32 $0x4000, v1  }
0x129: {  	v4 =	vadd.s32 $0x2, v1;
	vm0 =	vgt.s32 v2, $0x0;
	v19 =	vadd.s32 $0x4000, v6;
	v12 =	vld.idx.msk [tilespmem:v1+s5+$0x0], $0xffff  }
0x12a: {  	vm13 =	vlt.s32 v4, $0x1FFF;
	v2 =	vnsel vm0, $0x0, v2;
	v14 =	vld.idx.msk [tilespmem:v6+s5+$0x0], $0xffff  }
0x12b: {  	v4 =	vnsel vm13, $0x1FFF, v4;
	v11 =	vld.idx.msk [tilespmem:v11+s5+$0x0], $0xffff  }
0x12c: {  	v9 =	vadd.s32 $0x2000, v2;
	v13 =	vld.idx.msk [tilespmem:v13+s5+$0x0], $0xffff  }
0x12d: {  	v15 =	vadd.s32 $0x2000, v4;
	v18 =	vld.idx.msk [tilespmem:v18+s5+$0x0], $0xffff  }
0x12e: {  	v17 =	vadd.s32 $0x4000, v2;
	v19 =	vld.idx.msk [tilespmem:v19+s5+$0x0], $0xffff  }
0x12f: {  	v20 =	vadd.s32 $0x4000, v4;
	v10 =	vld.idx.msk [tilespmem:v2+s5+$0x0], $0xffff  }
0x130: {  	v21 =	vadd.s32 $0x6000, v2;
	v16 =	vld.idx.msk [tilespmem:v4+s5+$0x0], $0xffff  }
0x131: {  	v24 =	vadd.s32 $0x6000, v4;
	v9 =	vld.idx.msk [tilespmem:v9+s5+$0x0], $0xffff  }
0x132: {  	v22 =	vadd.s32 $0x6000, v1;
	v15 =	vld.idx.msk [tilespmem:v15+s5+$0x0], $0xffff  }
0x133: {  	v23 =	vadd.s32 $0x6000, v6;
	v17 =	vld.idx.msk [tilespmem:v17+s5+$0x0], $0xffff  }
0x134: {  	v12 =	vmul.f32 v12, v5;
	v20 =	vld.idx.msk [tilespmem:v20+s5+$0x0], $0xffff  }
0x135: {  	v21 =	vld.idx.msk [tilespmem:v21+s5+$0x0], $0xffff;
	v14 =	vmul.f32 v14, v7;
	v11 =	vmul.f32 v11, v5  }
0x136: {  	v42 =	vmov s6;
	v43 =	vld.idx.msk [tilespmem:v24+s5+$0x0], $0xffff;
	v13 =	vmul.f32 v13, v7;
	v48 =	vmul.f32 v18, v5  }
0x137: {  	v44 =	vshll.u32 v42, $0x3;
	v40 =	vld.idx.msk [tilespmem:v22+s5+$0x0], $0xffff;
	v49 =	vmul.f32 v19, v7;
	v10 =	vmul.f32 v10, v3  }
0x138: {  	v46 =	vor.u32 v0, v44;
	v41 =	vld.idx.msk [tilespmem:v23+s5+$0x0], $0xffff;
	v16 =	vmul.f32 v16, v8;
	v9 =	vmul.f32 v9, v3  }
0x139: {  	v51 =	vor.u32 $0x1, v46;
	v15 =	vmul.f32 v15, v8;
	v47 =	vmul.f32 v17, v3  }
0x13a: {  	v53 =	vor.u32 $0x2, v46;
	v50 =	vmul.f32 v20, v8;
	v52 =	vmul.f32 v21, v3  }
0x13b: {  	v54 =	vmul.f32 v43, v8;
	v10 =	vadd.f32 v12, v10;
	v14 =	vadd.f32 v16, v14  }
0x13c: {  	v12 =	vmul.f32 v40, v5;
	v9 =	vadd.f32 v11, v9;
	v45 =	vadd.f32 v15, v13  }
0x13d: {  	v16 =	vmul.f32 v41, v7;
	v11 =	vadd.f32 v50, v49;
	v10 =	vadd.f32 v14, v10  }
0x13e: {  	v55 =	vor.u32 $0x3, v46;
	v14 =	vadd.f32 v48, v47;
	v12 =	vadd.f32 v12, v52  }
0x13f: {  	v56 =	vadd.s32 $0x8000, v2;
	v16 =	vadd.f32 v54, v16;
	v9 =	vadd.f32 v45, v9  }
0x140: {  	v58 =	vadd.s32 $0x8000, v1;
	[tilespmem:v46+s28+$0x0] =	vst.idx.msk $0xffff, v10;
	v57 =	vadd.f32 v11, v14  }
0x141: {  	v60 =	vadd.s32 $0x8000, v6;
	v59 =	vadd.f32 v16, v12;
	[tilespmem:v51+s28+$0x0] =	vst.idx.msk $0xffff, v9  }
0x142: {  	v61 =	vadd.s32 $0x8000, v4;
	[tilespmem:v53+s28+$0x0] =	vst.idx.msk $0xffff, v57  }
0x143: {  	v62 =	vadd.s32 $0xA000, v2;
	[tilespmem:v55+s28+$0x0] =	vst.idx.msk $0xffff, v59  }
0x144: {  	v23 =	vadd.s32 $0xA000, v1;
	v63 =	vld.idx.msk [tilespmem:v56+s5+$0x0], $0xffff  }
0x145: {  	v24 =	vadd.s32 $0xA000, v6;
	v11 =	vld.idx.msk [tilespmem:v58+s5+$0x0], $0xffff  }
0x146: {  	v25 =	vadd.s32 $0xA000, v4;
	v12 =	vld.idx.msk [tilespmem:v60+s5+$0x0], $0xffff  }
0x147: {  	v26 =	vadd.s32 $0xC000, v2;
	v10 =	vld.idx.msk [tilespmem:v61+s5+$0x0], $0xffff  }
0x148: {  	v27 =	vadd.s32 $0xC000, v1;
	v9 =	vld.idx.msk [tilespmem:v62+s5+$0x0], $0xffff  }
0x149: {  	v28 =	vadd.s32 $0xC000, v6;
	v15 =	vld.idx.msk [tilespmem:v23+s5+$0x0], $0xffff  }
0x14a: {  	v29 =	vadd.s32 $0xC000, v4;
	v16 =	vld.idx.msk [tilespmem:v24+s5+$0x0], $0xffff  }
0x14b: {  	v2 =	vadd.s32 $0xE000, v2;
	v17 =	vld.idx.msk [tilespmem:v25+s5+$0x0], $0xffff  }
0x14c: {  	v1 =	vadd.s32 $0xE000, v1;
	v18 =	vld.idx.msk [tilespmem:v26+s5+$0x0], $0xffff  }
0x14d: {  	v19 =	vld.idx.msk [tilespmem:v27+s5+$0x0], $0xffff  }
0x14e: {  	v6 =	vadd.s32 $0xE000, v6;
	v20 =	vld.idx.msk [tilespmem:v28+s5+$0x0], $0xffff  }
0x14f: {  	v4 =	vadd.s32 $0xE000, v4;
	v21 =	vld.idx.msk [tilespmem:v29+s5+$0x0], $0xffff  }
0x150: {  	v2 =	vld.idx.msk [tilespmem:v2+s5+$0x0], $0xffff;
	v14 =	vmul.f32 v63, v3;
	v11 =	vmul.f32 v11, v5  }
0x151: {  	v1 =	vld.idx.msk [tilespmem:v1+s5+$0x0], $0xffff;
	v12 =	vmul.f32 v12, v7;
	v10 =	vmul.f32 v10, v8  }
0x152: {  	v9 =	vmul.f32 v9, v3;
	v30 =	vmul.f32 v15, v5  }
0x153: {  	v6 =	vld.idx.msk [tilespmem:v6+s5+$0x0], $0xffff;
	v31 =	vmul.f32 v16, v7;
	v32 =	vmul.f32 v17, v8  }
0x154: {  	v4 =	vld.idx.msk [tilespmem:v4+s5+$0x0], $0xffff;
	v35 =	vmul.f32 v18, v3;
	v36 =	vmul.f32 v19, v5  }
0x155: {  	v34 =	vor.u32 $0x4, v46;
	v37 =	vmul.f32 v20, v7;
	v38 =	vmul.f32 v21, v8  }
0x156: {  	v39 =	vor.u32 $0x5, v46;
	v2 =	vmul.f32 v2, v3;
	v1 =	vmul.f32 v1, v5  }
0x157: {  	v3 =	vor.u32 $0x6, v46;
	v11 =	vadd.f32 v11, v14;
	v10 =	vadd.f32 v10, v12  }
0x158: {  	v40 =	vmul.f32 v6, v7;
	v9 =	vadd.f32 v30, v9;
	v33 =	vadd.f32 v32, v31  }
0x159: {  	v4 =	vmul.f32 v4, v8;
	v41 =	vadd.f32 v36, v35;
	v42 =	vadd.f32 v38, v37  }
0x15a: {  	v43 =	vor.u32 $0x7, v46;
	v1 =	vadd.f32 v1, v2;
	v10 =	vadd.f32 v10, v11  }
0x15b: {  	v2 =	vadd.f32 v4, v40;
	v9 =	vadd.f32 v33, v9  }
0x15c: {  	v44 =	vadd.f32 v42, v41;
	[tilespmem:v34+s28+$0x0] =	vst.idx.msk $0xffff, v10  }
0x15d: {  	v1 =	vadd.f32 v2, v1;
	[tilespmem:v39+s28+$0x0] =	vst.idx.msk $0xffff, v9  }
0x15e: {  	[tilespmem:v3+s28+$0x0] =	vst.idx.msk $0xffff, v44  }
0x15f: {  	[tilespmem:v43+s28+$0x0] =	vst.idx.msk $0xffff, v1  }
0x160: {  	v1 =	vld [tilespmem:s19+$0x0];
	_ =	sdelay $0x4  }
0x161: {  	v3 =	vld [tilespmem:s19+$0x10];
	v46 =	vadd.s32 $0x1, v1  }
0x162: {  	v5 =	vld [tilespmem:s19+$0x20];
	v48 =	vadd.s32 $0x2000, v1  }
0x163: {  	v7 =	vld [tilespmem:s19+$0x30];
	v49 =	vadd.s32 $0x2001, v1  }
0x164: {  	v8 =	vld [tilespmem:s19+$0x40];
	v2 =	vadd.s32 $0xFFFFFFFF, v1;
	v53 =	vadd.s32 $0x4000, v1  }
0x165: {  	v45 =	vadd.s32 $0x2, v1;
	v54 =	vadd.s32 $0x4001, v1;
	vm14 =	vgt.s32 v2, $0x0;
	v12 =	vld.idx.msk [tilespmem:v1+s5+$0x0], $0xffff  }
0x166: {  	vm15 =	vlt.s32 v45, $0x1FFF;
	v2 =	vnsel vm14, $0x0, v2;
	v6 =	vld.idx.msk [tilespmem:v46+s5+$0x0], $0xffff  }
0x167: {  	v4 =	vnsel vm15, $0x1FFF, v45;
	v11 =	vld.idx.msk [tilespmem:v48+s5+$0x0], $0xffff  }
0x168: {  	v47 =	vadd.s32 $0x2000, v2;
	v13 =	vld.idx.msk [tilespmem:v49+s5+$0x0], $0xffff  }
0x169: {  	v50 =	vadd.s32 $0x2000, v4;
	v17 =	vld.idx.msk [tilespmem:v53+s5+$0x0], $0xffff  }
0x16a: {  	v52 =	vadd.s32 $0x4000, v2;
	v18 =	vld.idx.msk [tilespmem:v54+s5+$0x0], $0xffff  }
0x16b: {  	v55 =	vadd.s32 $0x4000, v4;
	v10 =	vld.idx.msk [tilespmem:v2+s5+$0x0], $0xffff  }
0x16c: {  	v56 =	vadd.s32 $0x6000, v2;
	v51 =	vld.idx.msk [tilespmem:v4+s5+$0x0], $0xffff  }
0x16d: {  	v59 =	vadd.s32 $0x6000, v4;
	v9 =	vld.idx.msk [tilespmem:v47+s5+$0x0], $0xffff  }
0x16e: {  	v57 =	vadd.s32 $0x6000, v1;
	v14 =	vld.idx.msk [tilespmem:v50+s5+$0x0], $0xffff  }
0x16f: {  	v58 =	vadd.s32 $0x6001, v1;
	v16 =	vld.idx.msk [tilespmem:v52+s5+$0x0], $0xffff  }
0x170: {  	v12 =	vmul.f32 v12, v5;
	v19 =	vld.idx.msk [tilespmem:v55+s5+$0x0], $0xffff  }
0x171: {  	v20 =	vld.idx.msk [tilespmem:v56+s5+$0x0], $0xffff;
	v6 =	vmul.f32 v6, v7;
	v11 =	vmul.f32 v11, v5  }
0x172: {  	v63 =	vld.idx.msk [tilespmem:v59+s5+$0x0], $0xffff;
	v13 =	vmul.f32 v13, v7;
	v26 =	vmul.f32 v17, v5  }
0x173: {  	v60 =	vld.idx.msk [tilespmem:v57+s5+$0x0], $0xffff;
	v27 =	vmul.f32 v18, v7;
	v10 =	vmul.f32 v10, v3  }
0x174: {  	s7 =	sadd.s32 $0x10, s6;
	v61 =	vld.idx.msk [tilespmem:v58+s5+$0x0], $0xffff;
	v15 =	vmul.f32 v51, v8;
	v9 =	vmul.f32 v9, v3  }
0x175: {  	v62 =	vmov s7;
	v14 =	vmul.f32 v14, v8;
	v25 =	vmul.f32 v16, v3  }
0x176: {  	v28 =	vmul.f32 v19, v8;
	v10 =	vadd.f32 v12, v10;
	v6 =	vadd.f32 v15, v6  }
0x177: {  	v23 =	vshll.u32 v62, $0x3;
	v30 =	vmul.f32 v20, v3;
	v32 =	vmul.f32 v63, v8  }
0x178: {  	v12 =	vmul.f32 v60, v5;
	v6 =	vadd.f32 v6, v10;
	v10 =	vor.u32 v0, v23  }
0x179: {  	v15 =	vmul.f32 v61, v7;
	v9 =	vadd.f32 v11, v9;
	v29 =	vor.u32 $0x1, v10  }
0x17a: {  	v24 =	vadd.f32 v14, v13;
	v13 =	vadd.f32 v26, v25;
	v31 =	vor.u32 $0x2, v10  }
0x17b: {  	v11 =	vadd.f32 v28, v27;
	v12 =	vadd.f32 v12, v30;
	v33 =	vor.u32 $0x3, v10  }
0x17c: {  	v34 =	vadd.s32 $0x8000, v2;
	v15 =	vadd.f32 v32, v15;
	v9 =	vadd.f32 v24, v9  }
0x17d: {  	v36 =	vadd.s32 $0x8000, v1;
	v35 =	vadd.f32 v11, v13;
	[tilespmem:v10+s28+$0x0] =	vst.idx.msk $0xffff, v6  }
0x17e: {  	v38 =	vadd.s32 $0x8001, v1;
	v37 =	vadd.f32 v15, v12;
	[tilespmem:v29+s28+$0x0] =	vst.idx.msk $0xffff, v9  }
0x17f: {  	v39 =	vadd.s32 $0x8000, v4;
	[tilespmem:v31+s28+$0x0] =	vst.idx.msk $0xffff, v35  }
0x180: {  	v40 =	vadd.s32 $0xA000, v2;
	[tilespmem:v33+s28+$0x0] =	vst.idx.msk $0xffff, v37  }
0x181: {  	v42 =	vadd.s32 $0xA000, v1;
	v41 =	vld.idx.msk [tilespmem:v34+s5+$0x0], $0xffff  }
0x182: {  	v43 =	vadd.s32 $0xA001, v1;
	v11 =	vld.idx.msk [tilespmem:v36+s5+$0x0], $0xffff  }
0x183: {  	v44 =	vadd.s32 $0xA000, v4;
	v12 =	vld.idx.msk [tilespmem:v38+s5+$0x0], $0xffff  }
0x184: {  	v45 =	vadd.s32 $0xC000, v2;
	v6 =	vld.idx.msk [tilespmem:v39+s5+$0x0], $0xffff  }
0x185: {  	v46 =	vadd.s32 $0xC000, v1;
	v9 =	vld.idx.msk [tilespmem:v40+s5+$0x0], $0xffff  }
0x186: {  	v47 =	vadd.s32 $0xC001, v1;
	v14 =	vld.idx.msk [tilespmem:v42+s5+$0x0], $0xffff  }
0x187: {  	v48 =	vadd.s32 $0xC000, v4;
	v15 =	vld.idx.msk [tilespmem:v43+s5+$0x0], $0xffff  }
0x188: {  	v2 =	vadd.s32 $0xE000, v2;
	v16 =	vld.idx.msk [tilespmem:v44+s5+$0x0], $0xffff  }
0x189: {  	v49 =	vadd.s32 $0xE000, v1;
	v17 =	vld.idx.msk [tilespmem:v45+s5+$0x0], $0xffff  }
0x18a: {  	v1 =	vadd.s32 $0xE001, v1;
	v18 =	vld.idx.msk [tilespmem:v46+s5+$0x0], $0xffff  }
0x18b: {  	v4 =	vadd.s32 $0xE000, v4;
	v19 =	vld.idx.msk [tilespmem:v47+s5+$0x0], $0xffff  }
0x18c: {  	v20 =	vld.idx.msk [tilespmem:v48+s5+$0x0], $0xffff;
	v13 =	vmul.f32 v41, v3  }
0x18d: {  	v2 =	vld.idx.msk [tilespmem:v2+s5+$0x0], $0xffff;
	v11 =	vmul.f32 v11, v5;
	v12 =	vmul.f32 v12, v7  }
0x18e: {  	v50 =	vld.idx.msk [tilespmem:v49+s5+$0x0], $0xffff;
	v6 =	vmul.f32 v6, v8;
	v9 =	vmul.f32 v9, v3  }
0x18f: {  	v1 =	vld.idx.msk [tilespmem:v1+s5+$0x0], $0xffff;
	v51 =	vmul.f32 v14, v5;
	v52 =	vmul.f32 v15, v7  }
0x190: {  	v55 =	vor.u32 $0x4, v10;
	v4 =	vld.idx.msk [tilespmem:v4+s5+$0x0], $0xffff;
	v53 =	vmul.f32 v16, v8;
	v56 =	vmul.f32 v17, v3  }
0x191: {  	v60 =	vor.u32 $0x5, v10;
	v57 =	vmul.f32 v18, v5;
	v58 =	vmul.f32 v19, v7  }
0x192: {  	v61 =	vor.u32 $0x6, v10;
	v59 =	vmul.f32 v20, v8;
	v2 =	vmul.f32 v2, v3  }
0x193: {  	v3 =	vmul.f32 v50, v5;
	v11 =	vadd.f32 v11, v13;
	v6 =	vadd.f32 v6, v12  }
0x194: {  	v1 =	vmul.f32 v1, v7;
	v9 =	vadd.f32 v51, v9;
	v54 =	vadd.f32 v53, v52  }
0x195: {  	s18 =	sadd.s32 $0x2, s18;
	v4 =	vmul.f32 v4, v8;
	v62 =	vadd.f32 v57, v56;
	v63 =	vadd.f32 v59, v58  }
0x196: {  	p0 =	slt.u32 s18, $0x1E;
	v10 =	vor.u32 $0x7, v10;
	v2 =	vadd.f32 v3, v2;
	v6 =	vadd.f32 v6, v11  }
.Ltmp2:
0x197: {  	v1 =	vadd.f32 v4, v1;
	v9 =	vadd.f32 v54, v9;
	(pc) =	sbr.rel @p0 .LBB2_7-.Ltmp2, $4  }
0x198: {  	v3 =	vadd.f32 v63, v62;
	[tilespmem:v55+s28+$0x0] =	vst.idx.msk $0xffff, v6  }
0x199: {  	v1 =	vadd.f32 v1, v2;
	[tilespmem:v60+s28+$0x0] =	vst.idx.msk $0xffff, v9  }
0x19a: {  	[tilespmem:v61+s28+$0x0] =	vst.idx.msk $0xffff, v3  }
0x19b: {  	s6 =	sadd.s32 $0x20, s6;
	s19 =	sadd.s32 $0xA0, s19;
	[tilespmem:v10+s28+$0x0] =	vst.idx.msk $0xffff, v1  }
0x19c: {  	s6 =	sadd.s32 s2, s11  }
0x19d: {  	[hbm4b:s6+s24] =	stream.strided.scatter [tilespmem:s28], [sflag:$0x4], $0x1000, s25, s24, $0x38;
	[tilespmem:$0x1CC00] =	vst v63  }
0x19e: {  	s1 =	sadd.s32 $0x1E00, s1  }
0x19f: {  	[tilespmem:s21], [sflag:$0x2] =	stream.linear.gather [spmem:s1], $0xA00, $0x38;
	[tilespmem:$0x1CC00] =	vst v63  }
0x1a0: {  	_ =	swait.ge [sflag:s22], $0xA00  }
0x1a1: {  	[sflag:s22] =	ssyncset.done $0x0  }
0x1a2: {  	[sflag:s22] =	ssyncadd.s32 $0xFFFFF600  }
0x1a3: {  	_ =	swait.ge [sflag:s29], $0x1000  }
0x1a4: {  	s18 =	simm.s32 $0x19850;
	[sflag:s29] =	ssyncset.done $0x0  }
0x1a5: {  	s6 =	simm.s32 $0x0;
	s1 =	simm.s32 $0xFFFFFFFE;
	[sflag:s29] =	ssyncadd.s32 $0xFFFFF000  }
.LBB2_9:
0x1a6: {  	v1 =	vld [tilespmem:s18+$0xFFFFFFB0];
	_ =	sdelay $0x4  }
0x1a7: {  	v3 =	vld [tilespmem:s18+$0xFFFFFFC0];
	v6 =	vadd.s32 $0x1, v1  }
0x1a8: {  	v5 =	vld [tilespmem:s18+$0xFFFFFFD0];
	v11 =	vadd.s32 $0x2000, v1  }
0x1a9: {  	v7 =	vld [tilespmem:s18+$0xFFFFFFE0];
	v13 =	vadd.s32 $0x2001, v1  }
0x1aa: {  	v8 =	vld [tilespmem:s18+$0xFFFFFFF0];
	v2 =	vadd.s32 $0xFFFFFFFF, v1;
	v18 =	vadd.s32 $0x4000, v1  }
0x1ab: {  	v4 =	vadd.s32 $0x2, v1;
	vm0 =	vgt.s32 v2, $0x0;
	v19 =	vadd.s32 $0x4000, v6;
	v12 =	vld.idx.msk [tilespmem:v1+s5+$0x0], $0xffff  }
0x1ac: {  	vm13 =	vlt.s32 v4, $0x1FFF;
	v2 =	vnsel vm0, $0x0, v2;
	v14 =	vld.idx.msk [tilespmem:v6+s5+$0x0], $0xffff  }
0x1ad: {  	v4 =	vnsel vm13, $0x1FFF, v4;
	v11 =	vld.idx.msk [tilespmem:v11+s5+$0x0], $0xffff  }
0x1ae: {  	v9 =	vadd.s32 $0x2000, v2;
	v13 =	vld.idx.msk [tilespmem:v13+s5+$0x0], $0xffff  }
0x1af: {  	v15 =	vadd.s32 $0x2000, v4;
	v18 =	vld.idx.msk [tilespmem:v18+s5+$0x0], $0xffff  }
0x1b0: {  	v17 =	vadd.s32 $0x4000, v2;
	v19 =	vld.idx.msk [tilespmem:v19+s5+$0x0], $0xffff  }
0x1b1: {  	v20 =	vadd.s32 $0x4000, v4;
	v10 =	vld.idx.msk [tilespmem:v2+s5+$0x0], $0xffff  }
0x1b2: {  	v21 =	vadd.s32 $0x6000, v2;
	v16 =	vld.idx.msk [tilespmem:v4+s5+$0x0], $0xffff  }
0x1b3: {  	v24 =	vadd.s32 $0x6000, v4;
	v9 =	vld.idx.msk [tilespmem:v9+s5+$0x0], $0xffff  }
0x1b4: {  	v22 =	vadd.s32 $0x6000, v1;
	v15 =	vld.idx.msk [tilespmem:v15+s5+$0x0], $0xffff  }
0x1b5: {  	v23 =	vadd.s32 $0x6000, v6;
	v17 =	vld.idx.msk [tilespmem:v17+s5+$0x0], $0xffff  }
0x1b6: {  	v12 =	vmul.f32 v12, v5;
	v20 =	vld.idx.msk [tilespmem:v20+s5+$0x0], $0xffff  }
0x1b7: {  	v21 =	vld.idx.msk [tilespmem:v21+s5+$0x0], $0xffff;
	v14 =	vmul.f32 v14, v7;
	v11 =	vmul.f32 v11, v5  }
0x1b8: {  	v42 =	vmov s6;
	v43 =	vld.idx.msk [tilespmem:v24+s5+$0x0], $0xffff;
	v13 =	vmul.f32 v13, v7;
	v48 =	vmul.f32 v18, v5  }
0x1b9: {  	v44 =	vshll.u32 v42, $0x3;
	v40 =	vld.idx.msk [tilespmem:v22+s5+$0x0], $0xffff;
	v49 =	vmul.f32 v19, v7;
	v10 =	vmul.f32 v10, v3  }
0x1ba: {  	v46 =	vor.u32 v0, v44;
	v41 =	vld.idx.msk [tilespmem:v23+s5+$0x0], $0xffff;
	v16 =	vmul.f32 v16, v8;
	v9 =	vmul.f32 v9, v3  }
0x1bb: {  	v51 =	vor.u32 $0x1, v46;
	v15 =	vmul.f32 v15, v8;
	v47 =	vmul.f32 v17, v3  }
0x1bc: {  	v53 =	vor.u32 $0x2, v46;
	v50 =	vmul.f32 v20, v8;
	v52 =	vmul.f32 v21, v3  }
0x1bd: {  	v54 =	vmul.f32 v43, v8;
	v10 =	vadd.f32 v12, v10;
	v14 =	vadd.f32 v16, v14  }
0x1be: {  	v12 =	vmul.f32 v40, v5;
	v9 =	vadd.f32 v11, v9;
	v45 =	vadd.f32 v15, v13  }
0x1bf: {  	v16 =	vmul.f32 v41, v7;
	v11 =	vadd.f32 v50, v49;
	v10 =	vadd.f32 v14, v10  }
0x1c0: {  	v55 =	vor.u32 $0x3, v46;
	v14 =	vadd.f32 v48, v47;
	v12 =	vadd.f32 v12, v52  }
0x1c1: {  	v56 =	vadd.s32 $0x8000, v2;
	v16 =	vadd.f32 v54, v16;
	v9 =	vadd.f32 v45, v9  }
0x1c2: {  	v58 =	vadd.s32 $0x8000, v1;
	[tilespmem:v46+s23+$0x0] =	vst.idx.msk $0xffff, v10;
	v57 =	vadd.f32 v11, v14  }
0x1c3: {  	v60 =	vadd.s32 $0x8000, v6;
	v59 =	vadd.f32 v16, v12;
	[tilespmem:v51+s23+$0x0] =	vst.idx.msk $0xffff, v9  }
0x1c4: {  	v61 =	vadd.s32 $0x8000, v4;
	[tilespmem:v53+s23+$0x0] =	vst.idx.msk $0xffff, v57  }
0x1c5: {  	v62 =	vadd.s32 $0xA000, v2;
	[tilespmem:v55+s23+$0x0] =	vst.idx.msk $0xffff, v59  }
0x1c6: {  	v23 =	vadd.s32 $0xA000, v1;
	v63 =	vld.idx.msk [tilespmem:v56+s5+$0x0], $0xffff  }
0x1c7: {  	v24 =	vadd.s32 $0xA000, v6;
	v11 =	vld.idx.msk [tilespmem:v58+s5+$0x0], $0xffff  }
0x1c8: {  	v25 =	vadd.s32 $0xA000, v4;
	v12 =	vld.idx.msk [tilespmem:v60+s5+$0x0], $0xffff  }
0x1c9: {  	v26 =	vadd.s32 $0xC000, v2;
	v10 =	vld.idx.msk [tilespmem:v61+s5+$0x0], $0xffff  }
0x1ca: {  	v27 =	vadd.s32 $0xC000, v1;
	v9 =	vld.idx.msk [tilespmem:v62+s5+$0x0], $0xffff  }
0x1cb: {  	v28 =	vadd.s32 $0xC000, v6;
	v15 =	vld.idx.msk [tilespmem:v23+s5+$0x0], $0xffff  }
0x1cc: {  	v29 =	vadd.s32 $0xC000, v4;
	v16 =	vld.idx.msk [tilespmem:v24+s5+$0x0], $0xffff  }
0x1cd: {  	v2 =	vadd.s32 $0xE000, v2;
	v17 =	vld.idx.msk [tilespmem:v25+s5+$0x0], $0xffff  }
0x1ce: {  	v1 =	vadd.s32 $0xE000, v1;
	v18 =	vld.idx.msk [tilespmem:v26+s5+$0x0], $0xffff  }
0x1cf: {  	v19 =	vld.idx.msk [tilespmem:v27+s5+$0x0], $0xffff  }
0x1d0: {  	v6 =	vadd.s32 $0xE000, v6;
	v20 =	vld.idx.msk [tilespmem:v28+s5+$0x0], $0xffff  }
0x1d1: {  	v4 =	vadd.s32 $0xE000, v4;
	v21 =	vld.idx.msk [tilespmem:v29+s5+$0x0], $0xffff  }
0x1d2: {  	v2 =	vld.idx.msk [tilespmem:v2+s5+$0x0], $0xffff;
	v14 =	vmul.f32 v63, v3;
	v11 =	vmul.f32 v11, v5  }
0x1d3: {  	v1 =	vld.idx.msk [tilespmem:v1+s5+$0x0], $0xffff;
	v12 =	vmul.f32 v12, v7;
	v10 =	vmul.f32 v10, v8  }
0x1d4: {  	v9 =	vmul.f32 v9, v3;
	v30 =	vmul.f32 v15, v5  }
0x1d5: {  	v6 =	vld.idx.msk [tilespmem:v6+s5+$0x0], $0xffff;
	v31 =	vmul.f32 v16, v7;
	v32 =	vmul.f32 v17, v8  }
0x1d6: {  	v4 =	vld.idx.msk [tilespmem:v4+s5+$0x0], $0xffff;
	v35 =	vmul.f32 v18, v3;
	v36 =	vmul.f32 v19, v5  }
0x1d7: {  	v34 =	vor.u32 $0x4, v46;
	v37 =	vmul.f32 v20, v7;
	v38 =	vmul.f32 v21, v8  }
0x1d8: {  	v39 =	vor.u32 $0x5, v46;
	v2 =	vmul.f32 v2, v3;
	v1 =	vmul.f32 v1, v5  }
0x1d9: {  	v3 =	vor.u32 $0x6, v46;
	v11 =	vadd.f32 v11, v14;
	v10 =	vadd.f32 v10, v12  }
0x1da: {  	v40 =	vmul.f32 v6, v7;
	v9 =	vadd.f32 v30, v9;
	v33 =	vadd.f32 v32, v31  }
0x1db: {  	v4 =	vmul.f32 v4, v8;
	v41 =	vadd.f32 v36, v35;
	v42 =	vadd.f32 v38, v37  }
0x1dc: {  	v43 =	vor.u32 $0x7, v46;
	v1 =	vadd.f32 v1, v2;
	v10 =	vadd.f32 v10, v11  }
0x1dd: {  	v2 =	vadd.f32 v4, v40;
	v9 =	vadd.f32 v33, v9  }
0x1de: {  	v44 =	vadd.f32 v42, v41;
	[tilespmem:v34+s23+$0x0] =	vst.idx.msk $0xffff, v10  }
0x1df: {  	v1 =	vadd.f32 v2, v1;
	[tilespmem:v39+s23+$0x0] =	vst.idx.msk $0xffff, v9  }
0x1e0: {  	[tilespmem:v3+s23+$0x0] =	vst.idx.msk $0xffff, v44  }
0x1e1: {  	[tilespmem:v43+s23+$0x0] =	vst.idx.msk $0xffff, v1  }
0x1e2: {  	v1 =	vld [tilespmem:s18+$0x0];
	_ =	sdelay $0x4  }
0x1e3: {  	v3 =	vld [tilespmem:s18+$0x10];
	v46 =	vadd.s32 $0x1, v1  }
0x1e4: {  	v5 =	vld [tilespmem:s18+$0x20];
	v48 =	vadd.s32 $0x2000, v1  }
0x1e5: {  	v7 =	vld [tilespmem:s18+$0x30];
	v49 =	vadd.s32 $0x2001, v1  }
0x1e6: {  	v8 =	vld [tilespmem:s18+$0x40];
	v2 =	vadd.s32 $0xFFFFFFFF, v1;
	v53 =	vadd.s32 $0x4000, v1  }
0x1e7: {  	v45 =	vadd.s32 $0x2, v1;
	v54 =	vadd.s32 $0x4001, v1;
	vm14 =	vgt.s32 v2, $0x0;
	v12 =	vld.idx.msk [tilespmem:v1+s5+$0x0], $0xffff  }
0x1e8: {  	vm15 =	vlt.s32 v45, $0x1FFF;
	v2 =	vnsel vm14, $0x0, v2;
	v6 =	vld.idx.msk [tilespmem:v46+s5+$0x0], $0xffff  }
0x1e9: {  	v4 =	vnsel vm15, $0x1FFF, v45;
	v11 =	vld.idx.msk [tilespmem:v48+s5+$0x0], $0xffff  }
0x1ea: {  	v47 =	vadd.s32 $0x2000, v2;
	v13 =	vld.idx.msk [tilespmem:v49+s5+$0x0], $0xffff  }
0x1eb: {  	v50 =	vadd.s32 $0x2000, v4;
	v17 =	vld.idx.msk [tilespmem:v53+s5+$0x0], $0xffff  }
0x1ec: {  	v52 =	vadd.s32 $0x4000, v2;
	v18 =	vld.idx.msk [tilespmem:v54+s5+$0x0], $0xffff  }
0x1ed: {  	v55 =	vadd.s32 $0x4000, v4;
	v10 =	vld.idx.msk [tilespmem:v2+s5+$0x0], $0xffff  }
0x1ee: {  	v56 =	vadd.s32 $0x6000, v2;
	v51 =	vld.idx.msk [tilespmem:v4+s5+$0x0], $0xffff  }
0x1ef: {  	v59 =	vadd.s32 $0x6000, v4;
	v9 =	vld.idx.msk [tilespmem:v47+s5+$0x0], $0xffff  }
0x1f0: {  	v57 =	vadd.s32 $0x6000, v1;
	v14 =	vld.idx.msk [tilespmem:v50+s5+$0x0], $0xffff  }
0x1f1: {  	v58 =	vadd.s32 $0x6001, v1;
	v16 =	vld.idx.msk [tilespmem:v52+s5+$0x0], $0xffff  }
0x1f2: {  	v12 =	vmul.f32 v12, v5;
	v19 =	vld.idx.msk [tilespmem:v55+s5+$0x0], $0xffff  }
0x1f3: {  	v20 =	vld.idx.msk [tilespmem:v56+s5+$0x0], $0xffff;
	v6 =	vmul.f32 v6, v7;
	v11 =	vmul.f32 v11, v5  }
0x1f4: {  	v63 =	vld.idx.msk [tilespmem:v59+s5+$0x0], $0xffff;
	v13 =	vmul.f32 v13, v7;
	v26 =	vmul.f32 v17, v5  }
0x1f5: {  	v60 =	vld.idx.msk [tilespmem:v57+s5+$0x0], $0xffff;
	v27 =	vmul.f32 v18, v7;
	v10 =	vmul.f32 v10, v3  }
0x1f6: {  	s7 =	sadd.s32 $0x10, s6;
	v61 =	vld.idx.msk [tilespmem:v58+s5+$0x0], $0xffff;
	v15 =	vmul.f32 v51, v8;
	v9 =	vmul.f32 v9, v3  }
0x1f7: {  	v62 =	vmov s7;
	v14 =	vmul.f32 v14, v8;
	v25 =	vmul.f32 v16, v3  }
0x1f8: {  	v28 =	vmul.f32 v19, v8;
	v10 =	vadd.f32 v12, v10;
	v6 =	vadd.f32 v15, v6  }
0x1f9: {  	v23 =	vshll.u32 v62, $0x3;
	v30 =	vmul.f32 v20, v3;
	v32 =	vmul.f32 v63, v8  }
0x1fa: {  	v12 =	vmul.f32 v60, v5;
	v6 =	vadd.f32 v6, v10;
	v10 =	vor.u32 v0, v23  }
0x1fb: {  	v15 =	vmul.f32 v61, v7;
	v9 =	vadd.f32 v11, v9;
	v29 =	vor.u32 $0x1, v10  }
0x1fc: {  	v24 =	vadd.f32 v14, v13;
	v13 =	vadd.f32 v26, v25;
	v31 =	vor.u32 $0x2, v10  }
0x1fd: {  	v11 =	vadd.f32 v28, v27;
	v12 =	vadd.f32 v12, v30;
	v33 =	vor.u32 $0x3, v10  }
0x1fe: {  	v34 =	vadd.s32 $0x8000, v2;
	v15 =	vadd.f32 v32, v15;
	v9 =	vadd.f32 v24, v9  }
0x1ff: {  	v36 =	vadd.s32 $0x8000, v1;
	v35 =	vadd.f32 v11, v13;
	[tilespmem:v10+s23+$0x0] =	vst.idx.msk $0xffff, v6  }
0x200: {  	v38 =	vadd.s32 $0x8001, v1;
	v37 =	vadd.f32 v15, v12;
	[tilespmem:v29+s23+$0x0] =	vst.idx.msk $0xffff, v9  }
0x201: {  	v39 =	vadd.s32 $0x8000, v4;
	[tilespmem:v31+s23+$0x0] =	vst.idx.msk $0xffff, v35  }
0x202: {  	v40 =	vadd.s32 $0xA000, v2;
	[tilespmem:v33+s23+$0x0] =	vst.idx.msk $0xffff, v37  }
0x203: {  	v42 =	vadd.s32 $0xA000, v1;
	v41 =	vld.idx.msk [tilespmem:v34+s5+$0x0], $0xffff  }
0x204: {  	v43 =	vadd.s32 $0xA001, v1;
	v11 =	vld.idx.msk [tilespmem:v36+s5+$0x0], $0xffff  }
0x205: {  	v44 =	vadd.s32 $0xA000, v4;
	v12 =	vld.idx.msk [tilespmem:v38+s5+$0x0], $0xffff  }
0x206: {  	v45 =	vadd.s32 $0xC000, v2;
	v6 =	vld.idx.msk [tilespmem:v39+s5+$0x0], $0xffff  }
0x207: {  	v46 =	vadd.s32 $0xC000, v1;
	v9 =	vld.idx.msk [tilespmem:v40+s5+$0x0], $0xffff  }
0x208: {  	v47 =	vadd.s32 $0xC001, v1;
	v14 =	vld.idx.msk [tilespmem:v42+s5+$0x0], $0xffff  }
0x209: {  	v48 =	vadd.s32 $0xC000, v4;
	v15 =	vld.idx.msk [tilespmem:v43+s5+$0x0], $0xffff  }
0x20a: {  	v2 =	vadd.s32 $0xE000, v2;
	v16 =	vld.idx.msk [tilespmem:v44+s5+$0x0], $0xffff  }
0x20b: {  	v49 =	vadd.s32 $0xE000, v1;
	v17 =	vld.idx.msk [tilespmem:v45+s5+$0x0], $0xffff  }
0x20c: {  	v1 =	vadd.s32 $0xE001, v1;
	v18 =	vld.idx.msk [tilespmem:v46+s5+$0x0], $0xffff  }
0x20d: {  	v4 =	vadd.s32 $0xE000, v4;
	v19 =	vld.idx.msk [tilespmem:v47+s5+$0x0], $0xffff  }
0x20e: {  	v20 =	vld.idx.msk [tilespmem:v48+s5+$0x0], $0xffff;
	v13 =	vmul.f32 v41, v3  }
0x20f: {  	v2 =	vld.idx.msk [tilespmem:v2+s5+$0x0], $0xffff;
	v11 =	vmul.f32 v11, v5;
	v12 =	vmul.f32 v12, v7  }
0x210: {  	v50 =	vld.idx.msk [tilespmem:v49+s5+$0x0], $0xffff;
	v6 =	vmul.f32 v6, v8;
	v9 =	vmul.f32 v9, v3  }
0x211: {  	v1 =	vld.idx.msk [tilespmem:v1+s5+$0x0], $0xffff;
	v51 =	vmul.f32 v14, v5;
	v52 =	vmul.f32 v15, v7  }
0x212: {  	v55 =	vor.u32 $0x4, v10;
	v4 =	vld.idx.msk [tilespmem:v4+s5+$0x0], $0xffff;
	v53 =	vmul.f32 v16, v8;
	v56 =	vmul.f32 v17, v3  }
0x213: {  	v60 =	vor.u32 $0x5, v10;
	v57 =	vmul.f32 v18, v5;
	v58 =	vmul.f32 v19, v7  }
0x214: {  	v61 =	vor.u32 $0x6, v10;
	v59 =	vmul.f32 v20, v8;
	v2 =	vmul.f32 v2, v3  }
0x215: {  	v3 =	vmul.f32 v50, v5;
	v11 =	vadd.f32 v11, v13;
	v6 =	vadd.f32 v6, v12  }
0x216: {  	v1 =	vmul.f32 v1, v7;
	v9 =	vadd.f32 v51, v9;
	v54 =	vadd.f32 v53, v52  }
0x217: {  	s1 =	sadd.s32 $0x2, s1;
	v4 =	vmul.f32 v4, v8;
	v62 =	vadd.f32 v57, v56;
	v63 =	vadd.f32 v59, v58  }
0x218: {  	p0 =	slt.u32 s1, $0x1E;
	v10 =	vor.u32 $0x7, v10;
	v2 =	vadd.f32 v3, v2;
	v6 =	vadd.f32 v6, v11  }
.Ltmp3:
0x219: {  	v1 =	vadd.f32 v4, v1;
	v9 =	vadd.f32 v54, v9;
	(pc) =	sbr.rel @p0 .LBB2_9-.Ltmp3, $4  }
0x21a: {  	v3 =	vadd.f32 v63, v62;
	[tilespmem:v55+s23+$0x0] =	vst.idx.msk $0xffff, v6  }
0x21b: {  	v1 =	vadd.f32 v1, v2;
	[tilespmem:v60+s23+$0x0] =	vst.idx.msk $0xffff, v9  }
0x21c: {  	[tilespmem:v61+s23+$0x0] =	vst.idx.msk $0xffff, v3  }
0x21d: {  	s6 =	sadd.s32 $0x20, s6;
	s18 =	sadd.s32 $0xA0, s18;
	[tilespmem:v10+s23+$0x0] =	vst.idx.msk $0xffff, v1  }
0x21e: {  	s0 =	sadd.s32 $0x1, s0  }
0x21f: {  	p0 =	slt.s32 s0, $0xF;
	s1 =	smov.u32 s0  }
0x220: {  	s1 =	simm.s32 @!p0 $0xF  }
0x221: {  	s6 =	sadd.s32 s2, s12;
	s1 =	smul.u32 $0xA000, s1  }
0x222: {  	[hbm4b:s6+s24] =	stream.strided.scatter [tilespmem:s23], [sflag:$0x3], $0x1000, s25, s24, $0x38;
	[tilespmem:$0x1CC00] =	vst v63  }
0x223: {  	s1 =	sshra.s32 s1, $0x2  }
0x224: {  	s1 =	sadd.s32 s1, s4  }
0x225: {  	[tilespmem:s20], [sflag:$0x1] =	stream.linear.gather [spmem:s1], $0xA00, $0x38;
	[tilespmem:$0x1CC00] =	vst v63  }
0x226: {  	_ =	swait.ge [sflag:s26], $0xA00  }
0x227: {  	[sflag:s26] =	ssyncset.done $0x0  }
0x228: {  	[sflag:s26] =	ssyncadd.s32 $0xFFFFF600  }
0x229: {  	_ =	swait.ge [sflag:s30], $0x1000  }
0x22a: {  	s18 =	simm.s32 $0x1A250;
	[sflag:s30] =	ssyncset.done $0x0  }
0x22b: {  	s6 =	simm.s32 $0x0;
	s1 =	simm.s32 $0xFFFFFFFE;
	[sflag:s30] =	ssyncadd.s32 $0xFFFFF000  }
.LBB2_11:
0x22c: {  	v1 =	vld [tilespmem:s18+$0xFFFFFFB0];
	_ =	sdelay $0x4  }
0x22d: {  	v3 =	vld [tilespmem:s18+$0xFFFFFFC0];
	v6 =	vadd.s32 $0x1, v1  }
0x22e: {  	v5 =	vld [tilespmem:s18+$0xFFFFFFD0];
	v11 =	vadd.s32 $0x2000, v1  }
0x22f: {  	v7 =	vld [tilespmem:s18+$0xFFFFFFE0];
	v13 =	vadd.s32 $0x2001, v1  }
0x230: {  	v8 =	vld [tilespmem:s18+$0xFFFFFFF0];
	v2 =	vadd.s32 $0xFFFFFFFF, v1;
	v18 =	vadd.s32 $0x4000, v1  }
0x231: {  	v4 =	vadd.s32 $0x2, v1;
	vm0 =	vgt.s32 v2, $0x0;
	v19 =	vadd.s32 $0x4000, v6;
	v12 =	vld.idx.msk [tilespmem:v1+s5+$0x0], $0xffff  }
0x232: {  	vm13 =	vlt.s32 v4, $0x1FFF;
	v2 =	vnsel vm0, $0x0, v2;
	v14 =	vld.idx.msk [tilespmem:v6+s5+$0x0], $0xffff  }
0x233: {  	v4 =	vnsel vm13, $0x1FFF, v4;
	v11 =	vld.idx.msk [tilespmem:v11+s5+$0x0], $0xffff  }
0x234: {  	v9 =	vadd.s32 $0x2000, v2;
	v13 =	vld.idx.msk [tilespmem:v13+s5+$0x0], $0xffff  }
0x235: {  	v15 =	vadd.s32 $0x2000, v4;
	v18 =	vld.idx.msk [tilespmem:v18+s5+$0x0], $0xffff  }
0x236: {  	v17 =	vadd.s32 $0x4000, v2;
	v19 =	vld.idx.msk [tilespmem:v19+s5+$0x0], $0xffff  }
0x237: {  	v20 =	vadd.s32 $0x4000, v4;
	v10 =	vld.idx.msk [tilespmem:v2+s5+$0x0], $0xffff  }
0x238: {  	v21 =	vadd.s32 $0x6000, v2;
	v16 =	vld.idx.msk [tilespmem:v4+s5+$0x0], $0xffff  }
0x239: {  	v24 =	vadd.s32 $0x6000, v4;
	v9 =	vld.idx.msk [tilespmem:v9+s5+$0x0], $0xffff  }
0x23a: {  	v22 =	vadd.s32 $0x6000, v1;
	v15 =	vld.idx.msk [tilespmem:v15+s5+$0x0], $0xffff  }
0x23b: {  	v23 =	vadd.s32 $0x6000, v6;
	v17 =	vld.idx.msk [tilespmem:v17+s5+$0x0], $0xffff  }
0x23c: {  	v12 =	vmul.f32 v12, v5;
	v20 =	vld.idx.msk [tilespmem:v20+s5+$0x0], $0xffff  }
0x23d: {  	v21 =	vld.idx.msk [tilespmem:v21+s5+$0x0], $0xffff;
	v14 =	vmul.f32 v14, v7;
	v11 =	vmul.f32 v11, v5  }
0x23e: {  	v42 =	vmov s6;
	v43 =	vld.idx.msk [tilespmem:v24+s5+$0x0], $0xffff;
	v13 =	vmul.f32 v13, v7;
	v48 =	vmul.f32 v18, v5  }
0x23f: {  	v44 =	vshll.u32 v42, $0x3;
	v40 =	vld.idx.msk [tilespmem:v22+s5+$0x0], $0xffff;
	v49 =	vmul.f32 v19, v7;
	v10 =	vmul.f32 v10, v3  }
0x240: {  	v46 =	vor.u32 v0, v44;
	v41 =	vld.idx.msk [tilespmem:v23+s5+$0x0], $0xffff;
	v16 =	vmul.f32 v16, v8;
	v9 =	vmul.f32 v9, v3  }
0x241: {  	v51 =	vor.u32 $0x1, v46;
	v15 =	vmul.f32 v15, v8;
	v47 =	vmul.f32 v17, v3  }
0x242: {  	v53 =	vor.u32 $0x2, v46;
	v50 =	vmul.f32 v20, v8;
	v52 =	vmul.f32 v21, v3  }
0x243: {  	v54 =	vmul.f32 v43, v8;
	v10 =	vadd.f32 v12, v10;
	v14 =	vadd.f32 v16, v14  }
0x244: {  	v12 =	vmul.f32 v40, v5;
	v9 =	vadd.f32 v11, v9;
	v45 =	vadd.f32 v15, v13  }
0x245: {  	v16 =	vmul.f32 v41, v7;
	v11 =	vadd.f32 v50, v49;
	v10 =	vadd.f32 v14, v10  }
0x246: {  	v55 =	vor.u32 $0x3, v46;
	v14 =	vadd.f32 v48, v47;
	v12 =	vadd.f32 v12, v52  }
0x247: {  	v56 =	vadd.s32 $0x8000, v2;
	v16 =	vadd.f32 v54, v16;
	v9 =	vadd.f32 v45, v9  }
0x248: {  	v58 =	vadd.s32 $0x8000, v1;
	[tilespmem:v46+s28+$0x0] =	vst.idx.msk $0xffff, v10;
	v57 =	vadd.f32 v11, v14  }
0x249: {  	v60 =	vadd.s32 $0x8000, v6;
	v59 =	vadd.f32 v16, v12;
	[tilespmem:v51+s28+$0x0] =	vst.idx.msk $0xffff, v9  }
0x24a: {  	v61 =	vadd.s32 $0x8000, v4;
	[tilespmem:v53+s28+$0x0] =	vst.idx.msk $0xffff, v57  }
0x24b: {  	v62 =	vadd.s32 $0xA000, v2;
	[tilespmem:v55+s28+$0x0] =	vst.idx.msk $0xffff, v59  }
0x24c: {  	v23 =	vadd.s32 $0xA000, v1;
	v63 =	vld.idx.msk [tilespmem:v56+s5+$0x0], $0xffff  }
0x24d: {  	v24 =	vadd.s32 $0xA000, v6;
	v11 =	vld.idx.msk [tilespmem:v58+s5+$0x0], $0xffff  }
0x24e: {  	v25 =	vadd.s32 $0xA000, v4;
	v12 =	vld.idx.msk [tilespmem:v60+s5+$0x0], $0xffff  }
0x24f: {  	v26 =	vadd.s32 $0xC000, v2;
	v10 =	vld.idx.msk [tilespmem:v61+s5+$0x0], $0xffff  }
0x250: {  	v27 =	vadd.s32 $0xC000, v1;
	v9 =	vld.idx.msk [tilespmem:v62+s5+$0x0], $0xffff  }
0x251: {  	v28 =	vadd.s32 $0xC000, v6;
	v15 =	vld.idx.msk [tilespmem:v23+s5+$0x0], $0xffff  }
0x252: {  	v29 =	vadd.s32 $0xC000, v4;
	v16 =	vld.idx.msk [tilespmem:v24+s5+$0x0], $0xffff  }
0x253: {  	v2 =	vadd.s32 $0xE000, v2;
	v17 =	vld.idx.msk [tilespmem:v25+s5+$0x0], $0xffff  }
0x254: {  	v1 =	vadd.s32 $0xE000, v1;
	v18 =	vld.idx.msk [tilespmem:v26+s5+$0x0], $0xffff  }
0x255: {  	v19 =	vld.idx.msk [tilespmem:v27+s5+$0x0], $0xffff  }
0x256: {  	v6 =	vadd.s32 $0xE000, v6;
	v20 =	vld.idx.msk [tilespmem:v28+s5+$0x0], $0xffff  }
0x257: {  	v4 =	vadd.s32 $0xE000, v4;
	v21 =	vld.idx.msk [tilespmem:v29+s5+$0x0], $0xffff  }
0x258: {  	v2 =	vld.idx.msk [tilespmem:v2+s5+$0x0], $0xffff;
	v14 =	vmul.f32 v63, v3;
	v11 =	vmul.f32 v11, v5  }
0x259: {  	v1 =	vld.idx.msk [tilespmem:v1+s5+$0x0], $0xffff;
	v12 =	vmul.f32 v12, v7;
	v10 =	vmul.f32 v10, v8  }
0x25a: {  	v9 =	vmul.f32 v9, v3;
	v30 =	vmul.f32 v15, v5  }
0x25b: {  	v6 =	vld.idx.msk [tilespmem:v6+s5+$0x0], $0xffff;
	v31 =	vmul.f32 v16, v7;
	v32 =	vmul.f32 v17, v8  }
0x25c: {  	v4 =	vld.idx.msk [tilespmem:v4+s5+$0x0], $0xffff;
	v35 =	vmul.f32 v18, v3;
	v36 =	vmul.f32 v19, v5  }
0x25d: {  	v34 =	vor.u32 $0x4, v46;
	v37 =	vmul.f32 v20, v7;
	v38 =	vmul.f32 v21, v8  }
0x25e: {  	v39 =	vor.u32 $0x5, v46;
	v2 =	vmul.f32 v2, v3;
	v1 =	vmul.f32 v1, v5  }
0x25f: {  	v3 =	vor.u32 $0x6, v46;
	v11 =	vadd.f32 v11, v14;
	v10 =	vadd.f32 v10, v12  }
0x260: {  	v40 =	vmul.f32 v6, v7;
	v9 =	vadd.f32 v30, v9;
	v33 =	vadd.f32 v32, v31  }
0x261: {  	v4 =	vmul.f32 v4, v8;
	v41 =	vadd.f32 v36, v35;
	v42 =	vadd.f32 v38, v37  }
0x262: {  	v43 =	vor.u32 $0x7, v46;
	v1 =	vadd.f32 v1, v2;
	v10 =	vadd.f32 v10, v11  }
0x263: {  	v2 =	vadd.f32 v4, v40;
	v9 =	vadd.f32 v33, v9  }
0x264: {  	v44 =	vadd.f32 v42, v41;
	[tilespmem:v34+s28+$0x0] =	vst.idx.msk $0xffff, v10  }
0x265: {  	v1 =	vadd.f32 v2, v1;
	[tilespmem:v39+s28+$0x0] =	vst.idx.msk $0xffff, v9  }
0x266: {  	[tilespmem:v3+s28+$0x0] =	vst.idx.msk $0xffff, v44  }
0x267: {  	[tilespmem:v43+s28+$0x0] =	vst.idx.msk $0xffff, v1  }
0x268: {  	v1 =	vld [tilespmem:s18+$0x0];
	_ =	sdelay $0x4  }
0x269: {  	v3 =	vld [tilespmem:s18+$0x10];
	v46 =	vadd.s32 $0x1, v1  }
0x26a: {  	v5 =	vld [tilespmem:s18+$0x20];
	v48 =	vadd.s32 $0x2000, v1  }
0x26b: {  	v7 =	vld [tilespmem:s18+$0x30];
	v49 =	vadd.s32 $0x2001, v1  }
0x26c: {  	v8 =	vld [tilespmem:s18+$0x40];
	v2 =	vadd.s32 $0xFFFFFFFF, v1;
	v53 =	vadd.s32 $0x4000, v1  }
0x26d: {  	v45 =	vadd.s32 $0x2, v1;
	v54 =	vadd.s32 $0x4001, v1;
	vm14 =	vgt.s32 v2, $0x0;
	v12 =	vld.idx.msk [tilespmem:v1+s5+$0x0], $0xffff  }
0x26e: {  	vm15 =	vlt.s32 v45, $0x1FFF;
	v2 =	vnsel vm14, $0x0, v2;
	v6 =	vld.idx.msk [tilespmem:v46+s5+$0x0], $0xffff  }
0x26f: {  	v4 =	vnsel vm15, $0x1FFF, v45;
	v11 =	vld.idx.msk [tilespmem:v48+s5+$0x0], $0xffff  }
0x270: {  	v47 =	vadd.s32 $0x2000, v2;
	v13 =	vld.idx.msk [tilespmem:v49+s5+$0x0], $0xffff  }
0x271: {  	v50 =	vadd.s32 $0x2000, v4;
	v17 =	vld.idx.msk [tilespmem:v53+s5+$0x0], $0xffff  }
0x272: {  	v52 =	vadd.s32 $0x4000, v2;
	v18 =	vld.idx.msk [tilespmem:v54+s5+$0x0], $0xffff  }
0x273: {  	v55 =	vadd.s32 $0x4000, v4;
	v10 =	vld.idx.msk [tilespmem:v2+s5+$0x0], $0xffff  }
0x274: {  	v56 =	vadd.s32 $0x6000, v2;
	v51 =	vld.idx.msk [tilespmem:v4+s5+$0x0], $0xffff  }
0x275: {  	v59 =	vadd.s32 $0x6000, v4;
	v9 =	vld.idx.msk [tilespmem:v47+s5+$0x0], $0xffff  }
0x276: {  	v57 =	vadd.s32 $0x6000, v1;
	v14 =	vld.idx.msk [tilespmem:v50+s5+$0x0], $0xffff  }
0x277: {  	v58 =	vadd.s32 $0x6001, v1;
	v16 =	vld.idx.msk [tilespmem:v52+s5+$0x0], $0xffff  }
0x278: {  	v12 =	vmul.f32 v12, v5;
	v19 =	vld.idx.msk [tilespmem:v55+s5+$0x0], $0xffff  }
0x279: {  	v20 =	vld.idx.msk [tilespmem:v56+s5+$0x0], $0xffff;
	v6 =	vmul.f32 v6, v7;
	v11 =	vmul.f32 v11, v5  }
0x27a: {  	v63 =	vld.idx.msk [tilespmem:v59+s5+$0x0], $0xffff;
	v13 =	vmul.f32 v13, v7;
	v26 =	vmul.f32 v17, v5  }
0x27b: {  	v60 =	vld.idx.msk [tilespmem:v57+s5+$0x0], $0xffff;
	v27 =	vmul.f32 v18, v7;
	v10 =	vmul.f32 v10, v3  }
0x27c: {  	s7 =	sadd.s32 $0x10, s6;
	v61 =	vld.idx.msk [tilespmem:v58+s5+$0x0], $0xffff;
	v15 =	vmul.f32 v51, v8;
	v9 =	vmul.f32 v9, v3  }
0x27d: {  	v62 =	vmov s7;
	v14 =	vmul.f32 v14, v8;
	v25 =	vmul.f32 v16, v3  }
0x27e: {  	v28 =	vmul.f32 v19, v8;
	v10 =	vadd.f32 v12, v10;
	v6 =	vadd.f32 v15, v6  }
0x27f: {  	v23 =	vshll.u32 v62, $0x3;
	v30 =	vmul.f32 v20, v3;
	v32 =	vmul.f32 v63, v8  }
0x280: {  	v12 =	vmul.f32 v60, v5;
	v6 =	vadd.f32 v6, v10;
	v10 =	vor.u32 v0, v23  }
0x281: {  	v15 =	vmul.f32 v61, v7;
	v9 =	vadd.f32 v11, v9;
	v29 =	vor.u32 $0x1, v10  }
0x282: {  	v24 =	vadd.f32 v14, v13;
	v13 =	vadd.f32 v26, v25;
	v31 =	vor.u32 $0x2, v10  }
0x283: {  	v11 =	vadd.f32 v28, v27;
	v12 =	vadd.f32 v12, v30;
	v33 =	vor.u32 $0x3, v10  }
0x284: {  	v34 =	vadd.s32 $0x8000, v2;
	v15 =	vadd.f32 v32, v15;
	v9 =	vadd.f32 v24, v9  }
0x285: {  	v36 =	vadd.s32 $0x8000, v1;
	v35 =	vadd.f32 v11, v13;
	[tilespmem:v10+s28+$0x0] =	vst.idx.msk $0xffff, v6  }
0x286: {  	v38 =	vadd.s32 $0x8001, v1;
	v37 =	vadd.f32 v15, v12;
	[tilespmem:v29+s28+$0x0] =	vst.idx.msk $0xffff, v9  }
0x287: {  	v39 =	vadd.s32 $0x8000, v4;
	[tilespmem:v31+s28+$0x0] =	vst.idx.msk $0xffff, v35  }
0x288: {  	v40 =	vadd.s32 $0xA000, v2;
	[tilespmem:v33+s28+$0x0] =	vst.idx.msk $0xffff, v37  }
0x289: {  	v42 =	vadd.s32 $0xA000, v1;
	v41 =	vld.idx.msk [tilespmem:v34+s5+$0x0], $0xffff  }
0x28a: {  	v43 =	vadd.s32 $0xA001, v1;
	v11 =	vld.idx.msk [tilespmem:v36+s5+$0x0], $0xffff  }
0x28b: {  	v44 =	vadd.s32 $0xA000, v4;
	v12 =	vld.idx.msk [tilespmem:v38+s5+$0x0], $0xffff  }
0x28c: {  	v45 =	vadd.s32 $0xC000, v2;
	v6 =	vld.idx.msk [tilespmem:v39+s5+$0x0], $0xffff  }
0x28d: {  	v46 =	vadd.s32 $0xC000, v1;
	v9 =	vld.idx.msk [tilespmem:v40+s5+$0x0], $0xffff  }
0x28e: {  	v47 =	vadd.s32 $0xC001, v1;
	v14 =	vld.idx.msk [tilespmem:v42+s5+$0x0], $0xffff  }
0x28f: {  	v48 =	vadd.s32 $0xC000, v4;
	v15 =	vld.idx.msk [tilespmem:v43+s5+$0x0], $0xffff  }
0x290: {  	v2 =	vadd.s32 $0xE000, v2;
	v16 =	vld.idx.msk [tilespmem:v44+s5+$0x0], $0xffff  }
0x291: {  	v49 =	vadd.s32 $0xE000, v1;
	v17 =	vld.idx.msk [tilespmem:v45+s5+$0x0], $0xffff  }
0x292: {  	v1 =	vadd.s32 $0xE001, v1;
	v18 =	vld.idx.msk [tilespmem:v46+s5+$0x0], $0xffff  }
0x293: {  	v4 =	vadd.s32 $0xE000, v4;
	v19 =	vld.idx.msk [tilespmem:v47+s5+$0x0], $0xffff  }
0x294: {  	v20 =	vld.idx.msk [tilespmem:v48+s5+$0x0], $0xffff;
	v13 =	vmul.f32 v41, v3  }
0x295: {  	v2 =	vld.idx.msk [tilespmem:v2+s5+$0x0], $0xffff;
	v11 =	vmul.f32 v11, v5;
	v12 =	vmul.f32 v12, v7  }
0x296: {  	v50 =	vld.idx.msk [tilespmem:v49+s5+$0x0], $0xffff;
	v6 =	vmul.f32 v6, v8;
	v9 =	vmul.f32 v9, v3  }
0x297: {  	v1 =	vld.idx.msk [tilespmem:v1+s5+$0x0], $0xffff;
	v51 =	vmul.f32 v14, v5;
	v52 =	vmul.f32 v15, v7  }
0x298: {  	v55 =	vor.u32 $0x4, v10;
	v4 =	vld.idx.msk [tilespmem:v4+s5+$0x0], $0xffff;
	v53 =	vmul.f32 v16, v8;
	v56 =	vmul.f32 v17, v3  }
0x299: {  	v60 =	vor.u32 $0x5, v10;
	v57 =	vmul.f32 v18, v5;
	v58 =	vmul.f32 v19, v7  }
0x29a: {  	v61 =	vor.u32 $0x6, v10;
	v59 =	vmul.f32 v20, v8;
	v2 =	vmul.f32 v2, v3  }
0x29b: {  	v3 =	vmul.f32 v50, v5;
	v11 =	vadd.f32 v11, v13;
	v6 =	vadd.f32 v6, v12  }
0x29c: {  	v1 =	vmul.f32 v1, v7;
	v9 =	vadd.f32 v51, v9;
	v54 =	vadd.f32 v53, v52  }
0x29d: {  	s1 =	sadd.s32 $0x2, s1;
	v4 =	vmul.f32 v4, v8;
	v62 =	vadd.f32 v57, v56;
	v63 =	vadd.f32 v59, v58  }
0x29e: {  	p0 =	slt.u32 s1, $0x1E;
	v10 =	vor.u32 $0x7, v10;
	v2 =	vadd.f32 v3, v2;
	v6 =	vadd.f32 v6, v11  }
.Ltmp4:
0x29f: {  	v1 =	vadd.f32 v4, v1;
	v9 =	vadd.f32 v54, v9;
	(pc) =	sbr.rel @p0 .LBB2_11-.Ltmp4, $4  }
0x2a0: {  	v3 =	vadd.f32 v63, v62;
	[tilespmem:v55+s28+$0x0] =	vst.idx.msk $0xffff, v6  }
0x2a1: {  	v1 =	vadd.f32 v1, v2;
	[tilespmem:v60+s28+$0x0] =	vst.idx.msk $0xffff, v9  }
0x2a2: {  	[tilespmem:v61+s28+$0x0] =	vst.idx.msk $0xffff, v3  }
0x2a3: {  	s6 =	sadd.s32 $0x20, s6;
	s18 =	sadd.s32 $0xA0, s18;
	[tilespmem:v10+s28+$0x0] =	vst.idx.msk $0xffff, v1  }
0x2a4: {  	p0 =	sne.s32 s0, $0x10  }
.Ltmp5:
0x2a5: {  	_ = 	snop;
	(pc) =	sbr.rel @p0 .LBB2_4-.Ltmp5, $3  }
0x2a6: {  	_ =	sdelay $0x1  }
0x2a7: {  	s1 =	sadd.s32 s2, s13  }
0x2a8: {  	[hbm4b:s1+s24] =	stream.strided.scatter [tilespmem:s28], [sflag:$0x4], $0x1000, s25, s24, $0x38;
	[tilespmem:$0x1CC00] =	vst v63  }
0x2a9: {  	_ =	swait.ge [sflag:s22], $0xA00  }
0x2aa: {  	[sflag:s22] =	ssyncset.done $0x0  }
0x2ab: {  	s31 =	sadd.s32 $0x1, s31;
	[sflag:s22] =	ssyncadd.s32 $0xFFFFF600  }
0x2ac: {  	p0 =	sne.s32 s31, s14;
	_ =	swait.ge [sflag:s29], $0x1000  }
.Ltmp6:
0x2ad: {  	[sflag:s29] =	ssyncset.done $0x0;
	(pc) =	sbr.rel @p0 .LBB2_1-.Ltmp6, $4  }
0x2ae: {  	[sflag:s29] =	ssyncadd.s32 $0xFFFFF000  }
0x2af: {  	_ =	swait.ge [sflag:s30], $0x1000  }
0x2b0: {  	[sflag:s30] =	ssyncset.done $0x0  }
0x2b1: {  	[sflag:s30] =	ssyncadd.s32 $0xFFFFF000  }
0x2b2: {  	_ =	sfence.sel $0x180000  }
0x2b3: {  	[bflag:$0x0] =	sbarrier.arrive $0xFFFF  }
0x2b4: {  	_ =	strace $0x90000047  }
0x2b5: {  	s0 =	stileid.u32;
	[bflag:$0x2] =	sbarrier.arrive $0xFFFF  }
0x2b6: {  	p0 =	sne.s32 s0, $0x0;
	s0 =	rddreg [dreg:$0x5]  }
0x2b7: {  	s0 =	sadd.s32 @!p0 $0x100000, s0  }
0x2b8: {  	[sflag:s0] =	ssyncadd.tile.s32 @!p0 $0x1;
	_ =	shalt  }
.Lfunc_end2:
_tile_overlayer_lowered:
.L_overlay_start_2:
0x2b9: {  	(tag) =	ssettag $0x2  }
0x2ba: {  	s0 =	rddreg [dreg:$0x0];
	s2 =	stileid.u32  }
0x2bb: {  	s1 =	rddreg [dreg:$0x1];
	p0 =	sne.s32 s2, $0x0  }
0x2bc: {  	s3 =	rddreg [dreg:$0x2];
	[bflag:$0x3] =	sbarrier.arrive $0xFFFF;
	s2 =	simm.s32 @!p0 $0x1C05  }
0x2bd: {  	[timem:s3], [sflag:s2] =	dma.local @!p0 [hbm:s0], s1  }
0x2be: {  	s0 =	simm.s32 @!p0 $0x5  }
0x2bf: {  	_ =	swait.ge @!p0 [sflag:s0], s1  }
0x2c0: {  	s1 =	ssub.s32 @!p0 $0x0, s1;
	[sflag:s0] =	ssyncset.done @!p0 $0x0  }
0x2c1: {  	[sflag:s0] =	ssyncadd.s32 @!p0 s1  }
0x2c2: {  	[bflag:$0x3] =	sbarrier.arrive $0xFFFF  }
0x2c3: {  	_ =	shalt  }

</sc_bundles>
